<compile_context>
chip_gen: v7x
topology: tpu7x:2x2x1
jax: 0.10.2.dev20260603
libtpu: 0.0.44.dev20260713+nightly
codegen_flags: <defaults>
</compile_context>

<pallas_src>
import functools

import jax
import jax.numpy as jnp
from jax import lax
from jax.experimental import pallas as pl
from jax.experimental.pallas import tpu as pltpu
from jax.experimental.pallas import tpu_sc as plsc

N = 10000
E = 320000
D = 128
NC = 2
NS = 16
NW = NC * NS
GROUP = 128
G = 2560
EPAD = G * GROUP
GPT = G // NW
NACC = 10240
RPT = NACC // NS
ZROWS = 128
LANES = 16

_mesh = plsc.VectorSubcoreMesh(
    core_axis_name="c", subcore_axis_name="s", num_cores=NC, num_subcores=NS
)


DEGW = 128


@functools.partial(
    pl.kernel,
    out_type=jax.ShapeDtypeStruct((NC, NACC, DEGW), jnp.float32),
    mesh=_mesh,
    scratch_types=[
        pltpu.VMEM((GPT, GROUP), jnp.int32),
        pltpu.VMEM((ZROWS, DEGW), jnp.float32),
        pltpu.VMEM_SHARED((NACC, DEGW), jnp.float32),
    ],
)
def _deg_kernel(dstg_hbm, out_hbm, dst_v, buf_v, acc_sh):
    c = lax.axis_index("c")
    s = lax.axis_index("s")
    wid = s * NC + c
    pltpu.sync_copy(dstg_hbm.at[pl.ds(wid * GPT, GPT)], dst_v)

    zvec = jnp.zeros((LANES,), jnp.float32)
    ovec = jnp.ones((LANES,), jnp.float32)

    def fill_zero(i, carry):
        for j in range(DEGW // LANES):
            buf_v[i, pl.ds(j * LANES, LANES)] = zvec
        return carry

    lax.fori_loop(0, ZROWS, fill_zero, 0)
    for k in range(RPT // ZROWS):
        pltpu.sync_copy(buf_v, acc_sh.at[pl.ds(s * RPT + k * ZROWS, ZROWS)])
    plsc.subcore_barrier()

    def fill_ones(i, carry):
        for j in range(DEGW // LANES):
            buf_v[i, pl.ds(j * LANES, LANES)] = ovec
        return carry

    lax.fori_loop(0, ZROWS, fill_ones, 0)

    def edge_body(i, carry):
        pltpu.sync_copy(buf_v, acc_sh.at[dst_v.at[i]], add=True)
        return carry

    lax.fori_loop(0, GPT, edge_body, 0)
    plsc.subcore_barrier()
    for k in range(RPT // ZROWS):
        r0 = s * RPT + k * ZROWS
        pltpu.sync_copy(acc_sh.at[pl.ds(r0, ZROWS)],
                        out_hbm.at[c, pl.ds(r0, ZROWS)])


CG = 40
F0 = 40
F1 = 2 * GPT - F0


@functools.partial(
    pl.kernel,
    out_type=jax.ShapeDtypeStruct((NC, NACC, D), jnp.float32),
    mesh=_mesh,
    scratch_types=[
        pltpu.VMEM((CG, GROUP), jnp.int32),
        pltpu.VMEM((CG, GROUP), jnp.int32),
        pltpu.VMEM((GROUP, D), jnp.float32),
        pltpu.VMEM((GROUP, D), jnp.float32),
        pltpu.VMEM_SHARED((NACC, D), jnp.float32),
        pltpu.SemaphoreType.DMA,
        pltpu.SemaphoreType.DMA,
        pltpu.SemaphoreType.DMA,
        pltpu.SemaphoreType.DMA,
    ],
)
def _scatter_kernel(table_hbm, srcg_hbm, dstg_hbm, out_hbm,
                    src_v, dst_v, r0_v, r1_v, acc_sh, g0, g1, s0, s1):
    c = lax.axis_index("c")
    s = lax.axis_index("s")
    wid = s * NC + c

    zvec = jnp.zeros((LANES,), jnp.float32)

    def zb(i, carry):
        for j in range(D // LANES):
            r0_v[i, pl.ds(j * LANES, LANES)] = zvec
        return carry

    lax.fori_loop(0, ZROWS, zb, 0)
    for k in range(RPT // ZROWS):
        pltpu.sync_copy(r0_v, acc_sh.at[pl.ds(s * RPT + k * ZROWS, ZROWS)])
    plsc.subcore_barrier()

    start = jnp.where(c == 0, s * F0, NS * F0 + s * F1)
    nch = jnp.where(c == 0, F0 // CG, F1 // CG)

    def chunk_body(k, chunk_carry):
        off = pl.multiple_of(start + k * CG, 8)
        pltpu.sync_copy(srcg_hbm.at[pl.ds(off, CG)], src_v)
        pltpu.sync_copy(dstg_hbm.at[pl.ds(off, CG)], dst_v)
        pltpu.async_copy(table_hbm.at[src_v.at[0]], r0_v, g0)
        pltpu.async_copy(table_hbm.at[src_v.at[1]], r1_v, g1)

        def pair_body(j, carry, rows=(r0_v, r1_v), gsem=(g0, g1), ssem=(s0, s1)):
            for lane in range(2):
                i = 2 * j + lane
                rv, gs, ss = rows[lane], gsem[lane], ssem[lane]
                pltpu.make_async_copy(table_hbm.at[src_v.at[i]], rv, gs).wait()
                pltpu.async_copy(rv, acc_sh.at[dst_v.at[i]], ss, add=True)

                @pl.when(j < CG // 2 - 1)
                def _():
                    pltpu.make_async_copy(rv, acc_sh.at[dst_v.at[i]], ss).wait()
                    pltpu.async_copy(table_hbm.at[src_v.at[i + 2]], rv, gs)
            return carry

        lax.fori_loop(0, CG // 2, pair_body, 0)
        pltpu.make_async_copy(r0_v, acc_sh.at[dst_v.at[CG - 2]], s0).wait()
        pltpu.make_async_copy(r1_v, acc_sh.at[dst_v.at[CG - 1]], s1).wait()
        return chunk_carry

    lax.fori_loop(0, nch, chunk_body, 0)
    plsc.subcore_barrier()

    for k in range(RPT // ZROWS):
        r0 = s * RPT + k * ZROWS
        pltpu.sync_copy(acc_sh.at[pl.ds(r0, ZROWS)],
                        out_hbm.at[c, pl.ds(r0, ZROWS)])


RB = 1000


def _mm1_body(x_ref, w_ref, dv_ref, o_ref):
    o_ref[...] = (
        jnp.dot(x_ref[...], w_ref[...], preferred_element_type=jnp.float32)
        * dv_ref[...]
    )


def _mm1(x, W1, dinvM):
    return pl.pallas_call(
        _mm1_body,
        grid=(N // RB,),
        in_specs=[
            pl.BlockSpec((RB, D), lambda i: (i, 0)),
            pl.BlockSpec((D, D), lambda i: (0, 0)),
            pl.BlockSpec((RB, D), lambda i: (i, 0)),
        ],
        out_specs=pl.BlockSpec((RB, D), lambda i: (i, 0)),
        out_shape=jax.ShapeDtypeStruct((N, D), jnp.float32),
    )(x, W1, dinvM)


def _ew1_body(p0_ref, p1_ref, hs_ref, dv_ref, b1_ref, o_ref):
    agg = dv_ref[...] * (p0_ref[...] + p1_ref[...] + hs_ref[...])
    o_ref[...] = jnp.maximum(agg + b1_ref[...], 0.0)


def _ew1(p0, p1, hs, dinvM, b1):
    return pl.pallas_call(
        _ew1_body,
        grid=(N // RB,),
        in_specs=[
            pl.BlockSpec((RB, D), lambda i: (i, 0)),
            pl.BlockSpec((RB, D), lambda i: (i, 0)),
            pl.BlockSpec((RB, D), lambda i: (i, 0)),
            pl.BlockSpec((RB, D), lambda i: (i, 0)),
            pl.BlockSpec((1, D), lambda i: (0, 0)),
        ],
        out_specs=pl.BlockSpec((RB, D), lambda i: (i, 0)),
        out_shape=jax.ShapeDtypeStruct((N, D), jnp.float32),
    )(p0, p1, hs, dinvM, b1)


D_MID = 64
D_OUT = 16


def _mlp_body(p0_ref, p1_ref, h1_ref, Wl_ref, Wr_ref, bS_ref,
              Wa_ref, ba_ref, Wb_ref, bb_ref, Wc_ref, bc_ref, o_ref):
    nb = p0_ref[...] + p1_ref[...]
    h2 = jnp.maximum(
        jnp.dot(nb, Wl_ref[...], preferred_element_type=jnp.float32)
        + jnp.dot(h1_ref[...], Wr_ref[...], preferred_element_type=jnp.float32)
        + bS_ref[...],
        0.0,
    )
    z = jnp.maximum(
        jnp.dot(h2, Wa_ref[...], preferred_element_type=jnp.float32)
        + ba_ref[...],
        0.0,
    )
    z = jnp.maximum(
        jnp.dot(z, Wb_ref[...], preferred_element_type=jnp.float32)
        + bb_ref[...],
        0.0,
    )
    o_ref[...] = (
        jnp.dot(z, Wc_ref[...], preferred_element_type=jnp.float32)
        + bc_ref[...]
    )


def _mlp(p0, p1, h1, Wl, Wr, bS, Wa, ba, Wb, bb, Wc, bc):
    row = lambda i: (i, 0)
    fix = lambda i: (0, 0)
    return pl.pallas_call(
        _mlp_body,
        grid=(N // RB,),
        in_specs=[
            pl.BlockSpec((RB, D), row),
            pl.BlockSpec((RB, D), row),
            pl.BlockSpec((RB, D), row),
            pl.BlockSpec((D, D), fix),
            pl.BlockSpec((D, D), fix),
            pl.BlockSpec((1, D), fix),
            pl.BlockSpec((D, D_MID), fix),
            pl.BlockSpec((1, D_MID), fix),
            pl.BlockSpec((D_MID, D), fix),
            pl.BlockSpec((1, D), fix),
            pl.BlockSpec((D, D_OUT), fix),
            pl.BlockSpec((1, D_OUT), fix),
        ],
        out_specs=pl.BlockSpec((RB, D_OUT), row),
        out_shape=jax.ShapeDtypeStruct((N, D_OUT), jnp.float32),
    )(p0, p1, h1, Wl, Wr, bS, Wa, ba, Wb, bb, Wc, bc)


def kernel(x, edge_index, W1, b1, Wl, Wr, bS, Wa, ba, Wb, bb, Wc, bc):
    src = edge_index[0]
    dst = edge_index[1]
    pad = EPAD - E
    srcg = jnp.concatenate([src, jnp.zeros((pad,), jnp.int32)]).reshape(G, GROUP)
    dstg = jnp.concatenate([dst, jnp.full((pad,), N, jnp.int32)]).reshape(G, GROUP)

    degp = _deg_kernel(dstg)
    deg = 1.0 + degp[0, :N, 0] + degp[1, :N, 0]
    dinv = lax.rsqrt(deg)
    dinvM = jnp.broadcast_to(dinv[:, None], (N, D))

    hs = _mm1(x, W1, dinvM)
    aggp = _scatter_kernel(hs, srcg, dstg)
    h1 = _ew1(aggp[0, :N], aggp[1, :N], hs, dinvM, b1.reshape(1, D))
    nbp = _scatter_kernel(h1, srcg, dstg)
    out = _mlp(nbp[0, :N], nbp[1, :N], h1,
               Wl, Wr, bS.reshape(1, D),
               Wa, ba.reshape(1, D_MID),
               Wb, bb.reshape(1, D),
               Wc, bc.reshape(1, D_OUT))
    return out

# --- scband reference (transcript-rebuilt; emitter-appended) ---
"""Pipeline reference for scband-simple-gnn-57947698758275 (READ-ONLY COPY).

The authoritative reference and input builder live on the scoring server;
editing this copy changes nothing except your own understanding.
"""

import jax, jax.numpy as jnp
import numpy as np

N = 10000
E = 320000
D_IN = 128
D_HID = 128
D_OUT = 16

def setup_inputs(seed: int = 0) -> dict:
    key = jax.random.key(seed)
    ks = jax.random.split(key, 16)
    x = jax.random.normal(ks[0], (N, D_IN), dtype=jnp.float32)
    edge_index = jax.random.randint(ks[1], (2, E), 0, N, dtype=jnp.int32)
    W1 = jax.random.normal(ks[2], (D_IN, D_HID), dtype=jnp.float32) * 0.05
    b1 = jnp.zeros((D_HID,), dtype=jnp.float32)
    Wl = jax.random.normal(ks[3], (D_HID, D_HID), dtype=jnp.float32) * 0.05
    Wr = jax.random.normal(ks[4], (D_HID, D_HID), dtype=jnp.float32) * 0.05
    bS = jnp.zeros((D_HID,), dtype=jnp.float32)
    Wa = jax.random.normal(ks[5], (D_HID, 64), dtype=jnp.float32) * 0.05
    ba = jnp.zeros((64,), dtype=jnp.float32)
    Wb = jax.random.normal(ks[6], (64, 128), dtype=jnp.float32) * 0.05
    bb = jnp.zeros((128,), dtype=jnp.float32)
    Wc = jax.random.normal(ks[7], (128, D_OUT), dtype=jnp.float32) * 0.05
    bc = jnp.zeros((D_OUT,), dtype=jnp.float32)
    return {"x": x, "edge_index": edge_index, "W1": W1, "b1": b1, "Wl": Wl, "Wr": Wr, "bS": bS, "Wa": Wa, "ba": ba, "Wb": Wb, "bb": bb, "Wc": Wc, "bc": bc}

def reference(x, edge_index, W1, b1, Wl, Wr, bS, Wa, ba, Wb, bb, Wc, bc):
    n = x.shape[0]
    src = edge_index[0]
    dst = edge_index[1]
    # ---- GCNConv(input_dim, hidden_dim): lin -> add self loops -> sym norm -> scatter-add -> bias ----
    h = x @ W1
    loop = jnp.arange(n, dtype=src.dtype)
    src2 = jnp.concatenate([src, loop])
    dst2 = jnp.concatenate([dst, loop])
    deg = jnp.zeros((n,), dtype=jnp.float32).at[dst2].add(1.0)
    dinv = jnp.where(deg > 0, jax.lax.rsqrt(deg), 0.0)
    norm = dinv[src2] * dinv[dst2]
    msg = h[src2] * norm[:, None]
    agg = jnp.zeros((n, h.shape[1]), dtype=jnp.float32).at[dst2].add(msg)
    h1 = jax.nn.relu(agg + b1)
    # dropout is identity in eval mode
    # ---- SAGEConv(hidden_dim, hidden_dim, aggr='sum') ----
    nb = jnp.zeros((n, h1.shape[1]), dtype=jnp.float32).at[dst].add(h1[src])
    h2 = jax.nn.relu(nb @ Wl + h1 @ Wr + bS)
    # ---- Classifier MLP ----
    z = jax.nn.relu(h2 @ Wa + ba)
    z = jax.nn.relu(z @ Wb + bb)
    out = z @ Wc + bc
    return out

if __name__ == "__main__":
    import jax
    _d = setup_inputs()
    print(jax.jit(kernel)(*tuple(_d.values())))

</pallas_src>

<mosaic_0001>
#map = affine_map<(d0, d1) -> (0, 0)>
#map1 = affine_map<(d0, d1) -> (0, 0, 0)>
module attributes {stable_mosaic.version = 14 : i64} {
  func.func @_deg_kernel(%arg0: i32, %arg1: i32, %arg2: memref<2560x128xi32, #tpu.memory_space<hbm>>, %arg3: memref<2x10240x128xf32, #tpu.memory_space<hbm>>, %arg4: memref<80x128xi32, #tpu.memory_space<vmem>>, %arg5: memref<128x128xf32, #tpu.memory_space<vmem>>, %arg6: memref<10240x128xf32, #tpu.memory_space<vmem_shared>>) attributes {dimension_semantics = [#tpu.dimension_semantics<core_parallel>, #tpu.dimension_semantics<subcore_parallel>], iteration_bounds = array<i64: 2, 16>, scalar_prefetch = 0 : i64, scratch_operands = 3 : i64, tpu.core_type = #tpu.core_type<sc_vector_subcore>, window_params = [{transform_indices = #map}, {transform_indices = #map1}]} {
    %mul3A = arith.constant 2 : i32
    %mul3A_0 = arith.muli %arg1, %mul3A : i32
    %add3A = arith.addi %mul3A_0, %arg0 : i32
    %mul3A_1 = arith.constant 80 : i32
    %mul3A_2 = arith.muli %add3A, %mul3A_1 : i32
    "tpu.region"() ({
      %run_scoped3A = tpu.sem_alloc : memref<!tpu.dma_semaphore, #tpu.memory_space<semaphore_mem>>
      %dma_start3A = arith.constant 0 : i32
      %dma_start3A_64 = tpu.memref_slice %arg2[%mul3A_2, %dma_start3A] : memref<2560x128xi32, #tpu.memory_space<hbm>> -> memref<80x128xi32, #tpu.memory_space<hbm>>
      %dma_start3A_65 = arith.constant 0 : i32
      %dma_start3A_66 = tpu.memref_slice %arg2[%mul3A_2, %dma_start3A_65] : memref<2560x128xi32, #tpu.memory_space<hbm>> -> memref<80x128xi32, #tpu.memory_space<hbm>>
      tpu.enqueue_dma source(%dma_start3A_66 : memref<80x128xi32, #tpu.memory_space<hbm>>) target(%arg4 : memref<80x128xi32, #tpu.memory_space<vmem>>) target_semaphore(%run_scoped3A : memref<!tpu.dma_semaphore, #tpu.memory_space<semaphore_mem>>)
      %dma_wait3A = arith.constant 0 : i32
      %dma_wait3A_67 = tpu.memref_slice %arg2[%mul3A_2, %dma_wait3A] : memref<2560x128xi32, #tpu.memory_space<hbm>> -> memref<80x128xi32, #tpu.memory_space<hbm>>
      %dma_wait3A_68 = arith.constant 0 : i32
      %dma_wait3A_69 = tpu.memref_slice %arg2[%mul3A_2, %dma_wait3A_68] : memref<2560x128xi32, #tpu.memory_space<hbm>> -> memref<80x128xi32, #tpu.memory_space<hbm>>
      tpu.wait_dma2 semaphore(%run_scoped3A : memref<!tpu.dma_semaphore, #tpu.memory_space<semaphore_mem>>) src(%dma_wait3A_69 : memref<80x128xi32, #tpu.memory_space<hbm>>) dst(%arg4 : memref<80x128xi32, #tpu.memory_space<vmem>>)
      tpu.yield
    }) : () -> ()
    %broadcast_in_dim3A = arith.constant 0.000000e+00 : f32
    %broadcast_in_dim3A_3 = vector.broadcast %broadcast_in_dim3A : f32 to vector<16xf32>
    %broadcast_in_dim3A_4 = arith.constant 1.000000e+00 : f32
    %broadcast_in_dim3A_5 = vector.broadcast %broadcast_in_dim3A_4 : f32 to vector<16xf32>
    %scan3A = arith.constant 0 : i32
    %scan3A_6 = arith.constant 0 : i32
    %scan3A_7 = arith.constant 128 : i32
    %scan3A_8 = arith.addi %scan3A_6, %scan3A_7 : i32
    %scan3A_9 = arith.constant 1 : i32
    scf.for %scan3A_64 = %scan3A_6 to %scan3A_8 step %scan3A_9  : i32 {
      %swap3A = arith.index_cast %scan3A_64 : i32 to index
      %swap3A_65 = arith.constant 0 : index
      %swap3A_66 = tpu.vector_load %arg5[%swap3A, %swap3A_65] {strides = array<i32>} : memref<128x128xf32, #tpu.memory_space<vmem>>, vector<1x16xf32>,
      %swap3A_67 = vector.shape_cast %swap3A_66 : vector<1x16xf32> to vector<16xf32>
      %swap3A_68 = vector.shape_cast %broadcast_in_dim3A_3 : vector<16xf32> to vector<1x16xf32>
      tpu.vector_store %arg5[%swap3A, %swap3A_65], %swap3A_68 {strides = array<i32>} : memref<128x128xf32, #tpu.memory_space<vmem>>, vector<1x16xf32>,
      %swap3A_69 = arith.index_cast %scan3A_64 : i32 to index
      %swap3A_70 = arith.constant 16 : index
      %swap3A_71 = tpu.vector_load %arg5[%swap3A_69, %swap3A_70] {strides = array<i32>} : memref<128x128xf32, #tpu.memory_space<vmem>>, vector<1x16xf32>,
      %swap3A_72 = vector.shape_cast %swap3A_71 : vector<1x16xf32> to vector<16xf32>
      %swap3A_73 = vector.shape_cast %broadcast_in_dim3A_3 : vector<16xf32> to vector<1x16xf32>
      tpu.vector_store %arg5[%swap3A_69, %swap3A_70], %swap3A_73 {strides = array<i32>} : memref<128x128xf32, #tpu.memory_space<vmem>>, vector<1x16xf32>,
      %swap3A_74 = arith.index_cast %scan3A_64 : i32 to index
      %swap3A_75 = arith.constant 32 : index
      %swap3A_76 = tpu.vector_load %arg5[%swap3A_74, %swap3A_75] {strides = array<i32>} : memref<128x128xf32, #tpu.memory_space<vmem>>, vector<1x16xf32>,
      %swap3A_77 = vector.shape_cast %swap3A_76 : vector<1x16xf32> to vector<16xf32>
      %swap3A_78 = vector.shape_cast %broadcast_in_dim3A_3 : vector<16xf32> to vector<1x16xf32>
      tpu.vector_store %arg5[%swap3A_74, %swap3A_75], %swap3A_78 {strides = array<i32>} : memref<128x128xf32, #tpu.memory_space<vmem>>, vector<1x16xf32>,
      %swap3A_79 = arith.index_cast %scan3A_64 : i32 to index
      %swap3A_80 = arith.constant 48 : index
      %swap3A_81 = tpu.vector_load %arg5[%swap3A_79, %swap3A_80] {strides = array<i32>} : memref<128x128xf32, #tpu.memory_space<vmem>>, vector<1x16xf32>,
      %swap3A_82 = vector.shape_cast %swap3A_81 : vector<1x16xf32> to vector<16xf32>
      %swap3A_83 = vector.shape_cast %broadcast_in_dim3A_3 : vector<16xf32> to vector<1x16xf32>
      tpu.vector_store %arg5[%swap3A_79, %swap3A_80], %swap3A_83 {strides = array<i32>} : memref<128x128xf32, #tpu.memory_space<vmem>>, vector<1x16xf32>,
      %swap3A_84 = arith.index_cast %scan3A_64 : i32 to index
      %swap3A_85 = arith.constant 64 : index
      %swap3A_86 = tpu.vector_load %arg5[%swap3A_84, %swap3A_85] {strides = array<i32>} : memref<128x128xf32, #tpu.memory_space<vmem>>, vector<1x16xf32>,
      %swap3A_87 = vector.shape_cast %swap3A_86 : vector<1x16xf32> to vector<16xf32>
      %swap3A_88 = vector.shape_cast %broadcast_in_dim3A_3 : vector<16xf32> to vector<1x16xf32>
      tpu.vector_store %arg5[%swap3A_84, %swap3A_85], %swap3A_88 {strides = array<i32>} : memref<128x128xf32, #tpu.memory_space<vmem>>, vector<1x16xf32>,
      %swap3A_89 = arith.index_cast %scan3A_64 : i32 to index
      %swap3A_90 = arith.constant 80 : index
      %swap3A_91 = tpu.vector_load %arg5[%swap3A_89, %swap3A_90] {strides = array<i32>} : memref<128x128xf32, #tpu.memory_space<vmem>>, vector<1x16xf32>,
      %swap3A_92 = vector.shape_cast %swap3A_91 : vector<1x16xf32> to vector<16xf32>
      %swap3A_93 = vector.shape_cast %broadcast_in_dim3A_3 : vector<16xf32> to vector<1x16xf32>
      tpu.vector_store %arg5[%swap3A_89, %swap3A_90], %swap3A_93 {strides = array<i32>} : memref<128x128xf32, #tpu.memory_space<vmem>>, vector<1x16xf32>,
      %swap3A_94 = arith.index_cast %scan3A_64 : i32 to index
      %swap3A_95 = arith.constant 96 : index
      %swap3A_96 = tpu.vector_load %arg5[%swap3A_94, %swap3A_95] {strides = array<i32>} : memref<128x128xf32, #tpu.memory_space<vmem>>, vector<1x16xf32>,
      %swap3A_97 = vector.shape_cast %swap3A_96 : vector<1x16xf32> to vector<16xf32>
      %swap3A_98 = vector.shape_cast %broadcast_in_dim3A_3 : vector<16xf32> to vector<1x16xf32>
      tpu.vector_store %arg5[%swap3A_94, %swap3A_95], %swap3A_98 {strides = array<i32>} : memref<128x128xf32, #tpu.memory_space<vmem>>, vector<1x16xf32>,
      %swap3A_99 = arith.index_cast %scan3A_64 : i32 to index
      %swap3A_100 = arith.constant 112 : index
      %swap3A_101 = tpu.vector_load %arg5[%swap3A_99, %swap3A_100] {strides = array<i32>} : memref<128x128xf32, #tpu.memory_space<vmem>>, vector<1x16xf32>,
      %swap3A_102 = vector.shape_cast %swap3A_101 : vector<1x16xf32> to vector<16xf32>
      %swap3A_103 = vector.shape_cast %broadcast_in_dim3A_3 : vector<16xf32> to vector<1x16xf32>
      tpu.vector_store %arg5[%swap3A_99, %swap3A_100], %swap3A_103 {strides = array<i32>} : memref<128x128xf32, #tpu.memory_space<vmem>>, vector<1x16xf32>,
    }
    %scan3A_10 = arith.constant 128 : i32
    %mul3A_11 = arith.constant 640 : i32
    %mul3A_12 = arith.muli %arg1, %mul3A_11 : i32
    %add3A_13 = arith.constant 0 : i32
    %add3A_14 = arith.addi %mul3A_12, %add3A_13 : i32
    "tpu.region"() ({
      %run_scoped3A = tpu.sem_alloc : memref<!tpu.dma_semaphore, #tpu.memory_space<semaphore_mem>>
      %dma_start3A = arith.constant 0 : i32
      %dma_start3A_64 = tpu.memref_slice %arg6[%add3A_14, %dma_start3A] : memref<10240x128xf32, #tpu.memory_space<vmem_shared>> -> memref<128x128xf32, #tpu.memory_space<vmem_shared>>
      %dma_start3A_65 = arith.constant 0 : i32
      %dma_start3A_66 = tpu.memref_slice %arg6[%add3A_14, %dma_start3A_65] : memref<10240x128xf32, #tpu.memory_space<vmem_shared>> -> memref<128x128xf32, #tpu.memory_space<vmem_shared>>
      tpu.enqueue_dma source(%arg5 : memref<128x128xf32, #tpu.memory_space<vmem>>) target(%dma_start3A_66 : memref<128x128xf32, #tpu.memory_space<vmem_shared>>) target_semaphore(%run_scoped3A : memref<!tpu.dma_semaphore, #tpu.memory_space<semaphore_mem>>)
      %dma_wait3A = arith.constant 0 : i32
      %dma_wait3A_67 = tpu.memref_slice %arg6[%add3A_14, %dma_wait3A] : memref<10240x128xf32, #tpu.memory_space<vmem_shared>> -> memref<128x128xf32, #tpu.memory_space<vmem_shared>>
      %dma_wait3A_68 = arith.constant 0 : i32
      %dma_wait3A_69 = tpu.memref_slice %arg6[%add3A_14, %dma_wait3A_68] : memref<10240x128xf32, #tpu.memory_space<vmem_shared>> -> memref<128x128xf32, #tpu.memory_space<vmem_shared>>
      tpu.wait_dma2 semaphore(%run_scoped3A : memref<!tpu.dma_semaphore, #tpu.memory_space<semaphore_mem>>) src(%arg5 : memref<128x128xf32, #tpu.memory_space<vmem>>) dst(%dma_wait3A_69 : memref<128x128xf32, #tpu.memory_space<vmem_shared>>)
      tpu.yield
    }) : () -> ()
    %mul3A_15 = arith.constant 640 : i32
    %mul3A_16 = arith.muli %arg1, %mul3A_15 : i32
    %add3A_17 = arith.constant 128 : i32
    %add3A_18 = arith.addi %mul3A_16, %add3A_17 : i32
    "tpu.region"() ({
      %run_scoped3A = tpu.sem_alloc : memref<!tpu.dma_semaphore, #tpu.memory_space<semaphore_mem>>
      %dma_start3A = arith.constant 0 : i32
      %dma_start3A_64 = tpu.memref_slice %arg6[%add3A_18, %dma_start3A] : memref<10240x128xf32, #tpu.memory_space<vmem_shared>> -> memref<128x128xf32, #tpu.memory_space<vmem_shared>>
      %dma_start3A_65 = arith.constant 0 : i32
      %dma_start3A_66 = tpu.memref_slice %arg6[%add3A_18, %dma_start3A_65] : memref<10240x128xf32, #tpu.memory_space<vmem_shared>> -> memref<128x128xf32, #tpu.memory_space<vmem_shared>>
      tpu.enqueue_dma source(%arg5 : memref<128x128xf32, #tpu.memory_space<vmem>>) target(%dma_start3A_66 : memref<128x128xf32, #tpu.memory_space<vmem_shared>>) target_semaphore(%run_scoped3A : memref<!tpu.dma_semaphore, #tpu.memory_space<semaphore_mem>>)
      %dma_wait3A = arith.constant 0 : i32
      %dma_wait3A_67 = tpu.memref_slice %arg6[%add3A_18, %dma_wait3A] : memref<10240x128xf32, #tpu.memory_space<vmem_shared>> -> memref<128x128xf32, #tpu.memory_space<vmem_shared>>
      %dma_wait3A_68 = arith.constant 0 : i32
      %dma_wait3A_69 = tpu.memref_slice %arg6[%add3A_18, %dma_wait3A_68] : memref<10240x128xf32, #tpu.memory_space<vmem_shared>> -> memref<128x128xf32, #tpu.memory_space<vmem_shared>>
      tpu.wait_dma2 semaphore(%run_scoped3A : memref<!tpu.dma_semaphore, #tpu.memory_space<semaphore_mem>>) src(%arg5 : memref<128x128xf32, #tpu.memory_space<vmem>>) dst(%dma_wait3A_69 : memref<128x128xf32, #tpu.memory_space<vmem_shared>>)
      tpu.yield
    }) : () -> ()
    %mul3A_19 = arith.constant 640 : i32
    %mul3A_20 = arith.muli %arg1, %mul3A_19 : i32
    %add3A_21 = arith.constant 256 : i32
    %add3A_22 = arith.addi %mul3A_20, %add3A_21 : i32
    "tpu.region"() ({
      %run_scoped3A = tpu.sem_alloc : memref<!tpu.dma_semaphore, #tpu.memory_space<semaphore_mem>>
      %dma_start3A = arith.constant 0 : i32
      %dma_start3A_64 = tpu.memref_slice %arg6[%add3A_22, %dma_start3A] : memref<10240x128xf32, #tpu.memory_space<vmem_shared>> -> memref<128x128xf32, #tpu.memory_space<vmem_shared>>
      %dma_start3A_65 = arith.constant 0 : i32
      %dma_start3A_66 = tpu.memref_slice %arg6[%add3A_22, %dma_start3A_65] : memref<10240x128xf32, #tpu.memory_space<vmem_shared>> -> memref<128x128xf32, #tpu.memory_space<vmem_shared>>
      tpu.enqueue_dma source(%arg5 : memref<128x128xf32, #tpu.memory_space<vmem>>) target(%dma_start3A_66 : memref<128x128xf32, #tpu.memory_space<vmem_shared>>) target_semaphore(%run_scoped3A : memref<!tpu.dma_semaphore, #tpu.memory_space<semaphore_mem>>)
      %dma_wait3A = arith.constant 0 : i32
      %dma_wait3A_67 = tpu.memref_slice %arg6[%add3A_22, %dma_wait3A] : memref<10240x128xf32, #tpu.memory_space<vmem_shared>> -> memref<128x128xf32, #tpu.memory_space<vmem_shared>>
      %dma_wait3A_68 = arith.constant 0 : i32
      %dma_wait3A_69 = tpu.memref_slice %arg6[%add3A_22, %dma_wait3A_68] : memref<10240x128xf32, #tpu.memory_space<vmem_shared>> -> memref<128x128xf32, #tpu.memory_space<vmem_shared>>
      tpu.wait_dma2 semaphore(%run_scoped3A : memref<!tpu.dma_semaphore, #tpu.memory_space<semaphore_mem>>) src(%arg5 : memref<128x128xf32, #tpu.memory_space<vmem>>) dst(%dma_wait3A_69 : memref<128x128xf32, #tpu.memory_space<vmem_shared>>)
      tpu.yield
    }) : () -> ()
    %mul3A_23 = arith.constant 640 : i32
    %mul3A_24 = arith.muli %arg1, %mul3A_23 : i32
    %add3A_25 = arith.constant 384 : i32
    %add3A_26 = arith.addi %mul3A_24, %add3A_25 : i32
    "tpu.region"() ({
      %run_scoped3A = tpu.sem_alloc : memref<!tpu.dma_semaphore, #tpu.memory_space<semaphore_mem>>
      %dma_start3A = arith.constant 0 : i32
      %dma_start3A_64 = tpu.memref_slice %arg6[%add3A_26, %dma_start3A] : memref<10240x128xf32, #tpu.memory_space<vmem_shared>> -> memref<128x128xf32, #tpu.memory_space<vmem_shared>>
      %dma_start3A_65 = arith.constant 0 : i32
      %dma_start3A_66 = tpu.memref_slice %arg6[%add3A_26, %dma_start3A_65] : memref<10240x128xf32, #tpu.memory_space<vmem_shared>> -> memref<128x128xf32, #tpu.memory_space<vmem_shared>>
      tpu.enqueue_dma source(%arg5 : memref<128x128xf32, #tpu.memory_space<vmem>>) target(%dma_start3A_66 : memref<128x128xf32, #tpu.memory_space<vmem_shared>>) target_semaphore(%run_scoped3A : memref<!tpu.dma_semaphore, #tpu.memory_space<semaphore_mem>>)
      %dma_wait3A = arith.constant 0 : i32
      %dma_wait3A_67 = tpu.memref_slice %arg6[%add3A_26, %dma_wait3A] : memref<10240x128xf32, #tpu.memory_space<vmem_shared>> -> memref<128x128xf32, #tpu.memory_space<vmem_shared>>
      %dma_wait3A_68 = arith.constant 0 : i32
      %dma_wait3A_69 = tpu.memref_slice %arg6[%add3A_26, %dma_wait3A_68] : memref<10240x128xf32, #tpu.memory_space<vmem_shared>> -> memref<128x128xf32, #tpu.memory_space<vmem_shared>>
      tpu.wait_dma2 semaphore(%run_scoped3A : memref<!tpu.dma_semaphore, #tpu.memory_space<semaphore_mem>>) src(%arg5 : memref<128x128xf32, #tpu.memory_space<vmem>>) dst(%dma_wait3A_69 : memref<128x128xf32, #tpu.memory_space<vmem_shared>>)
      tpu.yield
    }) : () -> ()
    %mul3A_27 = arith.constant 640 : i32
    %mul3A_28 = arith.muli %arg1, %mul3A_27 : i32
    %add3A_29 = arith.constant 512 : i32
    %add3A_30 = arith.addi %mul3A_28, %add3A_29 : i32
    "tpu.region"() ({
      %run_scoped3A = tpu.sem_alloc : memref<!tpu.dma_semaphore, #tpu.memory_space<semaphore_mem>>
      %dma_start3A = arith.constant 0 : i32
      %dma_start3A_64 = tpu.memref_slice %arg6[%add3A_30, %dma_start3A] : memref<10240x128xf32, #tpu.memory_space<vmem_shared>> -> memref<128x128xf32, #tpu.memory_space<vmem_shared>>
      %dma_start3A_65 = arith.constant 0 : i32
      %dma_start3A_66 = tpu.memref_slice %arg6[%add3A_30, %dma_start3A_65] : memref<10240x128xf32, #tpu.memory_space<vmem_shared>> -> memref<128x128xf32, #tpu.memory_space<vmem_shared>>
      tpu.enqueue_dma source(%arg5 : memref<128x128xf32, #tpu.memory_space<vmem>>) target(%dma_start3A_66 : memref<128x128xf32, #tpu.memory_space<vmem_shared>>) target_semaphore(%run_scoped3A : memref<!tpu.dma_semaphore, #tpu.memory_space<semaphore_mem>>)
      %dma_wait3A = arith.constant 0 : i32
      %dma_wait3A_67 = tpu.memref_slice %arg6[%add3A_30, %dma_wait3A] : memref<10240x128xf32, #tpu.memory_space<vmem_shared>> -> memref<128x128xf32, #tpu.memory_space<vmem_shared>>
      %dma_wait3A_68 = arith.constant 0 : i32
      %dma_wait3A_69 = tpu.memref_slice %arg6[%add3A_30, %dma_wait3A_68] : memref<10240x128xf32, #tpu.memory_space<vmem_shared>> -> memref<128x128xf32, #tpu.memory_space<vmem_shared>>
      tpu.wait_dma2 semaphore(%run_scoped3A : memref<!tpu.dma_semaphore, #tpu.memory_space<semaphore_mem>>) src(%arg5 : memref<128x128xf32, #tpu.memory_space<vmem>>) dst(%dma_wait3A_69 : memref<128x128xf32, #tpu.memory_space<vmem_shared>>)
      tpu.yield
    }) : () -> ()
    %barrier3A = arith.constant 0 : index
    tpu.barrier barrier_id(%barrier3A)
    %scan3A_31 = arith.constant 0 : i32
    %scan3A_32 = arith.constant 0 : i32
    %scan3A_33 = arith.constant 128 : i32
    %scan3A_34 = arith.addi %scan3A_32, %scan3A_33 : i32
    %scan3A_35 = arith.constant 1 : i32
    scf.for %scan3A_64 = %scan3A_32 to %scan3A_34 step %scan3A_35  : i32 {
      %swap3A = arith.index_cast %scan3A_64 : i32 to index
      %swap3A_65 = arith.constant 0 : index
      %swap3A_66 = tpu.vector_load %arg5[%swap3A, %swap3A_65] {strides = array<i32>} : memref<128x128xf32, #tpu.memory_space<vmem>>, vector<1x16xf32>,
      %swap3A_67 = vector.shape_cast %swap3A_66 : vector<1x16xf32> to vector<16xf32>
      %swap3A_68 = vector.shape_cast %broadcast_in_dim3A_5 : vector<16xf32> to vector<1x16xf32>
      tpu.vector_store %arg5[%swap3A, %swap3A_65], %swap3A_68 {strides = array<i32>} : memref<128x128xf32, #tpu.memory_space<vmem>>, vector<1x16xf32>,
      %swap3A_69 = arith.index_cast %scan3A_64 : i32 to index
      %swap3A_70 = arith.constant 16 : index
      %swap3A_71 = tpu.vector_load %arg5[%swap3A_69, %swap3A_70] {strides = array<i32>} : memref<128x128xf32, #tpu.memory_space<vmem>>, vector<1x16xf32>,
      %swap3A_72 = vector.shape_cast %swap3A_71 : vector<1x16xf32> to vector<16xf32>
      %swap3A_73 = vector.shape_cast %broadcast_in_dim3A_5 : vector<16xf32> to vector<1x16xf32>
      tpu.vector_store %arg5[%swap3A_69, %swap3A_70], %swap3A_73 {strides = array<i32>} : memref<128x128xf32, #tpu.memory_space<vmem>>, vector<1x16xf32>,
      %swap3A_74 = arith.index_cast %scan3A_64 : i32 to index
      %swap3A_75 = arith.constant 32 : index
      %swap3A_76 = tpu.vector_load %arg5[%swap3A_74, %swap3A_75] {strides = array<i32>} : memref<128x128xf32, #tpu.memory_space<vmem>>, vector<1x16xf32>,
      %swap3A_77 = vector.shape_cast %swap3A_76 : vector<1x16xf32> to vector<16xf32>
      %swap3A_78 = vector.shape_cast %broadcast_in_dim3A_5 : vector<16xf32> to vector<1x16xf32>
      tpu.vector_store %arg5[%swap3A_74, %swap3A_75], %swap3A_78 {strides = array<i32>} : memref<128x128xf32, #tpu.memory_space<vmem>>, vector<1x16xf32>,
      %swap3A_79 = arith.index_cast %scan3A_64 : i32 to index
      %swap3A_80 = arith.constant 48 : index
      %swap3A_81 = tpu.vector_load %arg5[%swap3A_79, %swap3A_80] {strides = array<i32>} : memref<128x128xf32, #tpu.memory_space<vmem>>, vector<1x16xf32>,
      %swap3A_82 = vector.shape_cast %swap3A_81 : vector<1x16xf32> to vector<16xf32>
      %swap3A_83 = vector.shape_cast %broadcast_in_dim3A_5 : vector<16xf32> to vector<1x16xf32>
      tpu.vector_store %arg5[%swap3A_79, %swap3A_80], %swap3A_83 {strides = array<i32>} : memref<128x128xf32, #tpu.memory_space<vmem>>, vector<1x16xf32>,
      %swap3A_84 = arith.index_cast %scan3A_64 : i32 to index
      %swap3A_85 = arith.constant 64 : index
      %swap3A_86 = tpu.vector_load %arg5[%swap3A_84, %swap3A_85] {strides = array<i32>} : memref<128x128xf32, #tpu.memory_space<vmem>>, vector<1x16xf32>,
      %swap3A_87 = vector.shape_cast %swap3A_86 : vector<1x16xf32> to vector<16xf32>
      %swap3A_88 = vector.shape_cast %broadcast_in_dim3A_5 : vector<16xf32> to vector<1x16xf32>
      tpu.vector_store %arg5[%swap3A_84, %swap3A_85], %swap3A_88 {strides = array<i32>} : memref<128x128xf32, #tpu.memory_space<vmem>>, vector<1x16xf32>,
      %swap3A_89 = arith.index_cast %scan3A_64 : i32 to index
      %swap3A_90 = arith.constant 80 : index
      %swap3A_91 = tpu.vector_load %arg5[%swap3A_89, %swap3A_90] {strides = array<i32>} : memref<128x128xf32, #tpu.memory_space<vmem>>, vector<1x16xf32>,
      %swap3A_92 = vector.shape_cast %swap3A_91 : vector<1x16xf32> to vector<16xf32>
      %swap3A_93 = vector.shape_cast %broadcast_in_dim3A_5 : vector<16xf32> to vector<1x16xf32>
      tpu.vector_store %arg5[%swap3A_89, %swap3A_90], %swap3A_93 {strides = array<i32>} : memref<128x128xf32, #tpu.memory_space<vmem>>, vector<1x16xf32>,
      %swap3A_94 = arith.index_cast %scan3A_64 : i32 to index
      %swap3A_95 = arith.constant 96 : index
      %swap3A_96 = tpu.vector_load %arg5[%swap3A_94, %swap3A_95] {strides = array<i32>} : memref<128x128xf32, #tpu.memory_space<vmem>>, vector<1x16xf32>,
      %swap3A_97 = vector.shape_cast %swap3A_96 : vector<1x16xf32> to vector<16xf32>
      %swap3A_98 = vector.shape_cast %broadcast_in_dim3A_5 : vector<16xf32> to vector<1x16xf32>
      tpu.vector_store %arg5[%swap3A_94, %swap3A_95], %swap3A_98 {strides = array<i32>} : memref<128x128xf32, #tpu.memory_space<vmem>>, vector<1x16xf32>,
      %swap3A_99 = arith.index_cast %scan3A_64 : i32 to index
      %swap3A_100 = arith.constant 112 : index
      %swap3A_101 = tpu.vector_load %arg5[%swap3A_99, %swap3A_100] {strides = array<i32>} : memref<128x128xf32, #tpu.memory_space<vmem>>, vector<1x16xf32>,
      %swap3A_102 = vector.shape_cast %swap3A_101 : vector<1x16xf32> to vector<16xf32>
      %swap3A_103 = vector.shape_cast %broadcast_in_dim3A_5 : vector<16xf32> to vector<1x16xf32>
      tpu.vector_store %arg5[%swap3A_99, %swap3A_100], %swap3A_103 {strides = array<i32>} : memref<128x128xf32, #tpu.memory_space<vmem>>, vector<1x16xf32>,
    }
    %scan3A_36 = arith.constant 128 : i32
    %scan3A_37 = arith.constant 0 : i32
    %scan3A_38 = arith.constant 0 : i32
    %scan3A_39 = arith.constant 80 : i32
    %scan3A_40 = arith.addi %scan3A_38, %scan3A_39 : i32
    %scan3A_41 = arith.constant 1 : i32
    scf.for %scan3A_64 = %scan3A_38 to %scan3A_40 step %scan3A_41  : i32 {
      "tpu.region"() ({
        %run_scoped3A = tpu.sem_alloc : memref<!tpu.dma_semaphore, #tpu.memory_space<semaphore_mem>>
        %dma_start3A = arith.constant 0 : i32
        %dma_start3A_65 = tpu.memref_slice %arg4[%scan3A_64, %dma_start3A] : memref<80x128xi32, #tpu.memory_space<vmem>> -> memref<1x128xi32, #tpu.memory_space<vmem>>
        %dma_start3A_66 = tpu.memref_squeeze %dma_start3A_65 : memref<1x128xi32, #tpu.memory_space<vmem>> -> memref<128xi32, #tpu.memory_space<vmem>>
        %dma_start3A_67 = arith.constant 0 : i32
        %dma_start3A_68 = arith.constant 0 : i32
        %dma_start3A_69 = tpu.memref_slice %arg6[%dma_start3A_67, %dma_start3A_68] : memref<10240x128xf32, #tpu.memory_space<vmem_shared>> -> memref<10240x128xf32, #tpu.memory_space<vmem_shared>>
        tpu.enqueue_indirect_dma source(%arg5 : memref<128x128xf32, #tpu.memory_space<vmem>>) target(%dma_start3A_69 : memref<10240x128xf32, #tpu.memory_space<vmem_shared>>) offsets(%dma_start3A_66 : memref<128xi32, #tpu.memory_space<vmem>>) semaphore(%run_scoped3A : memref<!tpu.dma_semaphore, #tpu.memory_space<semaphore_mem>>) {add = true}
        %dma_wait3A = arith.constant 0 : i32
        %dma_wait3A_70 = tpu.memref_slice %arg4[%scan3A_64, %dma_wait3A] : memref<80x128xi32, #tpu.memory_space<vmem>> -> memref<1x128xi32, #tpu.memory_space<vmem>>
        %dma_wait3A_71 = tpu.memref_squeeze %dma_wait3A_70 : memref<1x128xi32, #tpu.memory_space<vmem>> -> memref<128xi32, #tpu.memory_space<vmem>>
        %dma_wait3A_72 = arith.constant 0 : i32
        %dma_wait3A_73 = arith.constant 0 : i32
        %dma_wait3A_74 = tpu.memref_slice %arg6[%dma_wait3A_72, %dma_wait3A_73] : memref<10240x128xf32, #tpu.memory_space<vmem_shared>> -> memref<10240x128xf32, #tpu.memory_space<vmem_shared>>
        tpu.wait_indirect_dma semaphore(%run_scoped3A : memref<!tpu.dma_semaphore, #tpu.memory_space<semaphore_mem>>) src(%arg5 : memref<128x128xf32, #tpu.memory_space<vmem>>) dst(%dma_wait3A_74 : memref<10240x128xf32, #tpu.memory_space<vmem_shared>>)
        tpu.yield
      }) : () -> ()
    }
    %scan3A_42 = arith.constant 80 : i32
    %barrier3A_43 = arith.constant 0 : index
    tpu.barrier barrier_id(%barrier3A_43)
    %mul3A_44 = arith.constant 640 : i32
    %mul3A_45 = arith.muli %arg1, %mul3A_44 : i32
    %add3A_46 = arith.constant 0 : i32
    %add3A_47 = arith.addi %mul3A_45, %add3A_46 : i32
    "tpu.region"() ({
      %run_scoped3A = tpu.sem_alloc : memref<!tpu.dma_semaphore, #tpu.memory_space<semaphore_mem>>
      %dma_start3A = arith.constant 0 : i32
      %dma_start3A_64 = tpu.memref_slice %arg3[%arg0, %add3A_47, %dma_start3A] : memref<2x10240x128xf32, #tpu.memory_space<hbm>> -> memref<1x128x128xf32, #tpu.memory_space<hbm>>
      %dma_start3A_65 = tpu.memref_squeeze %dma_start3A_64 : memref<1x128x128xf32, #tpu.memory_space<hbm>> -> memref<128x128xf32, #tpu.memory_space<hbm>>
      %dma_start3A_66 = arith.constant 0 : i32
      %dma_start3A_67 = tpu.memref_slice %arg6[%add3A_47, %dma_start3A_66] : memref<10240x128xf32, #tpu.memory_space<vmem_shared>> -> memref<128x128xf32, #tpu.memory_space<vmem_shared>>
      tpu.enqueue_dma source(%dma_start3A_67 : memref<128x128xf32, #tpu.memory_space<vmem_shared>>) target(%dma_start3A_65 : memref<128x128xf32, #tpu.memory_space<hbm>>) target_semaphore(%run_scoped3A : memref<!tpu.dma_semaphore, #tpu.memory_space<semaphore_mem>>)
      %dma_wait3A = arith.constant 0 : i32
      %dma_wait3A_68 = tpu.memref_slice %arg3[%arg0, %add3A_47, %dma_wait3A] : memref<2x10240x128xf32, #tpu.memory_space<hbm>> -> memref<1x128x128xf32, #tpu.memory_space<hbm>>
      %dma_wait3A_69 = tpu.memref_squeeze %dma_wait3A_68 : memref<1x128x128xf32, #tpu.memory_space<hbm>> -> memref<128x128xf32, #tpu.memory_space<hbm>>
      %dma_wait3A_70 = arith.constant 0 : i32
      %dma_wait3A_71 = tpu.memref_slice %arg6[%add3A_47, %dma_wait3A_70] : memref<10240x128xf32, #tpu.memory_space<vmem_shared>> -> memref<128x128xf32, #tpu.memory_space<vmem_shared>>
      tpu.wait_dma2 semaphore(%run_scoped3A : memref<!tpu.dma_semaphore, #tpu.memory_space<semaphore_mem>>) src(%dma_wait3A_71 : memref<128x128xf32, #tpu.memory_space<vmem_shared>>) dst(%dma_wait3A_69 : memref<128x128xf32, #tpu.memory_space<hbm>>)
      tpu.yield
    }) : () -> ()
    %mul3A_48 = arith.constant 640 : i32
    %mul3A_49 = arith.muli %arg1, %mul3A_48 : i32
    %add3A_50 = arith.constant 128 : i32
    %add3A_51 = arith.addi %mul3A_49, %add3A_50 : i32
    "tpu.region"() ({
      %run_scoped3A = tpu.sem_alloc : memref<!tpu.dma_semaphore, #tpu.memory_space<semaphore_mem>>
      %dma_start3A = arith.constant 0 : i32
      %dma_start3A_64 = tpu.memref_slice %arg3[%arg0, %add3A_51, %dma_start3A] : memref<2x10240x128xf32, #tpu.memory_space<hbm>> -> memref<1x128x128xf32, #tpu.memory_space<hbm>>
      %dma_start3A_65 = tpu.memref_squeeze %dma_start3A_64 : memref<1x128x128xf32, #tpu.memory_space<hbm>> -> memref<128x128xf32, #tpu.memory_space<hbm>>
      %dma_start3A_66 = arith.constant 0 : i32
      %dma_start3A_67 = tpu.memref_slice %arg6[%add3A_51, %dma_start3A_66] : memref<10240x128xf32, #tpu.memory_space<vmem_shared>> -> memref<128x128xf32, #tpu.memory_space<vmem_shared>>
      tpu.enqueue_dma source(%dma_start3A_67 : memref<128x128xf32, #tpu.memory_space<vmem_shared>>) target(%dma_start3A_65 : memref<128x128xf32, #tpu.memory_space<hbm>>) target_semaphore(%run_scoped3A : memref<!tpu.dma_semaphore, #tpu.memory_space<semaphore_mem>>)
      %dma_wait3A = arith.constant 0 : i32
      %dma_wait3A_68 = tpu.memref_slice %arg3[%arg0, %add3A_51, %dma_wait3A] : memref<2x10240x128xf32, #tpu.memory_space<hbm>> -> memref<1x128x128xf32, #tpu.memory_space<hbm>>
      %dma_wait3A_69 = tpu.memref_squeeze %dma_wait3A_68 : memref<1x128x128xf32, #tpu.memory_space<hbm>> -> memref<128x128xf32, #tpu.memory_space<hbm>>
      %dma_wait3A_70 = arith.constant 0 : i32
      %dma_wait3A_71 = tpu.memref_slice %arg6[%add3A_51, %dma_wait3A_70] : memref<10240x128xf32, #tpu.memory_space<vmem_shared>> -> memref<128x128xf32, #tpu.memory_space<vmem_shared>>
      tpu.wait_dma2 semaphore(%run_scoped3A : memref<!tpu.dma_semaphore, #tpu.memory_space<semaphore_mem>>) src(%dma_wait3A_71 : memref<128x128xf32, #tpu.memory_space<vmem_shared>>) dst(%dma_wait3A_69 : memref<128x128xf32, #tpu.memory_space<hbm>>)
      tpu.yield
    }) : () -> ()
    %mul3A_52 = arith.constant 640 : i32
    %mul3A_53 = arith.muli %arg1, %mul3A_52 : i32
    %add3A_54 = arith.constant 256 : i32
    %add3A_55 = arith.addi %mul3A_53, %add3A_54 : i32
    "tpu.region"() ({
      %run_scoped3A = tpu.sem_alloc : memref<!tpu.dma_semaphore, #tpu.memory_space<semaphore_mem>>
      %dma_start3A = arith.constant 0 : i32
      %dma_start3A_64 = tpu.memref_slice %arg3[%arg0, %add3A_55, %dma_start3A] : memref<2x10240x128xf32, #tpu.memory_space<hbm>> -> memref<1x128x128xf32, #tpu.memory_space<hbm>>
      %dma_start3A_65 = tpu.memref_squeeze %dma_start3A_64 : memref<1x128x128xf32, #tpu.memory_space<hbm>> -> memref<128x128xf32, #tpu.memory_space<hbm>>
      %dma_start3A_66 = arith.constant 0 : i32
      %dma_start3A_67 = tpu.memref_slice %arg6[%add3A_55, %dma_start3A_66] : memref<10240x128xf32, #tpu.memory_space<vmem_shared>> -> memref<128x128xf32, #tpu.memory_space<vmem_shared>>
      tpu.enqueue_dma source(%dma_start3A_67 : memref<128x128xf32, #tpu.memory_space<vmem_shared>>) target(%dma_start3A_65 : memref<128x128xf32, #tpu.memory_space<hbm>>) target_semaphore(%run_scoped3A : memref<!tpu.dma_semaphore, #tpu.memory_space<semaphore_mem>>)
      %dma_wait3A = arith.constant 0 : i32
      %dma_wait3A_68 = tpu.memref_slice %arg3[%arg0, %add3A_55, %dma_wait3A] : memref<2x10240x128xf32, #tpu.memory_space<hbm>> -> memref<1x128x128xf32, #tpu.memory_space<hbm>>
      %dma_wait3A_69 = tpu.memref_squeeze %dma_wait3A_68 : memref<1x128x128xf32, #tpu.memory_space<hbm>> -> memref<128x128xf32, #tpu.memory_space<hbm>>
      %dma_wait3A_70 = arith.constant 0 : i32
      %dma_wait3A_71 = tpu.memref_slice %arg6[%add3A_55, %dma_wait3A_70] : memref<10240x128xf32, #tpu.memory_space<vmem_shared>> -> memref<128x128xf32, #tpu.memory_space<vmem_shared>>
      tpu.wait_dma2 semaphore(%run_scoped3A : memref<!tpu.dma_semaphore, #tpu.memory_space<semaphore_mem>>) src(%dma_wait3A_71 : memref<128x128xf32, #tpu.memory_space<vmem_shared>>) dst(%dma_wait3A_69 : memref<128x128xf32, #tpu.memory_space<hbm>>)
      tpu.yield
    }) : () -> ()
    %mul3A_56 = arith.constant 640 : i32
    %mul3A_57 = arith.muli %arg1, %mul3A_56 : i32
    %add3A_58 = arith.constant 384 : i32
    %add3A_59 = arith.addi %mul3A_57, %add3A_58 : i32
    "tpu.region"() ({
      %run_scoped3A = tpu.sem_alloc : memref<!tpu.dma_semaphore, #tpu.memory_space<semaphore_mem>>
      %dma_start3A = arith.constant 0 : i32
      %dma_start3A_64 = tpu.memref_slice %arg3[%arg0, %add3A_59, %dma_start3A] : memref<2x10240x128xf32, #tpu.memory_space<hbm>> -> memref<1x128x128xf32, #tpu.memory_space<hbm>>
      %dma_start3A_65 = tpu.memref_squeeze %dma_start3A_64 : memref<1x128x128xf32, #tpu.memory_space<hbm>> -> memref<128x128xf32, #tpu.memory_space<hbm>>
      %dma_start3A_66 = arith.constant 0 : i32
      %dma_start3A_67 = tpu.memref_slice %arg6[%add3A_59, %dma_start3A_66] : memref<10240x128xf32, #tpu.memory_space<vmem_shared>> -> memref<128x128xf32, #tpu.memory_space<vmem_shared>>
      tpu.enqueue_dma source(%dma_start3A_67 : memref<128x128xf32, #tpu.memory_space<vmem_shared>>) target(%dma_start3A_65 : memref<128x128xf32, #tpu.memory_space<hbm>>) target_semaphore(%run_scoped3A : memref<!tpu.dma_semaphore, #tpu.memory_space<semaphore_mem>>)
      %dma_wait3A = arith.constant 0 : i32
      %dma_wait3A_68 = tpu.memref_slice %arg3[%arg0, %add3A_59, %dma_wait3A] : memref<2x10240x128xf32, #tpu.memory_space<hbm>> -> memref<1x128x128xf32, #tpu.memory_space<hbm>>
      %dma_wait3A_69 = tpu.memref_squeeze %dma_wait3A_68 : memref<1x128x128xf32, #tpu.memory_space<hbm>> -> memref<128x128xf32, #tpu.memory_space<hbm>>
      %dma_wait3A_70 = arith.constant 0 : i32
      %dma_wait3A_71 = tpu.memref_slice %arg6[%add3A_59, %dma_wait3A_70] : memref<10240x128xf32, #tpu.memory_space<vmem_shared>> -> memref<128x128xf32, #tpu.memory_space<vmem_shared>>
      tpu.wait_dma2 semaphore(%run_scoped3A : memref<!tpu.dma_semaphore, #tpu.memory_space<semaphore_mem>>) src(%dma_wait3A_71 : memref<128x128xf32, #tpu.memory_space<vmem_shared>>) dst(%dma_wait3A_69 : memref<128x128xf32, #tpu.memory_space<hbm>>)
      tpu.yield
    }) : () -> ()
    %mul3A_60 = arith.constant 640 : i32
    %mul3A_61 = arith.muli %arg1, %mul3A_60 : i32
    %add3A_62 = arith.constant 512 : i32
    %add3A_63 = arith.addi %mul3A_61, %add3A_62 : i32
    "tpu.region"() ({
      %run_scoped3A = tpu.sem_alloc : memref<!tpu.dma_semaphore, #tpu.memory_space<semaphore_mem>>
      %dma_start3A = arith.constant 0 : i32
      %dma_start3A_64 = tpu.memref_slice %arg3[%arg0, %add3A_63, %dma_start3A] : memref<2x10240x128xf32, #tpu.memory_space<hbm>> -> memref<1x128x128xf32, #tpu.memory_space<hbm>>
      %dma_start3A_65 = tpu.memref_squeeze %dma_start3A_64 : memref<1x128x128xf32, #tpu.memory_space<hbm>> -> memref<128x128xf32, #tpu.memory_space<hbm>>
      %dma_start3A_66 = arith.constant 0 : i32
      %dma_start3A_67 = tpu.memref_slice %arg6[%add3A_63, %dma_start3A_66] : memref<10240x128xf32, #tpu.memory_space<vmem_shared>> -> memref<128x128xf32, #tpu.memory_space<vmem_shared>>
      tpu.enqueue_dma source(%dma_start3A_67 : memref<128x128xf32, #tpu.memory_space<vmem_shared>>) target(%dma_start3A_65 : memref<128x128xf32, #tpu.memory_space<hbm>>) target_semaphore(%run_scoped3A : memref<!tpu.dma_semaphore, #tpu.memory_space<semaphore_mem>>)
      %dma_wait3A = arith.constant 0 : i32
      %dma_wait3A_68 = tpu.memref_slice %arg3[%arg0, %add3A_63, %dma_wait3A] : memref<2x10240x128xf32, #tpu.memory_space<hbm>> -> memref<1x128x128xf32, #tpu.memory_space<hbm>>
      %dma_wait3A_69 = tpu.memref_squeeze %dma_wait3A_68 : memref<1x128x128xf32, #tpu.memory_space<hbm>> -> memref<128x128xf32, #tpu.memory_space<hbm>>
      %dma_wait3A_70 = arith.constant 0 : i32
      %dma_wait3A_71 = tpu.memref_slice %arg6[%add3A_63, %dma_wait3A_70] : memref<10240x128xf32, #tpu.memory_space<vmem_shared>> -> memref<128x128xf32, #tpu.memory_space<vmem_shared>>
      tpu.wait_dma2 semaphore(%run_scoped3A : memref<!tpu.dma_semaphore, #tpu.memory_space<semaphore_mem>>) src(%dma_wait3A_71 : memref<128x128xf32, #tpu.memory_space<vmem_shared>>) dst(%dma_wait3A_69 : memref<128x128xf32, #tpu.memory_space<hbm>>)
      tpu.yield
    }) : () -> ()
    return
  }
}

#map = affine_map<(d0, d1) -> (0, 0)>
#map1 = affine_map<(d0, d1) -> (0, 0, 0)>
module attributes {stable_mosaic.version = 14 : i64} {
  func.func @_scatter_kernel(%arg0: i32, %arg1: i32, %arg2: memref<10000x128xf32, #tpu.memory_space<hbm>>, %arg3: memref<2560x128xi32, #tpu.memory_space<hbm>>, %arg4: memref<2560x128xi32, #tpu.memory_space<hbm>>, %arg5: memref<2x10240x128xf32, #tpu.memory_space<hbm>>, %arg6: memref<40x128xi32, #tpu.memory_space<vmem>>, %arg7: memref<40x128xi32, #tpu.memory_space<vmem>>, %arg8: memref<128x128xf32, #tpu.memory_space<vmem>>, %arg9: memref<128x128xf32, #tpu.memory_space<vmem>>, %arg10: memref<10240x128xf32, #tpu.memory_space<vmem_shared>>, %arg11: memref<!tpu.dma_semaphore, #tpu.memory_space<semaphore_mem>>, %arg12: memref<!tpu.dma_semaphore, #tpu.memory_space<semaphore_mem>>, %arg13: memref<!tpu.dma_semaphore, #tpu.memory_space<semaphore_mem>>, %arg14: memref<!tpu.dma_semaphore, #tpu.memory_space<semaphore_mem>>) attributes {dimension_semantics = [#tpu.dimension_semantics<core_parallel>, #tpu.dimension_semantics<subcore_parallel>], iteration_bounds = array<i64: 2, 16>, scalar_prefetch = 0 : i64, scratch_operands = 9 : i64, tpu.core_type = #tpu.core_type<sc_vector_subcore>, window_params = [{transform_indices = #map}, {transform_indices = #map}, {transform_indices = #map}, {transform_indices = #map1}]} {
    %mul3A = arith.constant 2 : i32
    %mul3A_0 = arith.muli %arg1, %mul3A : i32
    %add3A = arith.addi %mul3A_0, %arg0 : i32
    %broadcast_in_dim3A = arith.constant 0.000000e+00 : f32
    %broadcast_in_dim3A_1 = vector.broadcast %broadcast_in_dim3A : f32 to vector<16xf32>
    %scan3A = arith.constant 0 : i32
    %scan3A_2 = arith.constant 0 : i32
    %scan3A_3 = arith.constant 128 : i32
    %scan3A_4 = arith.addi %scan3A_2, %scan3A_3 : i32
    %scan3A_5 = arith.constant 1 : i32
    scf.for %scan3A_68 = %scan3A_2 to %scan3A_4 step %scan3A_5  : i32 {
      %swap3A = arith.index_cast %scan3A_68 : i32 to index
      %swap3A_69 = arith.constant 0 : index
      %swap3A_70 = tpu.vector_load %arg8[%swap3A, %swap3A_69] {strides = array<i32>} : memref<128x128xf32, #tpu.memory_space<vmem>>, vector<1x16xf32>,
      %swap3A_71 = vector.shape_cast %swap3A_70 : vector<1x16xf32> to vector<16xf32>
      %swap3A_72 = vector.shape_cast %broadcast_in_dim3A_1 : vector<16xf32> to vector<1x16xf32>
      tpu.vector_store %arg8[%swap3A, %swap3A_69], %swap3A_72 {strides = array<i32>} : memref<128x128xf32, #tpu.memory_space<vmem>>, vector<1x16xf32>,
      %swap3A_73 = arith.index_cast %scan3A_68 : i32 to index
      %swap3A_74 = arith.constant 16 : index
      %swap3A_75 = tpu.vector_load %arg8[%swap3A_73, %swap3A_74] {strides = array<i32>} : memref<128x128xf32, #tpu.memory_space<vmem>>, vector<1x16xf32>,
      %swap3A_76 = vector.shape_cast %swap3A_75 : vector<1x16xf32> to vector<16xf32>
      %swap3A_77 = vector.shape_cast %broadcast_in_dim3A_1 : vector<16xf32> to vector<1x16xf32>
      tpu.vector_store %arg8[%swap3A_73, %swap3A_74], %swap3A_77 {strides = array<i32>} : memref<128x128xf32, #tpu.memory_space<vmem>>, vector<1x16xf32>,
      %swap3A_78 = arith.index_cast %scan3A_68 : i32 to index
      %swap3A_79 = arith.constant 32 : index
      %swap3A_80 = tpu.vector_load %arg8[%swap3A_78, %swap3A_79] {strides = array<i32>} : memref<128x128xf32, #tpu.memory_space<vmem>>, vector<1x16xf32>,
      %swap3A_81 = vector.shape_cast %swap3A_80 : vector<1x16xf32> to vector<16xf32>
      %swap3A_82 = vector.shape_cast %broadcast_in_dim3A_1 : vector<16xf32> to vector<1x16xf32>
      tpu.vector_store %arg8[%swap3A_78, %swap3A_79], %swap3A_82 {strides = array<i32>} : memref<128x128xf32, #tpu.memory_space<vmem>>, vector<1x16xf32>,
      %swap3A_83 = arith.index_cast %scan3A_68 : i32 to index
      %swap3A_84 = arith.constant 48 : index
      %swap3A_85 = tpu.vector_load %arg8[%swap3A_83, %swap3A_84] {strides = array<i32>} : memref<128x128xf32, #tpu.memory_space<vmem>>, vector<1x16xf32>,
      %swap3A_86 = vector.shape_cast %swap3A_85 : vector<1x16xf32> to vector<16xf32>
      %swap3A_87 = vector.shape_cast %broadcast_in_dim3A_1 : vector<16xf32> to vector<1x16xf32>
      tpu.vector_store %arg8[%swap3A_83, %swap3A_84], %swap3A_87 {strides = array<i32>} : memref<128x128xf32, #tpu.memory_space<vmem>>, vector<1x16xf32>,
      %swap3A_88 = arith.index_cast %scan3A_68 : i32 to index
      %swap3A_89 = arith.constant 64 : index
      %swap3A_90 = tpu.vector_load %arg8[%swap3A_88, %swap3A_89] {strides = array<i32>} : memref<128x128xf32, #tpu.memory_space<vmem>>, vector<1x16xf32>,
      %swap3A_91 = vector.shape_cast %swap3A_90 : vector<1x16xf32> to vector<16xf32>
      %swap3A_92 = vector.shape_cast %broadcast_in_dim3A_1 : vector<16xf32> to vector<1x16xf32>
      tpu.vector_store %arg8[%swap3A_88, %swap3A_89], %swap3A_92 {strides = array<i32>} : memref<128x128xf32, #tpu.memory_space<vmem>>, vector<1x16xf32>,
      %swap3A_93 = arith.index_cast %scan3A_68 : i32 to index
      %swap3A_94 = arith.constant 80 : index
      %swap3A_95 = tpu.vector_load %arg8[%swap3A_93, %swap3A_94] {strides = array<i32>} : memref<128x128xf32, #tpu.memory_space<vmem>>, vector<1x16xf32>,
      %swap3A_96 = vector.shape_cast %swap3A_95 : vector<1x16xf32> to vector<16xf32>
      %swap3A_97 = vector.shape_cast %broadcast_in_dim3A_1 : vector<16xf32> to vector<1x16xf32>
      tpu.vector_store %arg8[%swap3A_93, %swap3A_94], %swap3A_97 {strides = array<i32>} : memref<128x128xf32, #tpu.memory_space<vmem>>, vector<1x16xf32>,
      %swap3A_98 = arith.index_cast %scan3A_68 : i32 to index
      %swap3A_99 = arith.constant 96 : index
      %swap3A_100 = tpu.vector_load %arg8[%swap3A_98, %swap3A_99] {strides = array<i32>} : memref<128x128xf32, #tpu.memory_space<vmem>>, vector<1x16xf32>,
      %swap3A_101 = vector.shape_cast %swap3A_100 : vector<1x16xf32> to vector<16xf32>
      %swap3A_102 = vector.shape_cast %broadcast_in_dim3A_1 : vector<16xf32> to vector<1x16xf32>
      tpu.vector_store %arg8[%swap3A_98, %swap3A_99], %swap3A_102 {strides = array<i32>} : memref<128x128xf32, #tpu.memory_space<vmem>>, vector<1x16xf32>,
      %swap3A_103 = arith.index_cast %scan3A_68 : i32 to index
      %swap3A_104 = arith.constant 112 : index
      %swap3A_105 = tpu.vector_load %arg8[%swap3A_103, %swap3A_104] {strides = array<i32>} : memref<128x128xf32, #tpu.memory_space<vmem>>, vector<1x16xf32>,
      %swap3A_106 = vector.shape_cast %swap3A_105 : vector<1x16xf32> to vector<16xf32>
      %swap3A_107 = vector.shape_cast %broadcast_in_dim3A_1 : vector<16xf32> to vector<1x16xf32>
      tpu.vector_store %arg8[%swap3A_103, %swap3A_104], %swap3A_107 {strides = array<i32>} : memref<128x128xf32, #tpu.memory_space<vmem>>, vector<1x16xf32>,
    }
    %scan3A_6 = arith.constant 128 : i32
    %mul3A_7 = arith.constant 640 : i32
    %mul3A_8 = arith.muli %arg1, %mul3A_7 : i32
    %add3A_9 = arith.constant 0 : i32
    %add3A_10 = arith.addi %mul3A_8, %add3A_9 : i32
    "tpu.region"() ({
      %run_scoped3A = tpu.sem_alloc : memref<!tpu.dma_semaphore, #tpu.memory_space<semaphore_mem>>
      %dma_start3A = arith.constant 0 : i32
      %dma_start3A_68 = tpu.memref_slice %arg10[%add3A_10, %dma_start3A] : memref<10240x128xf32, #tpu.memory_space<vmem_shared>> -> memref<128x128xf32, #tpu.memory_space<vmem_shared>>
      %dma_start3A_69 = arith.constant 0 : i32
      %dma_start3A_70 = tpu.memref_slice %arg10[%add3A_10, %dma_start3A_69] : memref<10240x128xf32, #tpu.memory_space<vmem_shared>> -> memref<128x128xf32, #tpu.memory_space<vmem_shared>>
      tpu.enqueue_dma source(%arg8 : memref<128x128xf32, #tpu.memory_space<vmem>>) target(%dma_start3A_70 : memref<128x128xf32, #tpu.memory_space<vmem_shared>>) target_semaphore(%run_scoped3A : memref<!tpu.dma_semaphore, #tpu.memory_space<semaphore_mem>>)
      %dma_wait3A = arith.constant 0 : i32
      %dma_wait3A_71 = tpu.memref_slice %arg10[%add3A_10, %dma_wait3A] : memref<10240x128xf32, #tpu.memory_space<vmem_shared>> -> memref<128x128xf32, #tpu.memory_space<vmem_shared>>
      %dma_wait3A_72 = arith.constant 0 : i32
      %dma_wait3A_73 = tpu.memref_slice %arg10[%add3A_10, %dma_wait3A_72] : memref<10240x128xf32, #tpu.memory_space<vmem_shared>> -> memref<128x128xf32, #tpu.memory_space<vmem_shared>>
      tpu.wait_dma2 semaphore(%run_scoped3A : memref<!tpu.dma_semaphore, #tpu.memory_space<semaphore_mem>>) src(%arg8 : memref<128x128xf32, #tpu.memory_space<vmem>>) dst(%dma_wait3A_73 : memref<128x128xf32, #tpu.memory_space<vmem_shared>>)
      tpu.yield
    }) : () -> ()
    %mul3A_11 = arith.constant 640 : i32
    %mul3A_12 = arith.muli %arg1, %mul3A_11 : i32
    %add3A_13 = arith.constant 128 : i32
    %add3A_14 = arith.addi %mul3A_12, %add3A_13 : i32
    "tpu.region"() ({
      %run_scoped3A = tpu.sem_alloc : memref<!tpu.dma_semaphore, #tpu.memory_space<semaphore_mem>>
      %dma_start3A = arith.constant 0 : i32
      %dma_start3A_68 = tpu.memref_slice %arg10[%add3A_14, %dma_start3A] : memref<10240x128xf32, #tpu.memory_space<vmem_shared>> -> memref<128x128xf32, #tpu.memory_space<vmem_shared>>
      %dma_start3A_69 = arith.constant 0 : i32
      %dma_start3A_70 = tpu.memref_slice %arg10[%add3A_14, %dma_start3A_69] : memref<10240x128xf32, #tpu.memory_space<vmem_shared>> -> memref<128x128xf32, #tpu.memory_space<vmem_shared>>
      tpu.enqueue_dma source(%arg8 : memref<128x128xf32, #tpu.memory_space<vmem>>) target(%dma_start3A_70 : memref<128x128xf32, #tpu.memory_space<vmem_shared>>) target_semaphore(%run_scoped3A : memref<!tpu.dma_semaphore, #tpu.memory_space<semaphore_mem>>)
      %dma_wait3A = arith.constant 0 : i32
      %dma_wait3A_71 = tpu.memref_slice %arg10[%add3A_14, %dma_wait3A] : memref<10240x128xf32, #tpu.memory_space<vmem_shared>> -> memref<128x128xf32, #tpu.memory_space<vmem_shared>>
      %dma_wait3A_72 = arith.constant 0 : i32
      %dma_wait3A_73 = tpu.memref_slice %arg10[%add3A_14, %dma_wait3A_72] : memref<10240x128xf32, #tpu.memory_space<vmem_shared>> -> memref<128x128xf32, #tpu.memory_space<vmem_shared>>
      tpu.wait_dma2 semaphore(%run_scoped3A : memref<!tpu.dma_semaphore, #tpu.memory_space<semaphore_mem>>) src(%arg8 : memref<128x128xf32, #tpu.memory_space<vmem>>) dst(%dma_wait3A_73 : memref<128x128xf32, #tpu.memory_space<vmem_shared>>)
      tpu.yield
    }) : () -> ()
    %mul3A_15 = arith.constant 640 : i32
    %mul3A_16 = arith.muli %arg1, %mul3A_15 : i32
    %add3A_17 = arith.constant 256 : i32
    %add3A_18 = arith.addi %mul3A_16, %add3A_17 : i32
    "tpu.region"() ({
      %run_scoped3A = tpu.sem_alloc : memref<!tpu.dma_semaphore, #tpu.memory_space<semaphore_mem>>
      %dma_start3A = arith.constant 0 : i32
      %dma_start3A_68 = tpu.memref_slice %arg10[%add3A_18, %dma_start3A] : memref<10240x128xf32, #tpu.memory_space<vmem_shared>> -> memref<128x128xf32, #tpu.memory_space<vmem_shared>>
      %dma_start3A_69 = arith.constant 0 : i32
      %dma_start3A_70 = tpu.memref_slice %arg10[%add3A_18, %dma_start3A_69] : memref<10240x128xf32, #tpu.memory_space<vmem_shared>> -> memref<128x128xf32, #tpu.memory_space<vmem_shared>>
      tpu.enqueue_dma source(%arg8 : memref<128x128xf32, #tpu.memory_space<vmem>>) target(%dma_start3A_70 : memref<128x128xf32, #tpu.memory_space<vmem_shared>>) target_semaphore(%run_scoped3A : memref<!tpu.dma_semaphore, #tpu.memory_space<semaphore_mem>>)
      %dma_wait3A = arith.constant 0 : i32
      %dma_wait3A_71 = tpu.memref_slice %arg10[%add3A_18, %dma_wait3A] : memref<10240x128xf32, #tpu.memory_space<vmem_shared>> -> memref<128x128xf32, #tpu.memory_space<vmem_shared>>
      %dma_wait3A_72 = arith.constant 0 : i32
      %dma_wait3A_73 = tpu.memref_slice %arg10[%add3A_18, %dma_wait3A_72] : memref<10240x128xf32, #tpu.memory_space<vmem_shared>> -> memref<128x128xf32, #tpu.memory_space<vmem_shared>>
      tpu.wait_dma2 semaphore(%run_scoped3A : memref<!tpu.dma_semaphore, #tpu.memory_space<semaphore_mem>>) src(%arg8 : memref<128x128xf32, #tpu.memory_space<vmem>>) dst(%dma_wait3A_73 : memref<128x128xf32, #tpu.memory_space<vmem_shared>>)
      tpu.yield
    }) : () -> ()
    %mul3A_19 = arith.constant 640 : i32
    %mul3A_20 = arith.muli %arg1, %mul3A_19 : i32
    %add3A_21 = arith.constant 384 : i32
    %add3A_22 = arith.addi %mul3A_20, %add3A_21 : i32
    "tpu.region"() ({
      %run_scoped3A = tpu.sem_alloc : memref<!tpu.dma_semaphore, #tpu.memory_space<semaphore_mem>>
      %dma_start3A = arith.constant 0 : i32
      %dma_start3A_68 = tpu.memref_slice %arg10[%add3A_22, %dma_start3A] : memref<10240x128xf32, #tpu.memory_space<vmem_shared>> -> memref<128x128xf32, #tpu.memory_space<vmem_shared>>
      %dma_start3A_69 = arith.constant 0 : i32
      %dma_start3A_70 = tpu.memref_slice %arg10[%add3A_22, %dma_start3A_69] : memref<10240x128xf32, #tpu.memory_space<vmem_shared>> -> memref<128x128xf32, #tpu.memory_space<vmem_shared>>
      tpu.enqueue_dma source(%arg8 : memref<128x128xf32, #tpu.memory_space<vmem>>) target(%dma_start3A_70 : memref<128x128xf32, #tpu.memory_space<vmem_shared>>) target_semaphore(%run_scoped3A : memref<!tpu.dma_semaphore, #tpu.memory_space<semaphore_mem>>)
      %dma_wait3A = arith.constant 0 : i32
      %dma_wait3A_71 = tpu.memref_slice %arg10[%add3A_22, %dma_wait3A] : memref<10240x128xf32, #tpu.memory_space<vmem_shared>> -> memref<128x128xf32, #tpu.memory_space<vmem_shared>>
      %dma_wait3A_72 = arith.constant 0 : i32
      %dma_wait3A_73 = tpu.memref_slice %arg10[%add3A_22, %dma_wait3A_72] : memref<10240x128xf32, #tpu.memory_space<vmem_shared>> -> memref<128x128xf32, #tpu.memory_space<vmem_shared>>
      tpu.wait_dma2 semaphore(%run_scoped3A : memref<!tpu.dma_semaphore, #tpu.memory_space<semaphore_mem>>) src(%arg8 : memref<128x128xf32, #tpu.memory_space<vmem>>) dst(%dma_wait3A_73 : memref<128x128xf32, #tpu.memory_space<vmem_shared>>)
      tpu.yield
    }) : () -> ()
    %mul3A_23 = arith.constant 640 : i32
    %mul3A_24 = arith.muli %arg1, %mul3A_23 : i32
    %add3A_25 = arith.constant 512 : i32
    %add3A_26 = arith.addi %mul3A_24, %add3A_25 : i32
    "tpu.region"() ({
      %run_scoped3A = tpu.sem_alloc : memref<!tpu.dma_semaphore, #tpu.memory_space<semaphore_mem>>
      %dma_start3A = arith.constant 0 : i32
      %dma_start3A_68 = tpu.memref_slice %arg10[%add3A_26, %dma_start3A] : memref<10240x128xf32, #tpu.memory_space<vmem_shared>> -> memref<128x128xf32, #tpu.memory_space<vmem_shared>>
      %dma_start3A_69 = arith.constant 0 : i32
      %dma_start3A_70 = tpu.memref_slice %arg10[%add3A_26, %dma_start3A_69] : memref<10240x128xf32, #tpu.memory_space<vmem_shared>> -> memref<128x128xf32, #tpu.memory_space<vmem_shared>>
      tpu.enqueue_dma source(%arg8 : memref<128x128xf32, #tpu.memory_space<vmem>>) target(%dma_start3A_70 : memref<128x128xf32, #tpu.memory_space<vmem_shared>>) target_semaphore(%run_scoped3A : memref<!tpu.dma_semaphore, #tpu.memory_space<semaphore_mem>>)
      %dma_wait3A = arith.constant 0 : i32
      %dma_wait3A_71 = tpu.memref_slice %arg10[%add3A_26, %dma_wait3A] : memref<10240x128xf32, #tpu.memory_space<vmem_shared>> -> memref<128x128xf32, #tpu.memory_space<vmem_shared>>
      %dma_wait3A_72 = arith.constant 0 : i32
      %dma_wait3A_73 = tpu.memref_slice %arg10[%add3A_26, %dma_wait3A_72] : memref<10240x128xf32, #tpu.memory_space<vmem_shared>> -> memref<128x128xf32, #tpu.memory_space<vmem_shared>>
      tpu.wait_dma2 semaphore(%run_scoped3A : memref<!tpu.dma_semaphore, #tpu.memory_space<semaphore_mem>>) src(%arg8 : memref<128x128xf32, #tpu.memory_space<vmem>>) dst(%dma_wait3A_73 : memref<128x128xf32, #tpu.memory_space<vmem_shared>>)
      tpu.yield
    }) : () -> ()
    %barrier3A = arith.constant 0 : index
    tpu.barrier barrier_id(%barrier3A)
    %eq3A = arith.constant 0 : i32
    %eq3A_27 = arith.cmpi eq, %arg0, %eq3A : i32
    %mul3A_28 = arith.constant 40 : i32
    %mul3A_29 = arith.muli %arg1, %mul3A_28 : i32
    %mul3A_30 = arith.constant 120 : i32
    %mul3A_31 = arith.muli %arg1, %mul3A_30 : i32
    %add3A_32 = arith.constant 640 : i32
    %add3A_33 = arith.addi %add3A_32, %mul3A_31 : i32
    %select_n3A = arith.select %eq3A_27, %mul3A_29, %add3A_33 : i32
    %eq3A_34 = arith.constant 0 : i32
    %eq3A_35 = arith.cmpi eq, %arg0, %eq3A_34 : i32
    %jit3A = arith.constant 1 : i32
    %jit3A_36 = arith.constant 3 : i32
    %select_n3A_37 = arith.select %eq3A_35, %jit3A, %jit3A_36 : i32
    %while3A = arith.constant 0 : i32
    %while3A_38 = arith.constant 0 : i32
    %while3A_39 = arith.subi %select_n3A_37, %while3A_38 : i32
    %while3A_40 = arith.addi %while3A_38, %while3A_39 : i32
    %while3A_41 = arith.constant 1 : i32
    %while3A_42 = arith.divsi %while3A_39, %while3A_41 : i32
    %while3A_43 = arith.muli %while3A_42, %while3A_41 : i32
    %while3A_44 = arith.addi %while3A_38, %while3A_43 : i32
    %while3A_45 = arith.constant 1 : i32
    scf.for %while3A_68 = %while3A_38 to %while3A_44 step %while3A_45  : i32 {
      %mul3A_69 = arith.constant 40 : i32
      %mul3A_70 = arith.muli %while3A_68, %mul3A_69 : i32
      %add3A_71 = arith.addi %select_n3A, %mul3A_70 : i32
      %multiple_of3A = tpu.assume_multiple %add3A_71, 8 : i32
      "tpu.region"() ({
        %run_scoped3A = tpu.sem_alloc : memref<!tpu.dma_semaphore, #tpu.memory_space<semaphore_mem>>
        %dma_start3A_104 = arith.constant 0 : i32
        %dma_start3A_105 = tpu.memref_slice %arg3[%multiple_of3A, %dma_start3A_104] : memref<2560x128xi32, #tpu.memory_space<hbm>> -> memref<40x128xi32, #tpu.memory_space<hbm>>
        %dma_start3A_106 = arith.constant 0 : i32
        %dma_start3A_107 = tpu.memref_slice %arg3[%multiple_of3A, %dma_start3A_106] : memref<2560x128xi32, #tpu.memory_space<hbm>> -> memref<40x128xi32, #tpu.memory_space<hbm>>
        tpu.enqueue_dma source(%dma_start3A_107 : memref<40x128xi32, #tpu.memory_space<hbm>>) target(%arg6 : memref<40x128xi32, #tpu.memory_space<vmem>>) target_semaphore(%run_scoped3A : memref<!tpu.dma_semaphore, #tpu.memory_space<semaphore_mem>>)
        %dma_wait3A_108 = arith.constant 0 : i32
        %dma_wait3A_109 = tpu.memref_slice %arg3[%multiple_of3A, %dma_wait3A_108] : memref<2560x128xi32, #tpu.memory_space<hbm>> -> memref<40x128xi32, #tpu.memory_space<hbm>>
        %dma_wait3A_110 = arith.constant 0 : i32
        %dma_wait3A_111 = tpu.memref_slice %arg3[%multiple_of3A, %dma_wait3A_110] : memref<2560x128xi32, #tpu.memory_space<hbm>> -> memref<40x128xi32, #tpu.memory_space<hbm>>
        tpu.wait_dma2 semaphore(%run_scoped3A : memref<!tpu.dma_semaphore, #tpu.memory_space<semaphore_mem>>) src(%dma_wait3A_111 : memref<40x128xi32, #tpu.memory_space<hbm>>) dst(%arg6 : memref<40x128xi32, #tpu.memory_space<vmem>>)
        tpu.yield
      }) : () -> ()
      "tpu.region"() ({
        %run_scoped3A = tpu.sem_alloc : memref<!tpu.dma_semaphore, #tpu.memory_space<semaphore_mem>>
        %dma_start3A_104 = arith.constant 0 : i32
        %dma_start3A_105 = tpu.memref_slice %arg4[%multiple_of3A, %dma_start3A_104] : memref<2560x128xi32, #tpu.memory_space<hbm>> -> memref<40x128xi32, #tpu.memory_space<hbm>>
        %dma_start3A_106 = arith.constant 0 : i32
        %dma_start3A_107 = tpu.memref_slice %arg4[%multiple_of3A, %dma_start3A_106] : memref<2560x128xi32, #tpu.memory_space<hbm>> -> memref<40x128xi32, #tpu.memory_space<hbm>>
        tpu.enqueue_dma source(%dma_start3A_107 : memref<40x128xi32, #tpu.memory_space<hbm>>) target(%arg7 : memref<40x128xi32, #tpu.memory_space<vmem>>) target_semaphore(%run_scoped3A : memref<!tpu.dma_semaphore, #tpu.memory_space<semaphore_mem>>)
        %dma_wait3A_108 = arith.constant 0 : i32
        %dma_wait3A_109 = tpu.memref_slice %arg4[%multiple_of3A, %dma_wait3A_108] : memref<2560x128xi32, #tpu.memory_space<hbm>> -> memref<40x128xi32, #tpu.memory_space<hbm>>
        %dma_wait3A_110 = arith.constant 0 : i32
        %dma_wait3A_111 = tpu.memref_slice %arg4[%multiple_of3A, %dma_wait3A_110] : memref<2560x128xi32, #tpu.memory_space<hbm>> -> memref<40x128xi32, #tpu.memory_space<hbm>>
        tpu.wait_dma2 semaphore(%run_scoped3A : memref<!tpu.dma_semaphore, #tpu.memory_space<semaphore_mem>>) src(%dma_wait3A_111 : memref<40x128xi32, #tpu.memory_space<hbm>>) dst(%arg7 : memref<40x128xi32, #tpu.memory_space<vmem>>)
        tpu.yield
      }) : () -> ()
      %dma_start3A = arith.constant 0 : i32
      %dma_start3A_72 = arith.constant 0 : i32
      %dma_start3A_73 = tpu.memref_slice %arg6[%dma_start3A, %dma_start3A_72] : memref<40x128xi32, #tpu.memory_space<vmem>> -> memref<1x128xi32, #tpu.memory_space<vmem>>
      %dma_start3A_74 = tpu.memref_squeeze %dma_start3A_73 : memref<1x128xi32, #tpu.memory_space<vmem>> -> memref<128xi32, #tpu.memory_space<vmem>>
      %dma_start3A_75 = arith.constant 0 : i32
      %dma_start3A_76 = arith.constant 0 : i32
      %dma_start3A_77 = tpu.memref_slice %arg2[%dma_start3A_75, %dma_start3A_76] : memref<10000x128xf32, #tpu.memory_space<hbm>> -> memref<10000x128xf32, #tpu.memory_space<hbm>>
      tpu.enqueue_indirect_dma source(%dma_start3A_77 : memref<10000x128xf32, #tpu.memory_space<hbm>>) target(%arg8 : memref<128x128xf32, #tpu.memory_space<vmem>>) offsets(%dma_start3A_74 : memref<128xi32, #tpu.memory_space<vmem>>) semaphore(%arg11 : memref<!tpu.dma_semaphore, #tpu.memory_space<semaphore_mem>>)
      %dma_start3A_78 = arith.constant 1 : i32
      %dma_start3A_79 = arith.constant 0 : i32
      %dma_start3A_80 = tpu.memref_slice %arg6[%dma_start3A_78, %dma_start3A_79] : memref<40x128xi32, #tpu.memory_space<vmem>> -> memref<1x128xi32, #tpu.memory_space<vmem>>
      %dma_start3A_81 = tpu.memref_squeeze %dma_start3A_80 : memref<1x128xi32, #tpu.memory_space<vmem>> -> memref<128xi32, #tpu.memory_space<vmem>>
      %dma_start3A_82 = arith.constant 0 : i32
      %dma_start3A_83 = arith.constant 0 : i32
      %dma_start3A_84 = tpu.memref_slice %arg2[%dma_start3A_82, %dma_start3A_83] : memref<10000x128xf32, #tpu.memory_space<hbm>> -> memref<10000x128xf32, #tpu.memory_space<hbm>>
      tpu.enqueue_indirect_dma source(%dma_start3A_84 : memref<10000x128xf32, #tpu.memory_space<hbm>>) target(%arg9 : memref<128x128xf32, #tpu.memory_space<vmem>>) offsets(%dma_start3A_81 : memref<128xi32, #tpu.memory_space<vmem>>) semaphore(%arg12 : memref<!tpu.dma_semaphore, #tpu.memory_space<semaphore_mem>>)
      %scan3A_85 = arith.constant 0 : i32
      %scan3A_86 = arith.constant 0 : i32
      %scan3A_87 = arith.constant 20 : i32
      %scan3A_88 = arith.addi %scan3A_86, %scan3A_87 : i32
      %scan3A_89 = arith.constant 1 : i32
      scf.for %scan3A_104 = %scan3A_86 to %scan3A_88 step %scan3A_89  : i32 {
        %mul3A_105 = arith.constant 2 : i32
        %mul3A_106 = arith.muli %mul3A_105, %scan3A_104 : i32
        %add3A_107 = arith.constant 0 : i32
        %add3A_108 = arith.addi %mul3A_106, %add3A_107 : i32
        %dma_wait3A_109 = arith.constant 0 : i32
        %dma_wait3A_110 = tpu.memref_slice %arg6[%add3A_108, %dma_wait3A_109] : memref<40x128xi32, #tpu.memory_space<vmem>> -> memref<1x128xi32, #tpu.memory_space<vmem>>
        %dma_wait3A_111 = tpu.memref_squeeze %dma_wait3A_110 : memref<1x128xi32, #tpu.memory_space<vmem>> -> memref<128xi32, #tpu.memory_space<vmem>>
        %dma_wait3A_112 = arith.constant 0 : i32
        %dma_wait3A_113 = arith.constant 0 : i32
        %dma_wait3A_114 = tpu.memref_slice %arg2[%dma_wait3A_112, %dma_wait3A_113] : memref<10000x128xf32, #tpu.memory_space<hbm>> -> memref<10000x128xf32, #tpu.memory_space<hbm>>
        tpu.wait_indirect_dma semaphore(%arg11 : memref<!tpu.dma_semaphore, #tpu.memory_space<semaphore_mem>>) src(%dma_wait3A_114 : memref<10000x128xf32, #tpu.memory_space<hbm>>) dst(%arg8 : memref<128x128xf32, #tpu.memory_space<vmem>>)
        %dma_start3A_115 = arith.constant 0 : i32
        %dma_start3A_116 = tpu.memref_slice %arg7[%add3A_108, %dma_start3A_115] : memref<40x128xi32, #tpu.memory_space<vmem>> -> memref<1x128xi32, #tpu.memory_space<vmem>>
        %dma_start3A_117 = tpu.memref_squeeze %dma_start3A_116 : memref<1x128xi32, #tpu.memory_space<vmem>> -> memref<128xi32, #tpu.memory_space<vmem>>
        %dma_start3A_118 = arith.constant 0 : i32
        %dma_start3A_119 = arith.constant 0 : i32
        %dma_start3A_120 = tpu.memref_slice %arg10[%dma_start3A_118, %dma_start3A_119] : memref<10240x128xf32, #tpu.memory_space<vmem_shared>> -> memref<10240x128xf32, #tpu.memory_space<vmem_shared>>
        tpu.enqueue_indirect_dma source(%arg8 : memref<128x128xf32, #tpu.memory_space<vmem>>) target(%dma_start3A_120 : memref<10240x128xf32, #tpu.memory_space<vmem_shared>>) offsets(%dma_start3A_117 : memref<128xi32, #tpu.memory_space<vmem>>) semaphore(%arg13 : memref<!tpu.dma_semaphore, #tpu.memory_space<semaphore_mem>>) {add = true}
        %lt3A = arith.constant 19 : i32
        %lt3A_121 = arith.cmpi slt, %scan3A_104, %lt3A : i32
        %convert_element_type3A = arith.extui %lt3A_121 : i1 to i32
        %cond3A = arith.constant 0 : i32
        %cond3A_122 = arith.cmpi ne, %convert_element_type3A, %cond3A : i32
        scf.if %cond3A_122 {
          %dma_wait3A_144 = arith.constant 0 : i32
          %dma_wait3A_145 = tpu.memref_slice %arg7[%add3A_108, %dma_wait3A_144] : memref<40x128xi32, #tpu.memory_space<vmem>> -> memref<1x128xi32, #tpu.memory_space<vmem>>
          %dma_wait3A_146 = tpu.memref_squeeze %dma_wait3A_145 : memref<1x128xi32, #tpu.memory_space<vmem>> -> memref<128xi32, #tpu.memory_space<vmem>>
          %dma_wait3A_147 = arith.constant 0 : i32
          %dma_wait3A_148 = arith.constant 0 : i32
          %dma_wait3A_149 = tpu.memref_slice %arg10[%dma_wait3A_147, %dma_wait3A_148] : memref<10240x128xf32, #tpu.memory_space<vmem_shared>> -> memref<10240x128xf32, #tpu.memory_space<vmem_shared>>
          tpu.wait_indirect_dma semaphore(%arg13 : memref<!tpu.dma_semaphore, #tpu.memory_space<semaphore_mem>>) src(%arg8 : memref<128x128xf32, #tpu.memory_space<vmem>>) dst(%dma_wait3A_149 : memref<10240x128xf32, #tpu.memory_space<vmem_shared>>)
          %add3A_150 = arith.constant 2 : i32
          %add3A_151 = arith.addi %add3A_108, %add3A_150 : i32
          %dma_start3A_152 = arith.constant 0 : i32
          %dma_start3A_153 = tpu.memref_slice %arg6[%add3A_151, %dma_start3A_152] : memref<40x128xi32, #tpu.memory_space<vmem>> -> memref<1x128xi32, #tpu.memory_space<vmem>>
          %dma_start3A_154 = tpu.memref_squeeze %dma_start3A_153 : memref<1x128xi32, #tpu.memory_space<vmem>> -> memref<128xi32, #tpu.memory_space<vmem>>
          %dma_start3A_155 = arith.constant 0 : i32
          %dma_start3A_156 = arith.constant 0 : i32
          %dma_start3A_157 = tpu.memref_slice %arg2[%dma_start3A_155, %dma_start3A_156] : memref<10000x128xf32, #tpu.memory_space<hbm>> -> memref<10000x128xf32, #tpu.memory_space<hbm>>
          tpu.enqueue_indirect_dma source(%dma_start3A_157 : memref<10000x128xf32, #tpu.memory_space<hbm>>) target(%arg8 : memref<128x128xf32, #tpu.memory_space<vmem>>) offsets(%dma_start3A_154 : memref<128xi32, #tpu.memory_space<vmem>>) semaphore(%arg11 : memref<!tpu.dma_semaphore, #tpu.memory_space<semaphore_mem>>)
        } else {
        }
        %mul3A_123 = arith.constant 2 : i32
        %mul3A_124 = arith.muli %mul3A_123, %scan3A_104 : i32
        %add3A_125 = arith.constant 1 : i32
        %add3A_126 = arith.addi %mul3A_124, %add3A_125 : i32
        %dma_wait3A_127 = arith.constant 0 : i32
        %dma_wait3A_128 = tpu.memref_slice %arg6[%add3A_126, %dma_wait3A_127] : memref<40x128xi32, #tpu.memory_space<vmem>> -> memref<1x128xi32, #tpu.memory_space<vmem>>
        %dma_wait3A_129 = tpu.memref_squeeze %dma_wait3A_128 : memref<1x128xi32, #tpu.memory_space<vmem>> -> memref<128xi32, #tpu.memory_space<vmem>>
        %dma_wait3A_130 = arith.constant 0 : i32
        %dma_wait3A_131 = arith.constant 0 : i32
        %dma_wait3A_132 = tpu.memref_slice %arg2[%dma_wait3A_130, %dma_wait3A_131] : memref<10000x128xf32, #tpu.memory_space<hbm>> -> memref<10000x128xf32, #tpu.memory_space<hbm>>
        tpu.wait_indirect_dma semaphore(%arg12 : memref<!tpu.dma_semaphore, #tpu.memory_space<semaphore_mem>>) src(%dma_wait3A_132 : memref<10000x128xf32, #tpu.memory_space<hbm>>) dst(%arg9 : memref<128x128xf32, #tpu.memory_space<vmem>>)
        %dma_start3A_133 = arith.constant 0 : i32
        %dma_start3A_134 = tpu.memref_slice %arg7[%add3A_126, %dma_start3A_133] : memref<40x128xi32, #tpu.memory_space<vmem>> -> memref<1x128xi32, #tpu.memory_space<vmem>>
        %dma_start3A_135 = tpu.memref_squeeze %dma_start3A_134 : memref<1x128xi32, #tpu.memory_space<vmem>> -> memref<128xi32, #tpu.memory_space<vmem>>
        %dma_start3A_136 = arith.constant 0 : i32
        %dma_start3A_137 = arith.constant 0 : i32
        %dma_start3A_138 = tpu.memref_slice %arg10[%dma_start3A_136, %dma_start3A_137] : memref<10240x128xf32, #tpu.memory_space<vmem_shared>> -> memref<10240x128xf32, #tpu.memory_space<vmem_shared>>
        tpu.enqueue_indirect_dma source(%arg9 : memref<128x128xf32, #tpu.memory_space<vmem>>) target(%dma_start3A_138 : memref<10240x128xf32, #tpu.memory_space<vmem_shared>>) offsets(%dma_start3A_135 : memref<128xi32, #tpu.memory_space<vmem>>) semaphore(%arg14 : memref<!tpu.dma_semaphore, #tpu.memory_space<semaphore_mem>>) {add = true}
        %lt3A_139 = arith.constant 19 : i32
        %lt3A_140 = arith.cmpi slt, %scan3A_104, %lt3A_139 : i32
        %convert_element_type3A_141 = arith.extui %lt3A_140 : i1 to i32
        %cond3A_142 = arith.constant 0 : i32
        %cond3A_143 = arith.cmpi ne, %convert_element_type3A_141, %cond3A_142 : i32
        scf.if %cond3A_143 {
          %dma_wait3A_144 = arith.constant 0 : i32
          %dma_wait3A_145 = tpu.memref_slice %arg7[%add3A_126, %dma_wait3A_144] : memref<40x128xi32, #tpu.memory_space<vmem>> -> memref<1x128xi32, #tpu.memory_space<vmem>>
          %dma_wait3A_146 = tpu.memref_squeeze %dma_wait3A_145 : memref<1x128xi32, #tpu.memory_space<vmem>> -> memref<128xi32, #tpu.memory_space<vmem>>
          %dma_wait3A_147 = arith.constant 0 : i32
          %dma_wait3A_148 = arith.constant 0 : i32
          %dma_wait3A_149 = tpu.memref_slice %arg10[%dma_wait3A_147, %dma_wait3A_148] : memref<10240x128xf32, #tpu.memory_space<vmem_shared>> -> memref<10240x128xf32, #tpu.memory_space<vmem_shared>>
          tpu.wait_indirect_dma semaphore(%arg14 : memref<!tpu.dma_semaphore, #tpu.memory_space<semaphore_mem>>) src(%arg9 : memref<128x128xf32, #tpu.memory_space<vmem>>) dst(%dma_wait3A_149 : memref<10240x128xf32, #tpu.memory_space<vmem_shared>>)
          %add3A_150 = arith.constant 2 : i32
          %add3A_151 = arith.addi %add3A_126, %add3A_150 : i32
          %dma_start3A_152 = arith.constant 0 : i32
          %dma_start3A_153 = tpu.memref_slice %arg6[%add3A_151, %dma_start3A_152] : memref<40x128xi32, #tpu.memory_space<vmem>> -> memref<1x128xi32, #tpu.memory_space<vmem>>
          %dma_start3A_154 = tpu.memref_squeeze %dma_start3A_153 : memref<1x128xi32, #tpu.memory_space<vmem>> -> memref<128xi32, #tpu.memory_space<vmem>>
          %dma_start3A_155 = arith.constant 0 : i32
          %dma_start3A_156 = arith.constant 0 : i32
          %dma_start3A_157 = tpu.memref_slice %arg2[%dma_start3A_155, %dma_start3A_156] : memref<10000x128xf32, #tpu.memory_space<hbm>> -> memref<10000x128xf32, #tpu.memory_space<hbm>>
          tpu.enqueue_indirect_dma source(%dma_start3A_157 : memref<10000x128xf32, #tpu.memory_space<hbm>>) target(%arg9 : memref<128x128xf32, #tpu.memory_space<vmem>>) offsets(%dma_start3A_154 : memref<128xi32, #tpu.memory_space<vmem>>) semaphore(%arg12 : memref<!tpu.dma_semaphore, #tpu.memory_space<semaphore_mem>>)
        } else {
        }
      }
      %scan3A_90 = arith.constant 20 : i32
      %dma_wait3A = arith.constant 38 : i32
      %dma_wait3A_91 = arith.constant 0 : i32
      %dma_wait3A_92 = tpu.memref_slice %arg7[%dma_wait3A, %dma_wait3A_91] : memref<40x128xi32, #tpu.memory_space<vmem>> -> memref<1x128xi32, #tpu.memory_space<vmem>>
      %dma_wait3A_93 = tpu.memref_squeeze %dma_wait3A_92 : memref<1x128xi32, #tpu.memory_space<vmem>> -> memref<128xi32, #tpu.memory_space<vmem>>
      %dma_wait3A_94 = arith.constant 0 : i32
      %dma_wait3A_95 = arith.constant 0 : i32
      %dma_wait3A_96 = tpu.memref_slice %arg10[%dma_wait3A_94, %dma_wait3A_95] : memref<10240x128xf32, #tpu.memory_space<vmem_shared>> -> memref<10240x128xf32, #tpu.memory_space<vmem_shared>>
      tpu.wait_indirect_dma semaphore(%arg13 : memref<!tpu.dma_semaphore, #tpu.memory_space<semaphore_mem>>) src(%arg8 : memref<128x128xf32, #tpu.memory_space<vmem>>) dst(%dma_wait3A_96 : memref<10240x128xf32, #tpu.memory_space<vmem_shared>>)
      %dma_wait3A_97 = arith.constant 39 : i32
      %dma_wait3A_98 = arith.constant 0 : i32
      %dma_wait3A_99 = tpu.memref_slice %arg7[%dma_wait3A_97, %dma_wait3A_98] : memref<40x128xi32, #tpu.memory_space<vmem>> -> memref<1x128xi32, #tpu.memory_space<vmem>>
      %dma_wait3A_100 = tpu.memref_squeeze %dma_wait3A_99 : memref<1x128xi32, #tpu.memory_space<vmem>> -> memref<128xi32, #tpu.memory_space<vmem>>
      %dma_wait3A_101 = arith.constant 0 : i32
      %dma_wait3A_102 = arith.constant 0 : i32
      %dma_wait3A_103 = tpu.memref_slice %arg10[%dma_wait3A_101, %dma_wait3A_102] : memref<10240x128xf32, #tpu.memory_space<vmem_shared>> -> memref<10240x128xf32, #tpu.memory_space<vmem_shared>>
      tpu.wait_indirect_dma semaphore(%arg14 : memref<!tpu.dma_semaphore, #tpu.memory_space<semaphore_mem>>) src(%arg9 : memref<128x128xf32, #tpu.memory_space<vmem>>) dst(%dma_wait3A_103 : memref<10240x128xf32, #tpu.memory_space<vmem_shared>>)
    }
    %while3A_46 = arith.constant 1 : i32
    scf.for %while3A_68 = %while3A_44 to %while3A_40 step %while3A_46  : i32 {
      %mul3A_69 = arith.constant 40 : i32
      %mul3A_70 = arith.muli %while3A_68, %mul3A_69 : i32
      %add3A_71 = arith.addi %select_n3A, %mul3A_70 : i32
      %multiple_of3A = tpu.assume_multiple %add3A_71, 8 : i32
      "tpu.region"() ({
        %run_scoped3A = tpu.sem_alloc : memref<!tpu.dma_semaphore, #tpu.memory_space<semaphore_mem>>
        %dma_start3A_104 = arith.constant 0 : i32
        %dma_start3A_105 = tpu.memref_slice %arg3[%multiple_of3A, %dma_start3A_104] : memref<2560x128xi32, #tpu.memory_space<hbm>> -> memref<40x128xi32, #tpu.memory_space<hbm>>
        %dma_start3A_106 = arith.constant 0 : i32
        %dma_start3A_107 = tpu.memref_slice %arg3[%multiple_of3A, %dma_start3A_106] : memref<2560x128xi32, #tpu.memory_space<hbm>> -> memref<40x128xi32, #tpu.memory_space<hbm>>
        tpu.enqueue_dma source(%dma_start3A_107 : memref<40x128xi32, #tpu.memory_space<hbm>>) target(%arg6 : memref<40x128xi32, #tpu.memory_space<vmem>>) target_semaphore(%run_scoped3A : memref<!tpu.dma_semaphore, #tpu.memory_space<semaphore_mem>>)
        %dma_wait3A_108 = arith.constant 0 : i32
        %dma_wait3A_109 = tpu.memref_slice %arg3[%multiple_of3A, %dma_wait3A_108] : memref<2560x128xi32, #tpu.memory_space<hbm>> -> memref<40x128xi32, #tpu.memory_space<hbm>>
        %dma_wait3A_110 = arith.constant 0 : i32
        %dma_wait3A_111 = tpu.memref_slice %arg3[%multiple_of3A, %dma_wait3A_110] : memref<2560x128xi32, #tpu.memory_space<hbm>> -> memref<40x128xi32, #tpu.memory_space<hbm>>
        tpu.wait_dma2 semaphore(%run_scoped3A : memref<!tpu.dma_semaphore, #tpu.memory_space<semaphore_mem>>) src(%dma_wait3A_111 : memref<40x128xi32, #tpu.memory_space<hbm>>) dst(%arg6 : memref<40x128xi32, #tpu.memory_space<vmem>>)
        tpu.yield
      }) : () -> ()
      "tpu.region"() ({
        %run_scoped3A = tpu.sem_alloc : memref<!tpu.dma_semaphore, #tpu.memory_space<semaphore_mem>>
        %dma_start3A_104 = arith.constant 0 : i32
        %dma_start3A_105 = tpu.memref_slice %arg4[%multiple_of3A, %dma_start3A_104] : memref<2560x128xi32, #tpu.memory_space<hbm>> -> memref<40x128xi32, #tpu.memory_space<hbm>>
        %dma_start3A_106 = arith.constant 0 : i32
        %dma_start3A_107 = tpu.memref_slice %arg4[%multiple_of3A, %dma_start3A_106] : memref<2560x128xi32, #tpu.memory_space<hbm>> -> memref<40x128xi32, #tpu.memory_space<hbm>>
        tpu.enqueue_dma source(%dma_start3A_107 : memref<40x128xi32, #tpu.memory_space<hbm>>) target(%arg7 : memref<40x128xi32, #tpu.memory_space<vmem>>) target_semaphore(%run_scoped3A : memref<!tpu.dma_semaphore, #tpu.memory_space<semaphore_mem>>)
        %dma_wait3A_108 = arith.constant 0 : i32
        %dma_wait3A_109 = tpu.memref_slice %arg4[%multiple_of3A, %dma_wait3A_108] : memref<2560x128xi32, #tpu.memory_space<hbm>> -> memref<40x128xi32, #tpu.memory_space<hbm>>
        %dma_wait3A_110 = arith.constant 0 : i32
        %dma_wait3A_111 = tpu.memref_slice %arg4[%multiple_of3A, %dma_wait3A_110] : memref<2560x128xi32, #tpu.memory_space<hbm>> -> memref<40x128xi32, #tpu.memory_space<hbm>>
        tpu.wait_dma2 semaphore(%run_scoped3A : memref<!tpu.dma_semaphore, #tpu.memory_space<semaphore_mem>>) src(%dma_wait3A_111 : memref<40x128xi32, #tpu.memory_space<hbm>>) dst(%arg7 : memref<40x128xi32, #tpu.memory_space<vmem>>)
        tpu.yield
      }) : () -> ()
      %dma_start3A = arith.constant 0 : i32
      %dma_start3A_72 = arith.constant 0 : i32
      %dma_start3A_73 = tpu.memref_slice %arg6[%dma_start3A, %dma_start3A_72] : memref<40x128xi32, #tpu.memory_space<vmem>> -> memref<1x128xi32, #tpu.memory_space<vmem>>
      %dma_start3A_74 = tpu.memref_squeeze %dma_start3A_73 : memref<1x128xi32, #tpu.memory_space<vmem>> -> memref<128xi32, #tpu.memory_space<vmem>>
      %dma_start3A_75 = arith.constant 0 : i32
      %dma_start3A_76 = arith.constant 0 : i32
      %dma_start3A_77 = tpu.memref_slice %arg2[%dma_start3A_75, %dma_start3A_76] : memref<10000x128xf32, #tpu.memory_space<hbm>> -> memref<10000x128xf32, #tpu.memory_space<hbm>>
      tpu.enqueue_indirect_dma source(%dma_start3A_77 : memref<10000x128xf32, #tpu.memory_space<hbm>>) target(%arg8 : memref<128x128xf32, #tpu.memory_space<vmem>>) offsets(%dma_start3A_74 : memref<128xi32, #tpu.memory_space<vmem>>) semaphore(%arg11 : memref<!tpu.dma_semaphore, #tpu.memory_space<semaphore_mem>>)
      %dma_start3A_78 = arith.constant 1 : i32
      %dma_start3A_79 = arith.constant 0 : i32
      %dma_start3A_80 = tpu.memref_slice %arg6[%dma_start3A_78, %dma_start3A_79] : memref<40x128xi32, #tpu.memory_space<vmem>> -> memref<1x128xi32, #tpu.memory_space<vmem>>
      %dma_start3A_81 = tpu.memref_squeeze %dma_start3A_80 : memref<1x128xi32, #tpu.memory_space<vmem>> -> memref<128xi32, #tpu.memory_space<vmem>>
      %dma_start3A_82 = arith.constant 0 : i32
      %dma_start3A_83 = arith.constant 0 : i32
      %dma_start3A_84 = tpu.memref_slice %arg2[%dma_start3A_82, %dma_start3A_83] : memref<10000x128xf32, #tpu.memory_space<hbm>> -> memref<10000x128xf32, #tpu.memory_space<hbm>>
      tpu.enqueue_indirect_dma source(%dma_start3A_84 : memref<10000x128xf32, #tpu.memory_space<hbm>>) target(%arg9 : memref<128x128xf32, #tpu.memory_space<vmem>>) offsets(%dma_start3A_81 : memref<128xi32, #tpu.memory_space<vmem>>) semaphore(%arg12 : memref<!tpu.dma_semaphore, #tpu.memory_space<semaphore_mem>>)
      %scan3A_85 = arith.constant 0 : i32
      %scan3A_86 = arith.constant 0 : i32
      %scan3A_87 = arith.constant 20 : i32
      %scan3A_88 = arith.addi %scan3A_86, %scan3A_87 : i32
      %scan3A_89 = arith.constant 1 : i32
      scf.for %scan3A_104 = %scan3A_86 to %scan3A_88 step %scan3A_89  : i32 {
        %mul3A_105 = arith.constant 2 : i32
        %mul3A_106 = arith.muli %mul3A_105, %scan3A_104 : i32
        %add3A_107 = arith.constant 0 : i32
        %add3A_108 = arith.addi %mul3A_106, %add3A_107 : i32
        %dma_wait3A_109 = arith.constant 0 : i32
        %dma_wait3A_110 = tpu.memref_slice %arg6[%add3A_108, %dma_wait3A_109] : memref<40x128xi32, #tpu.memory_space<vmem>> -> memref<1x128xi32, #tpu.memory_space<vmem>>
        %dma_wait3A_111 = tpu.memref_squeeze %dma_wait3A_110 : memref<1x128xi32, #tpu.memory_space<vmem>> -> memref<128xi32, #tpu.memory_space<vmem>>
        %dma_wait3A_112 = arith.constant 0 : i32
        %dma_wait3A_113 = arith.constant 0 : i32
        %dma_wait3A_114 = tpu.memref_slice %arg2[%dma_wait3A_112, %dma_wait3A_113] : memref<10000x128xf32, #tpu.memory_space<hbm>> -> memref<10000x128xf32, #tpu.memory_space<hbm>>
        tpu.wait_indirect_dma semaphore(%arg11 : memref<!tpu.dma_semaphore, #tpu.memory_space<semaphore_mem>>) src(%dma_wait3A_114 : memref<10000x128xf32, #tpu.memory_space<hbm>>) dst(%arg8 : memref<128x128xf32, #tpu.memory_space<vmem>>)
        %dma_start3A_115 = arith.constant 0 : i32
        %dma_start3A_116 = tpu.memref_slice %arg7[%add3A_108, %dma_start3A_115] : memref<40x128xi32, #tpu.memory_space<vmem>> -> memref<1x128xi32, #tpu.memory_space<vmem>>
        %dma_start3A_117 = tpu.memref_squeeze %dma_start3A_116 : memref<1x128xi32, #tpu.memory_space<vmem>> -> memref<128xi32, #tpu.memory_space<vmem>>
        %dma_start3A_118 = arith.constant 0 : i32
        %dma_start3A_119 = arith.constant 0 : i32
        %dma_start3A_120 = tpu.memref_slice %arg10[%dma_start3A_118, %dma_start3A_119] : memref<10240x128xf32, #tpu.memory_space<vmem_shared>> -> memref<10240x128xf32, #tpu.memory_space<vmem_shared>>
        tpu.enqueue_indirect_dma source(%arg8 : memref<128x128xf32, #tpu.memory_space<vmem>>) target(%dma_start3A_120 : memref<10240x128xf32, #tpu.memory_space<vmem_shared>>) offsets(%dma_start3A_117 : memref<128xi32, #tpu.memory_space<vmem>>) semaphore(%arg13 : memref<!tpu.dma_semaphore, #tpu.memory_space<semaphore_mem>>) {add = true}
        %lt3A = arith.constant 19 : i32
        %lt3A_121 = arith.cmpi slt, %scan3A_104, %lt3A : i32
        %convert_element_type3A = arith.extui %lt3A_121 : i1 to i32
        %cond3A = arith.constant 0 : i32
        %cond3A_122 = arith.cmpi ne, %convert_element_type3A, %cond3A : i32
        scf.if %cond3A_122 {
          %dma_wait3A_144 = arith.constant 0 : i32
          %dma_wait3A_145 = tpu.memref_slice %arg7[%add3A_108, %dma_wait3A_144] : memref<40x128xi32, #tpu.memory_space<vmem>> -> memref<1x128xi32, #tpu.memory_space<vmem>>
          %dma_wait3A_146 = tpu.memref_squeeze %dma_wait3A_145 : memref<1x128xi32, #tpu.memory_space<vmem>> -> memref<128xi32, #tpu.memory_space<vmem>>
          %dma_wait3A_147 = arith.constant 0 : i32
          %dma_wait3A_148 = arith.constant 0 : i32
          %dma_wait3A_149 = tpu.memref_slice %arg10[%dma_wait3A_147, %dma_wait3A_148] : memref<10240x128xf32, #tpu.memory_space<vmem_shared>> -> memref<10240x128xf32, #tpu.memory_space<vmem_shared>>
          tpu.wait_indirect_dma semaphore(%arg13 : memref<!tpu.dma_semaphore, #tpu.memory_space<semaphore_mem>>) src(%arg8 : memref<128x128xf32, #tpu.memory_space<vmem>>) dst(%dma_wait3A_149 : memref<10240x128xf32, #tpu.memory_space<vmem_shared>>)
          %add3A_150 = arith.constant 2 : i32
          %add3A_151 = arith.addi %add3A_108, %add3A_150 : i32
          %dma_start3A_152 = arith.constant 0 : i32
          %dma_start3A_153 = tpu.memref_slice %arg6[%add3A_151, %dma_start3A_152] : memref<40x128xi32, #tpu.memory_space<vmem>> -> memref<1x128xi32, #tpu.memory_space<vmem>>
          %dma_start3A_154 = tpu.memref_squeeze %dma_start3A_153 : memref<1x128xi32, #tpu.memory_space<vmem>> -> memref<128xi32, #tpu.memory_space<vmem>>
          %dma_start3A_155 = arith.constant 0 : i32
          %dma_start3A_156 = arith.constant 0 : i32
          %dma_start3A_157 = tpu.memref_slice %arg2[%dma_start3A_155, %dma_start3A_156] : memref<10000x128xf32, #tpu.memory_space<hbm>> -> memref<10000x128xf32, #tpu.memory_space<hbm>>
          tpu.enqueue_indirect_dma source(%dma_start3A_157 : memref<10000x128xf32, #tpu.memory_space<hbm>>) target(%arg8 : memref<128x128xf32, #tpu.memory_space<vmem>>) offsets(%dma_start3A_154 : memref<128xi32, #tpu.memory_space<vmem>>) semaphore(%arg11 : memref<!tpu.dma_semaphore, #tpu.memory_space<semaphore_mem>>)
        } else {
        }
        %mul3A_123 = arith.constant 2 : i32
        %mul3A_124 = arith.muli %mul3A_123, %scan3A_104 : i32
        %add3A_125 = arith.constant 1 : i32
        %add3A_126 = arith.addi %mul3A_124, %add3A_125 : i32
        %dma_wait3A_127 = arith.constant 0 : i32
        %dma_wait3A_128 = tpu.memref_slice %arg6[%add3A_126, %dma_wait3A_127] : memref<40x128xi32, #tpu.memory_space<vmem>> -> memref<1x128xi32, #tpu.memory_space<vmem>>
        %dma_wait3A_129 = tpu.memref_squeeze %dma_wait3A_128 : memref<1x128xi32, #tpu.memory_space<vmem>> -> memref<128xi32, #tpu.memory_space<vmem>>
        %dma_wait3A_130 = arith.constant 0 : i32
        %dma_wait3A_131 = arith.constant 0 : i32
        %dma_wait3A_132 = tpu.memref_slice %arg2[%dma_wait3A_130, %dma_wait3A_131] : memref<10000x128xf32, #tpu.memory_space<hbm>> -> memref<10000x128xf32, #tpu.memory_space<hbm>>
        tpu.wait_indirect_dma semaphore(%arg12 : memref<!tpu.dma_semaphore, #tpu.memory_space<semaphore_mem>>) src(%dma_wait3A_132 : memref<10000x128xf32, #tpu.memory_space<hbm>>) dst(%arg9 : memref<128x128xf32, #tpu.memory_space<vmem>>)
        %dma_start3A_133 = arith.constant 0 : i32
        %dma_start3A_134 = tpu.memref_slice %arg7[%add3A_126, %dma_start3A_133] : memref<40x128xi32, #tpu.memory_space<vmem>> -> memref<1x128xi32, #tpu.memory_space<vmem>>
        %dma_start3A_135 = tpu.memref_squeeze %dma_start3A_134 : memref<1x128xi32, #tpu.memory_space<vmem>> -> memref<128xi32, #tpu.memory_space<vmem>>
        %dma_start3A_136 = arith.constant 0 : i32
        %dma_start3A_137 = arith.constant 0 : i32
        %dma_start3A_138 = tpu.memref_slice %arg10[%dma_start3A_136, %dma_start3A_137] : memref<10240x128xf32, #tpu.memory_space<vmem_shared>> -> memref<10240x128xf32, #tpu.memory_space<vmem_shared>>
        tpu.enqueue_indirect_dma source(%arg9 : memref<128x128xf32, #tpu.memory_space<vmem>>) target(%dma_start3A_138 : memref<10240x128xf32, #tpu.memory_space<vmem_shared>>) offsets(%dma_start3A_135 : memref<128xi32, #tpu.memory_space<vmem>>) semaphore(%arg14 : memref<!tpu.dma_semaphore, #tpu.memory_space<semaphore_mem>>) {add = true}
        %lt3A_139 = arith.constant 19 : i32
        %lt3A_140 = arith.cmpi slt, %scan3A_104, %lt3A_139 : i32
        %convert_element_type3A_141 = arith.extui %lt3A_140 : i1 to i32
        %cond3A_142 = arith.constant 0 : i32
        %cond3A_143 = arith.cmpi ne, %convert_element_type3A_141, %cond3A_142 : i32
        scf.if %cond3A_143 {
          %dma_wait3A_144 = arith.constant 0 : i32
          %dma_wait3A_145 = tpu.memref_slice %arg7[%add3A_126, %dma_wait3A_144] : memref<40x128xi32, #tpu.memory_space<vmem>> -> memref<1x128xi32, #tpu.memory_space<vmem>>
          %dma_wait3A_146 = tpu.memref_squeeze %dma_wait3A_145 : memref<1x128xi32, #tpu.memory_space<vmem>> -> memref<128xi32, #tpu.memory_space<vmem>>
          %dma_wait3A_147 = arith.constant 0 : i32
          %dma_wait3A_148 = arith.constant 0 : i32
          %dma_wait3A_149 = tpu.memref_slice %arg10[%dma_wait3A_147, %dma_wait3A_148] : memref<10240x128xf32, #tpu.memory_space<vmem_shared>> -> memref<10240x128xf32, #tpu.memory_space<vmem_shared>>
          tpu.wait_indirect_dma semaphore(%arg14 : memref<!tpu.dma_semaphore, #tpu.memory_space<semaphore_mem>>) src(%arg9 : memref<128x128xf32, #tpu.memory_space<vmem>>) dst(%dma_wait3A_149 : memref<10240x128xf32, #tpu.memory_space<vmem_shared>>)
          %add3A_150 = arith.constant 2 : i32
          %add3A_151 = arith.addi %add3A_126, %add3A_150 : i32
          %dma_start3A_152 = arith.constant 0 : i32
          %dma_start3A_153 = tpu.memref_slice %arg6[%add3A_151, %dma_start3A_152] : memref<40x128xi32, #tpu.memory_space<vmem>> -> memref<1x128xi32, #tpu.memory_space<vmem>>
          %dma_start3A_154 = tpu.memref_squeeze %dma_start3A_153 : memref<1x128xi32, #tpu.memory_space<vmem>> -> memref<128xi32, #tpu.memory_space<vmem>>
          %dma_start3A_155 = arith.constant 0 : i32
          %dma_start3A_156 = arith.constant 0 : i32
          %dma_start3A_157 = tpu.memref_slice %arg2[%dma_start3A_155, %dma_start3A_156] : memref<10000x128xf32, #tpu.memory_space<hbm>> -> memref<10000x128xf32, #tpu.memory_space<hbm>>
          tpu.enqueue_indirect_dma source(%dma_start3A_157 : memref<10000x128xf32, #tpu.memory_space<hbm>>) target(%arg9 : memref<128x128xf32, #tpu.memory_space<vmem>>) offsets(%dma_start3A_154 : memref<128xi32, #tpu.memory_space<vmem>>) semaphore(%arg12 : memref<!tpu.dma_semaphore, #tpu.memory_space<semaphore_mem>>)
        } else {
        }
      }
      %scan3A_90 = arith.constant 20 : i32
      %dma_wait3A = arith.constant 38 : i32
      %dma_wait3A_91 = arith.constant 0 : i32
      %dma_wait3A_92 = tpu.memref_slice %arg7[%dma_wait3A, %dma_wait3A_91] : memref<40x128xi32, #tpu.memory_space<vmem>> -> memref<1x128xi32, #tpu.memory_space<vmem>>
      %dma_wait3A_93 = tpu.memref_squeeze %dma_wait3A_92 : memref<1x128xi32, #tpu.memory_space<vmem>> -> memref<128xi32, #tpu.memory_space<vmem>>
      %dma_wait3A_94 = arith.constant 0 : i32
      %dma_wait3A_95 = arith.constant 0 : i32
      %dma_wait3A_96 = tpu.memref_slice %arg10[%dma_wait3A_94, %dma_wait3A_95] : memref<10240x128xf32, #tpu.memory_space<vmem_shared>> -> memref<10240x128xf32, #tpu.memory_space<vmem_shared>>
      tpu.wait_indirect_dma semaphore(%arg13 : memref<!tpu.dma_semaphore, #tpu.memory_space<semaphore_mem>>) src(%arg8 : memref<128x128xf32, #tpu.memory_space<vmem>>) dst(%dma_wait3A_96 : memref<10240x128xf32, #tpu.memory_space<vmem_shared>>)
      %dma_wait3A_97 = arith.constant 39 : i32
      %dma_wait3A_98 = arith.constant 0 : i32
      %dma_wait3A_99 = tpu.memref_slice %arg7[%dma_wait3A_97, %dma_wait3A_98] : memref<40x128xi32, #tpu.memory_space<vmem>> -> memref<1x128xi32, #tpu.memory_space<vmem>>
      %dma_wait3A_100 = tpu.memref_squeeze %dma_wait3A_99 : memref<1x128xi32, #tpu.memory_space<vmem>> -> memref<128xi32, #tpu.memory_space<vmem>>
      %dma_wait3A_101 = arith.constant 0 : i32
      %dma_wait3A_102 = arith.constant 0 : i32
      %dma_wait3A_103 = tpu.memref_slice %arg10[%dma_wait3A_101, %dma_wait3A_102] : memref<10240x128xf32, #tpu.memory_space<vmem_shared>> -> memref<10240x128xf32, #tpu.memory_space<vmem_shared>>
      tpu.wait_indirect_dma semaphore(%arg14 : memref<!tpu.dma_semaphore, #tpu.memory_space<semaphore_mem>>) src(%arg9 : memref<128x128xf32, #tpu.memory_space<vmem>>) dst(%dma_wait3A_103 : memref<10240x128xf32, #tpu.memory_space<vmem_shared>>)
    }
    %barrier3A_47 = arith.constant 0 : index
    tpu.barrier barrier_id(%barrier3A_47)
    %mul3A_48 = arith.constant 640 : i32
    %mul3A_49 = arith.muli %arg1, %mul3A_48 : i32
    %add3A_50 = arith.constant 0 : i32
    %add3A_51 = arith.addi %mul3A_49, %add3A_50 : i32
    "tpu.region"() ({
      %run_scoped3A = tpu.sem_alloc : memref<!tpu.dma_semaphore, #tpu.memory_space<semaphore_mem>>
      %dma_start3A = arith.constant 0 : i32
      %dma_start3A_68 = tpu.memref_slice %arg5[%arg0, %add3A_51, %dma_start3A] : memref<2x10240x128xf32, #tpu.memory_space<hbm>> -> memref<1x128x128xf32, #tpu.memory_space<hbm>>
      %dma_start3A_69 = tpu.memref_squeeze %dma_start3A_68 : memref<1x128x128xf32, #tpu.memory_space<hbm>> -> memref<128x128xf32, #tpu.memory_space<hbm>>
      %dma_start3A_70 = arith.constant 0 : i32
      %dma_start3A_71 = tpu.memref_slice %arg10[%add3A_51, %dma_start3A_70] : memref<10240x128xf32, #tpu.memory_space<vmem_shared>> -> memref<128x128xf32, #tpu.memory_space<vmem_shared>>
      tpu.enqueue_dma source(%dma_start3A_71 : memref<128x128xf32, #tpu.memory_space<vmem_shared>>) target(%dma_start3A_69 : memref<128x128xf32, #tpu.memory_space<hbm>>) target_semaphore(%run_scoped3A : memref<!tpu.dma_semaphore, #tpu.memory_space<semaphore_mem>>)
      %dma_wait3A = arith.constant 0 : i32
      %dma_wait3A_72 = tpu.memref_slice %arg5[%arg0, %add3A_51, %dma_wait3A] : memref<2x10240x128xf32, #tpu.memory_space<hbm>> -> memref<1x128x128xf32, #tpu.memory_space<hbm>>
      %dma_wait3A_73 = tpu.memref_squeeze %dma_wait3A_72 : memref<1x128x128xf32, #tpu.memory_space<hbm>> -> memref<128x128xf32, #tpu.memory_space<hbm>>
      %dma_wait3A_74 = arith.constant 0 : i32
      %dma_wait3A_75 = tpu.memref_slice %arg10[%add3A_51, %dma_wait3A_74] : memref<10240x128xf32, #tpu.memory_space<vmem_shared>> -> memref<128x128xf32, #tpu.memory_space<vmem_shared>>
      tpu.wait_dma2 semaphore(%run_scoped3A : memref<!tpu.dma_semaphore, #tpu.memory_space<semaphore_mem>>) src(%dma_wait3A_75 : memref<128x128xf32, #tpu.memory_space<vmem_shared>>) dst(%dma_wait3A_73 : memref<128x128xf32, #tpu.memory_space<hbm>>)
      tpu.yield
    }) : () -> ()
    %mul3A_52 = arith.constant 640 : i32
    %mul3A_53 = arith.muli %arg1, %mul3A_52 : i32
    %add3A_54 = arith.constant 128 : i32
    %add3A_55 = arith.addi %mul3A_53, %add3A_54 : i32
    "tpu.region"() ({
      %run_scoped3A = tpu.sem_alloc : memref<!tpu.dma_semaphore, #tpu.memory_space<semaphore_mem>>
      %dma_start3A = arith.constant 0 : i32
      %dma_start3A_68 = tpu.memref_slice %arg5[%arg0, %add3A_55, %dma_start3A] : memref<2x10240x128xf32, #tpu.memory_space<hbm>> -> memref<1x128x128xf32, #tpu.memory_space<hbm>>
      %dma_start3A_69 = tpu.memref_squeeze %dma_start3A_68 : memref<1x128x128xf32, #tpu.memory_space<hbm>> -> memref<128x128xf32, #tpu.memory_space<hbm>>
      %dma_start3A_70 = arith.constant 0 : i32
      %dma_start3A_71 = tpu.memref_slice %arg10[%add3A_55, %dma_start3A_70] : memref<10240x128xf32, #tpu.memory_space<vmem_shared>> -> memref<128x128xf32, #tpu.memory_space<vmem_shared>>
      tpu.enqueue_dma source(%dma_start3A_71 : memref<128x128xf32, #tpu.memory_space<vmem_shared>>) target(%dma_start3A_69 : memref<128x128xf32, #tpu.memory_space<hbm>>) target_semaphore(%run_scoped3A : memref<!tpu.dma_semaphore, #tpu.memory_space<semaphore_mem>>)
      %dma_wait3A = arith.constant 0 : i32
      %dma_wait3A_72 = tpu.memref_slice %arg5[%arg0, %add3A_55, %dma_wait3A] : memref<2x10240x128xf32, #tpu.memory_space<hbm>> -> memref<1x128x128xf32, #tpu.memory_space<hbm>>
      %dma_wait3A_73 = tpu.memref_squeeze %dma_wait3A_72 : memref<1x128x128xf32, #tpu.memory_space<hbm>> -> memref<128x128xf32, #tpu.memory_space<hbm>>
      %dma_wait3A_74 = arith.constant 0 : i32
      %dma_wait3A_75 = tpu.memref_slice %arg10[%add3A_55, %dma_wait3A_74] : memref<10240x128xf32, #tpu.memory_space<vmem_shared>> -> memref<128x128xf32, #tpu.memory_space<vmem_shared>>
      tpu.wait_dma2 semaphore(%run_scoped3A : memref<!tpu.dma_semaphore, #tpu.memory_space<semaphore_mem>>) src(%dma_wait3A_75 : memref<128x128xf32, #tpu.memory_space<vmem_shared>>) dst(%dma_wait3A_73 : memref<128x128xf32, #tpu.memory_space<hbm>>)
      tpu.yield
    }) : () -> ()
    %mul3A_56 = arith.constant 640 : i32
    %mul3A_57 = arith.muli %arg1, %mul3A_56 : i32
    %add3A_58 = arith.constant 256 : i32
    %add3A_59 = arith.addi %mul3A_57, %add3A_58 : i32
    "tpu.region"() ({
      %run_scoped3A = tpu.sem_alloc : memref<!tpu.dma_semaphore, #tpu.memory_space<semaphore_mem>>
      %dma_start3A = arith.constant 0 : i32
      %dma_start3A_68 = tpu.memref_slice %arg5[%arg0, %add3A_59, %dma_start3A] : memref<2x10240x128xf32, #tpu.memory_space<hbm>> -> memref<1x128x128xf32, #tpu.memory_space<hbm>>
      %dma_start3A_69 = tpu.memref_squeeze %dma_start3A_68 : memref<1x128x128xf32, #tpu.memory_space<hbm>> -> memref<128x128xf32, #tpu.memory_space<hbm>>
      %dma_start3A_70 = arith.constant 0 : i32
      %dma_start3A_71 = tpu.memref_slice %arg10[%add3A_59, %dma_start3A_70] : memref<10240x128xf32, #tpu.memory_space<vmem_shared>> -> memref<128x128xf32, #tpu.memory_space<vmem_shared>>
      tpu.enqueue_dma source(%dma_start3A_71 : memref<128x128xf32, #tpu.memory_space<vmem_shared>>) target(%dma_start3A_69 : memref<128x128xf32, #tpu.memory_space<hbm>>) target_semaphore(%run_scoped3A : memref<!tpu.dma_semaphore, #tpu.memory_space<semaphore_mem>>)
      %dma_wait3A = arith.constant 0 : i32
      %dma_wait3A_72 = tpu.memref_slice %arg5[%arg0, %add3A_59, %dma_wait3A] : memref<2x10240x128xf32, #tpu.memory_space<hbm>> -> memref<1x128x128xf32, #tpu.memory_space<hbm>>
      %dma_wait3A_73 = tpu.memref_squeeze %dma_wait3A_72 : memref<1x128x128xf32, #tpu.memory_space<hbm>> -> memref<128x128xf32, #tpu.memory_space<hbm>>
      %dma_wait3A_74 = arith.constant 0 : i32
      %dma_wait3A_75 = tpu.memref_slice %arg10[%add3A_59, %dma_wait3A_74] : memref<10240x128xf32, #tpu.memory_space<vmem_shared>> -> memref<128x128xf32, #tpu.memory_space<vmem_shared>>
      tpu.wait_dma2 semaphore(%run_scoped3A : memref<!tpu.dma_semaphore, #tpu.memory_space<semaphore_mem>>) src(%dma_wait3A_75 : memref<128x128xf32, #tpu.memory_space<vmem_shared>>) dst(%dma_wait3A_73 : memref<128x128xf32, #tpu.memory_space<hbm>>)
      tpu.yield
    }) : () -> ()
    %mul3A_60 = arith.constant 640 : i32
    %mul3A_61 = arith.muli %arg1, %mul3A_60 : i32
    %add3A_62 = arith.constant 384 : i32
    %add3A_63 = arith.addi %mul3A_61, %add3A_62 : i32
    "tpu.region"() ({
      %run_scoped3A = tpu.sem_alloc : memref<!tpu.dma_semaphore, #tpu.memory_space<semaphore_mem>>
      %dma_start3A = arith.constant 0 : i32
      %dma_start3A_68 = tpu.memref_slice %arg5[%arg0, %add3A_63, %dma_start3A] : memref<2x10240x128xf32, #tpu.memory_space<hbm>> -> memref<1x128x128xf32, #tpu.memory_space<hbm>>
      %dma_start3A_69 = tpu.memref_squeeze %dma_start3A_68 : memref<1x128x128xf32, #tpu.memory_space<hbm>> -> memref<128x128xf32, #tpu.memory_space<hbm>>
      %dma_start3A_70 = arith.constant 0 : i32
      %dma_start3A_71 = tpu.memref_slice %arg10[%add3A_63, %dma_start3A_70] : memref<10240x128xf32, #tpu.memory_space<vmem_shared>> -> memref<128x128xf32, #tpu.memory_space<vmem_shared>>
      tpu.enqueue_dma source(%dma_start3A_71 : memref<128x128xf32, #tpu.memory_space<vmem_shared>>) target(%dma_start3A_69 : memref<128x128xf32, #tpu.memory_space<hbm>>) target_semaphore(%run_scoped3A : memref<!tpu.dma_semaphore, #tpu.memory_space<semaphore_mem>>)
      %dma_wait3A = arith.constant 0 : i32
      %dma_wait3A_72 = tpu.memref_slice %arg5[%arg0, %add3A_63, %dma_wait3A] : memref<2x10240x128xf32, #tpu.memory_space<hbm>> -> memref<1x128x128xf32, #tpu.memory_space<hbm>>
      %dma_wait3A_73 = tpu.memref_squeeze %dma_wait3A_72 : memref<1x128x128xf32, #tpu.memory_space<hbm>> -> memref<128x128xf32, #tpu.memory_space<hbm>>
      %dma_wait3A_74 = arith.constant 0 : i32
      %dma_wait3A_75 = tpu.memref_slice %arg10[%add3A_63, %dma_wait3A_74] : memref<10240x128xf32, #tpu.memory_space<vmem_shared>> -> memref<128x128xf32, #tpu.memory_space<vmem_shared>>
      tpu.wait_dma2 semaphore(%run_scoped3A : memref<!tpu.dma_semaphore, #tpu.memory_space<semaphore_mem>>) src(%dma_wait3A_75 : memref<128x128xf32, #tpu.memory_space<vmem_shared>>) dst(%dma_wait3A_73 : memref<128x128xf32, #tpu.memory_space<hbm>>)
      tpu.yield
    }) : () -> ()
    %mul3A_64 = arith.constant 640 : i32
    %mul3A_65 = arith.muli %arg1, %mul3A_64 : i32
    %add3A_66 = arith.constant 512 : i32
    %add3A_67 = arith.addi %mul3A_65, %add3A_66 : i32
    "tpu.region"() ({
      %run_scoped3A = tpu.sem_alloc : memref<!tpu.dma_semaphore, #tpu.memory_space<semaphore_mem>>
      %dma_start3A = arith.constant 0 : i32
      %dma_start3A_68 = tpu.memref_slice %arg5[%arg0, %add3A_67, %dma_start3A] : memref<2x10240x128xf32, #tpu.memory_space<hbm>> -> memref<1x128x128xf32, #tpu.memory_space<hbm>>
      %dma_start3A_69 = tpu.memref_squeeze %dma_start3A_68 : memref<1x128x128xf32, #tpu.memory_space<hbm>> -> memref<128x128xf32, #tpu.memory_space<hbm>>
      %dma_start3A_70 = arith.constant 0 : i32
      %dma_start3A_71 = tpu.memref_slice %arg10[%add3A_67, %dma_start3A_70] : memref<10240x128xf32, #tpu.memory_space<vmem_shared>> -> memref<128x128xf32, #tpu.memory_space<vmem_shared>>
      tpu.enqueue_dma source(%dma_start3A_71 : memref<128x128xf32, #tpu.memory_space<vmem_shared>>) target(%dma_start3A_69 : memref<128x128xf32, #tpu.memory_space<hbm>>) target_semaphore(%run_scoped3A : memref<!tpu.dma_semaphore, #tpu.memory_space<semaphore_mem>>)
      %dma_wait3A = arith.constant 0 : i32
      %dma_wait3A_72 = tpu.memref_slice %arg5[%arg0, %add3A_67, %dma_wait3A] : memref<2x10240x128xf32, #tpu.memory_space<hbm>> -> memref<1x128x128xf32, #tpu.memory_space<hbm>>
      %dma_wait3A_73 = tpu.memref_squeeze %dma_wait3A_72 : memref<1x128x128xf32, #tpu.memory_space<hbm>> -> memref<128x128xf32, #tpu.memory_space<hbm>>
      %dma_wait3A_74 = arith.constant 0 : i32
      %dma_wait3A_75 = tpu.memref_slice %arg10[%add3A_67, %dma_wait3A_74] : memref<10240x128xf32, #tpu.memory_space<vmem_shared>> -> memref<128x128xf32, #tpu.memory_space<vmem_shared>>
      tpu.wait_dma2 semaphore(%run_scoped3A : memref<!tpu.dma_semaphore, #tpu.memory_space<semaphore_mem>>) src(%dma_wait3A_75 : memref<128x128xf32, #tpu.memory_space<vmem_shared>>) dst(%dma_wait3A_73 : memref<128x128xf32, #tpu.memory_space<hbm>>)
      tpu.yield
    }) : () -> ()
    return
  }
}

#map = affine_map<(d0, d1) -> (0, 0)>
#map1 = affine_map<(d0, d1) -> (0, 0, 0)>
module attributes {stable_mosaic.version = 14 : i64} {
  func.func @_scatter_kernel(%arg0: i32, %arg1: i32, %arg2: memref<10000x128xf32, #tpu.memory_space<hbm>>, %arg3: memref<2560x128xi32, #tpu.memory_space<hbm>>, %arg4: memref<2560x128xi32, #tpu.memory_space<hbm>>, %arg5: memref<2x10240x128xf32, #tpu.memory_space<hbm>>, %arg6: memref<40x128xi32, #tpu.memory_space<vmem>>, %arg7: memref<40x128xi32, #tpu.memory_space<vmem>>, %arg8: memref<128x128xf32, #tpu.memory_space<vmem>>, %arg9: memref<128x128xf32, #tpu.memory_space<vmem>>, %arg10: memref<10240x128xf32, #tpu.memory_space<vmem_shared>>, %arg11: memref<!tpu.dma_semaphore, #tpu.memory_space<semaphore_mem>>, %arg12: memref<!tpu.dma_semaphore, #tpu.memory_space<semaphore_mem>>, %arg13: memref<!tpu.dma_semaphore, #tpu.memory_space<semaphore_mem>>, %arg14: memref<!tpu.dma_semaphore, #tpu.memory_space<semaphore_mem>>) attributes {dimension_semantics = [#tpu.dimension_semantics<core_parallel>, #tpu.dimension_semantics<subcore_parallel>], iteration_bounds = array<i64: 2, 16>, scalar_prefetch = 0 : i64, scratch_operands = 9 : i64, tpu.core_type = #tpu.core_type<sc_vector_subcore>, window_params = [{transform_indices = #map}, {transform_indices = #map}, {transform_indices = #map}, {transform_indices = #map1}]} {
    %mul3A = arith.constant 2 : i32
    %mul3A_0 = arith.muli %arg1, %mul3A : i32
    %add3A = arith.addi %mul3A_0, %arg0 : i32
    %broadcast_in_dim3A = arith.constant 0.000000e+00 : f32
    %broadcast_in_dim3A_1 = vector.broadcast %broadcast_in_dim3A : f32 to vector<16xf32>
    %scan3A = arith.constant 0 : i32
    %scan3A_2 = arith.constant 0 : i32
    %scan3A_3 = arith.constant 128 : i32
    %scan3A_4 = arith.addi %scan3A_2, %scan3A_3 : i32
    %scan3A_5 = arith.constant 1 : i32
    scf.for %scan3A_68 = %scan3A_2 to %scan3A_4 step %scan3A_5  : i32 {
      %swap3A = arith.index_cast %scan3A_68 : i32 to index
      %swap3A_69 = arith.constant 0 : index
      %swap3A_70 = tpu.vector_load %arg8[%swap3A, %swap3A_69] {strides = array<i32>} : memref<128x128xf32, #tpu.memory_space<vmem>>, vector<1x16xf32>,
      %swap3A_71 = vector.shape_cast %swap3A_70 : vector<1x16xf32> to vector<16xf32>
      %swap3A_72 = vector.shape_cast %broadcast_in_dim3A_1 : vector<16xf32> to vector<1x16xf32>
      tpu.vector_store %arg8[%swap3A, %swap3A_69], %swap3A_72 {strides = array<i32>} : memref<128x128xf32, #tpu.memory_space<vmem>>, vector<1x16xf32>,
      %swap3A_73 = arith.index_cast %scan3A_68 : i32 to index
      %swap3A_74 = arith.constant 16 : index
      %swap3A_75 = tpu.vector_load %arg8[%swap3A_73, %swap3A_74] {strides = array<i32>} : memref<128x128xf32, #tpu.memory_space<vmem>>, vector<1x16xf32>,
      %swap3A_76 = vector.shape_cast %swap3A_75 : vector<1x16xf32> to vector<16xf32>
      %swap3A_77 = vector.shape_cast %broadcast_in_dim3A_1 : vector<16xf32> to vector<1x16xf32>
      tpu.vector_store %arg8[%swap3A_73, %swap3A_74], %swap3A_77 {strides = array<i32>} : memref<128x128xf32, #tpu.memory_space<vmem>>, vector<1x16xf32>,
      %swap3A_78 = arith.index_cast %scan3A_68 : i32 to index
      %swap3A_79 = arith.constant 32 : index
      %swap3A_80 = tpu.vector_load %arg8[%swap3A_78, %swap3A_79] {strides = array<i32>} : memref<128x128xf32, #tpu.memory_space<vmem>>, vector<1x16xf32>,
      %swap3A_81 = vector.shape_cast %swap3A_80 : vector<1x16xf32> to vector<16xf32>
      %swap3A_82 = vector.shape_cast %broadcast_in_dim3A_1 : vector<16xf32> to vector<1x16xf32>
      tpu.vector_store %arg8[%swap3A_78, %swap3A_79], %swap3A_82 {strides = array<i32>} : memref<128x128xf32, #tpu.memory_space<vmem>>, vector<1x16xf32>,
      %swap3A_83 = arith.index_cast %scan3A_68 : i32 to index
      %swap3A_84 = arith.constant 48 : index
      %swap3A_85 = tpu.vector_load %arg8[%swap3A_83, %swap3A_84] {strides = array<i32>} : memref<128x128xf32, #tpu.memory_space<vmem>>, vector<1x16xf32>,
      %swap3A_86 = vector.shape_cast %swap3A_85 : vector<1x16xf32> to vector<16xf32>
      %swap3A_87 = vector.shape_cast %broadcast_in_dim3A_1 : vector<16xf32> to vector<1x16xf32>
      tpu.vector_store %arg8[%swap3A_83, %swap3A_84], %swap3A_87 {strides = array<i32>} : memref<128x128xf32, #tpu.memory_space<vmem>>, vector<1x16xf32>,
      %swap3A_88 = arith.index_cast %scan3A_68 : i32 to index
      %swap3A_89 = arith.constant 64 : index
      %swap3A_90 = tpu.vector_load %arg8[%swap3A_88, %swap3A_89] {strides = array<i32>} : memref<128x128xf32, #tpu.memory_space<vmem>>, vector<1x16xf32>,
      %swap3A_91 = vector.shape_cast %swap3A_90 : vector<1x16xf32> to vector<16xf32>
      %swap3A_92 = vector.shape_cast %broadcast_in_dim3A_1 : vector<16xf32> to vector<1x16xf32>
      tpu.vector_store %arg8[%swap3A_88, %swap3A_89], %swap3A_92 {strides = array<i32>} : memref<128x128xf32, #tpu.memory_space<vmem>>, vector<1x16xf32>,
      %swap3A_93 = arith.index_cast %scan3A_68 : i32 to index
      %swap3A_94 = arith.constant 80 : index
      %swap3A_95 = tpu.vector_load %arg8[%swap3A_93, %swap3A_94] {strides = array<i32>} : memref<128x128xf32, #tpu.memory_space<vmem>>, vector<1x16xf32>,
      %swap3A_96 = vector.shape_cast %swap3A_95 : vector<1x16xf32> to vector<16xf32>
      %swap3A_97 = vector.shape_cast %broadcast_in_dim3A_1 : vector<16xf32> to vector<1x16xf32>
      tpu.vector_store %arg8[%swap3A_93, %swap3A_94], %swap3A_97 {strides = array<i32>} : memref<128x128xf32, #tpu.memory_space<vmem>>, vector<1x16xf32>,
      %swap3A_98 = arith.index_cast %scan3A_68 : i32 to index
      %swap3A_99 = arith.constant 96 : index
      %swap3A_100 = tpu.vector_load %arg8[%swap3A_98, %swap3A_99] {strides = array<i32>} : memref<128x128xf32, #tpu.memory_space<vmem>>, vector<1x16xf32>,
      %swap3A_101 = vector.shape_cast %swap3A_100 : vector<1x16xf32> to vector<16xf32>
      %swap3A_102 = vector.shape_cast %broadcast_in_dim3A_1 : vector<16xf32> to vector<1x16xf32>
      tpu.vector_store %arg8[%swap3A_98, %swap3A_99], %swap3A_102 {strides = array<i32>} : memref<128x128xf32, #tpu.memory_space<vmem>>, vector<1x16xf32>,
      %swap3A_103 = arith.index_cast %scan3A_68 : i32 to index
      %swap3A_104 = arith.constant 112 : index
      %swap3A_105 = tpu.vector_load %arg8[%swap3A_103, %swap3A_104] {strides = array<i32>} : memref<128x128xf32, #tpu.memory_space<vmem>>, vector<1x16xf32>,
      %swap3A_106 = vector.shape_cast %swap3A_105 : vector<1x16xf32> to vector<16xf32>
      %swap3A_107 = vector.shape_cast %broadcast_in_dim3A_1 : vector<16xf32> to vector<1x16xf32>
      tpu.vector_store %arg8[%swap3A_103, %swap3A_104], %swap3A_107 {strides = array<i32>} : memref<128x128xf32, #tpu.memory_space<vmem>>, vector<1x16xf32>,
    }
    %scan3A_6 = arith.constant 128 : i32
    %mul3A_7 = arith.constant 640 : i32
    %mul3A_8 = arith.muli %arg1, %mul3A_7 : i32
    %add3A_9 = arith.constant 0 : i32
    %add3A_10 = arith.addi %mul3A_8, %add3A_9 : i32
    "tpu.region"() ({
      %run_scoped3A = tpu.sem_alloc : memref<!tpu.dma_semaphore, #tpu.memory_space<semaphore_mem>>
      %dma_start3A = arith.constant 0 : i32
      %dma_start3A_68 = tpu.memref_slice %arg10[%add3A_10, %dma_start3A] : memref<10240x128xf32, #tpu.memory_space<vmem_shared>> -> memref<128x128xf32, #tpu.memory_space<vmem_shared>>
      %dma_start3A_69 = arith.constant 0 : i32
      %dma_start3A_70 = tpu.memref_slice %arg10[%add3A_10, %dma_start3A_69] : memref<10240x128xf32, #tpu.memory_space<vmem_shared>> -> memref<128x128xf32, #tpu.memory_space<vmem_shared>>
      tpu.enqueue_dma source(%arg8 : memref<128x128xf32, #tpu.memory_space<vmem>>) target(%dma_start3A_70 : memref<128x128xf32, #tpu.memory_space<vmem_shared>>) target_semaphore(%run_scoped3A : memref<!tpu.dma_semaphore, #tpu.memory_space<semaphore_mem>>)
      %dma_wait3A = arith.constant 0 : i32
      %dma_wait3A_71 = tpu.memref_slice %arg10[%add3A_10, %dma_wait3A] : memref<10240x128xf32, #tpu.memory_space<vmem_shared>> -> memref<128x128xf32, #tpu.memory_space<vmem_shared>>
      %dma_wait3A_72 = arith.constant 0 : i32
      %dma_wait3A_73 = tpu.memref_slice %arg10[%add3A_10, %dma_wait3A_72] : memref<10240x128xf32, #tpu.memory_space<vmem_shared>> -> memref<128x128xf32, #tpu.memory_space<vmem_shared>>
      tpu.wait_dma2 semaphore(%run_scoped3A : memref<!tpu.dma_semaphore, #tpu.memory_space<semaphore_mem>>) src(%arg8 : memref<128x128xf32, #tpu.memory_space<vmem>>) dst(%dma_wait3A_73 : memref<128x128xf32, #tpu.memory_space<vmem_shared>>)
      tpu.yield
    }) : () -> ()
    %mul3A_11 = arith.constant 640 : i32
    %mul3A_12 = arith.muli %arg1, %mul3A_11 : i32
    %add3A_13 = arith.constant 128 : i32
    %add3A_14 = arith.addi %mul3A_12, %add3A_13 : i32
    "tpu.region"() ({
      %run_scoped3A = tpu.sem_alloc : memref<!tpu.dma_semaphore, #tpu.memory_space<semaphore_mem>>
      %dma_start3A = arith.constant 0 : i32
      %dma_start3A_68 = tpu.memref_slice %arg10[%add3A_14, %dma_start3A] : memref<10240x128xf32, #tpu.memory_space<vmem_shared>> -> memref<128x128xf32, #tpu.memory_space<vmem_shared>>
      %dma_start3A_69 = arith.constant 0 : i32
      %dma_start3A_70 = tpu.memref_slice %arg10[%add3A_14, %dma_start3A_69] : memref<10240x128xf32, #tpu.memory_space<vmem_shared>> -> memref<128x128xf32, #tpu.memory_space<vmem_shared>>
      tpu.enqueue_dma source(%arg8 : memref<128x128xf32, #tpu.memory_space<vmem>>) target(%dma_start3A_70 : memref<128x128xf32, #tpu.memory_space<vmem_shared>>) target_semaphore(%run_scoped3A : memref<!tpu.dma_semaphore, #tpu.memory_space<semaphore_mem>>)
      %dma_wait3A = arith.constant 0 : i32
      %dma_wait3A_71 = tpu.memref_slice %arg10[%add3A_14, %dma_wait3A] : memref<10240x128xf32, #tpu.memory_space<vmem_shared>> -> memref<128x128xf32, #tpu.memory_space<vmem_shared>>
      %dma_wait3A_72 = arith.constant 0 : i32
      %dma_wait3A_73 = tpu.memref_slice %arg10[%add3A_14, %dma_wait3A_72] : memref<10240x128xf32, #tpu.memory_space<vmem_shared>> -> memref<128x128xf32, #tpu.memory_space<vmem_shared>>
      tpu.wait_dma2 semaphore(%run_scoped3A : memref<!tpu.dma_semaphore, #tpu.memory_space<semaphore_mem>>) src(%arg8 : memref<128x128xf32, #tpu.memory_space<vmem>>) dst(%dma_wait3A_73 : memref<128x128xf32, #tpu.memory_space<vmem_shared>>)
      tpu.yield
    }) : () -> ()
    %mul3A_15 = arith.constant 640 : i32
    %mul3A_16 = arith.muli %arg1, %mul3A_15 : i32
    %add3A_17 = arith.constant 256 : i32
    %add3A_18 = arith.addi %mul3A_16, %add3A_17 : i32
    "tpu.region"() ({
      %run_scoped3A = tpu.sem_alloc : memref<!tpu.dma_semaphore, #tpu.memory_space<semaphore_mem>>
      %dma_start3A = arith.constant 0 : i32
      %dma_start3A_68 = tpu.memref_slice %arg10[%add3A_18, %dma_start3A] : memref<10240x128xf32, #tpu.memory_space<vmem_shared>> -> memref<128x128xf32, #tpu.memory_space<vmem_shared>>
      %dma_start3A_69 = arith.constant 0 : i32
      %dma_start3A_70 = tpu.memref_slice %arg10[%add3A_18, %dma_start3A_69] : memref<10240x128xf32, #tpu.memory_space<vmem_shared>> -> memref<128x128xf32, #tpu.memory_space<vmem_shared>>
      tpu.enqueue_dma source(%arg8 : memref<128x128xf32, #tpu.memory_space<vmem>>) target(%dma_start3A_70 : memref<128x128xf32, #tpu.memory_space<vmem_shared>>) target_semaphore(%run_scoped3A : memref<!tpu.dma_semaphore, #tpu.memory_space<semaphore_mem>>)
      %dma_wait3A = arith.constant 0 : i32
      %dma_wait3A_71 = tpu.memref_slice %arg10[%add3A_18, %dma_wait3A] : memref<10240x128xf32, #tpu.memory_space<vmem_shared>> -> memref<128x128xf32, #tpu.memory_space<vmem_shared>>
      %dma_wait3A_72 = arith.constant 0 : i32
      %dma_wait3A_73 = tpu.memref_slice %arg10[%add3A_18, %dma_wait3A_72] : memref<10240x128xf32, #tpu.memory_space<vmem_shared>> -> memref<128x128xf32, #tpu.memory_space<vmem_shared>>
      tpu.wait_dma2 semaphore(%run_scoped3A : memref<!tpu.dma_semaphore, #tpu.memory_space<semaphore_mem>>) src(%arg8 : memref<128x128xf32, #tpu.memory_space<vmem>>) dst(%dma_wait3A_73 : memref<128x128xf32, #tpu.memory_space<vmem_shared>>)
      tpu.yield
    }) : () -> ()
    %mul3A_19 = arith.constant 640 : i32
    %mul3A_20 = arith.muli %arg1, %mul3A_19 : i32
    %add3A_21 = arith.constant 384 : i32
    %add3A_22 = arith.addi %mul3A_20, %add3A_21 : i32
    "tpu.region"() ({
      %run_scoped3A = tpu.sem_alloc : memref<!tpu.dma_semaphore, #tpu.memory_space<semaphore_mem>>
      %dma_start3A = arith.constant 0 : i32
      %dma_start3A_68 = tpu.memref_slice %arg10[%add3A_22, %dma_start3A] : memref<10240x128xf32, #tpu.memory_space<vmem_shared>> -> memref<128x128xf32, #tpu.memory_space<vmem_shared>>
      %dma_start3A_69 = arith.constant 0 : i32
      %dma_start3A_70 = tpu.memref_slice %arg10[%add3A_22, %dma_start3A_69] : memref<10240x128xf32, #tpu.memory_space<vmem_shared>> -> memref<128x128xf32, #tpu.memory_space<vmem_shared>>
      tpu.enqueue_dma source(%arg8 : memref<128x128xf32, #tpu.memory_space<vmem>>) target(%dma_start3A_70 : memref<128x128xf32, #tpu.memory_space<vmem_shared>>) target_semaphore(%run_scoped3A : memref<!tpu.dma_semaphore, #tpu.memory_space<semaphore_mem>>)
      %dma_wait3A = arith.constant 0 : i32
      %dma_wait3A_71 = tpu.memref_slice %arg10[%add3A_22, %dma_wait3A] : memref<10240x128xf32, #tpu.memory_space<vmem_shared>> -> memref<128x128xf32, #tpu.memory_space<vmem_shared>>
      %dma_wait3A_72 = arith.constant 0 : i32
      %dma_wait3A_73 = tpu.memref_slice %arg10[%add3A_22, %dma_wait3A_72] : memref<10240x128xf32, #tpu.memory_space<vmem_shared>> -> memref<128x128xf32, #tpu.memory_space<vmem_shared>>
      tpu.wait_dma2 semaphore(%run_scoped3A : memref<!tpu.dma_semaphore, #tpu.memory_space<semaphore_mem>>) src(%arg8 : memref<128x128xf32, #tpu.memory_space<vmem>>) dst(%dma_wait3A_73 : memref<128x128xf32, #tpu.memory_space<vmem_shared>>)
      tpu.yield
    }) : () -> ()
    %mul3A_23 = arith.constant 640 : i32
    %mul3A_24 = arith.muli %arg1, %mul3A_23 : i32
    %add3A_25 = arith.constant 512 : i32
    %add3A_26 = arith.addi %mul3A_24, %add3A_25 : i32
    "tpu.region"() ({
      %run_scoped3A = tpu.sem_alloc : memref<!tpu.dma_semaphore, #tpu.memory_space<semaphore_mem>>
      %dma_start3A = arith.constant 0 : i32
      %dma_start3A_68 = tpu.memref_slice %arg10[%add3A_26, %dma_start3A] : memref<10240x128xf32, #tpu.memory_space<vmem_shared>> -> memref<128x128xf32, #tpu.memory_space<vmem_shared>>
      %dma_start3A_69 = arith.constant 0 : i32
      %dma_start3A_70 = tpu.memref_slice %arg10[%add3A_26, %dma_start3A_69] : memref<10240x128xf32, #tpu.memory_space<vmem_shared>> -> memref<128x128xf32, #tpu.memory_space<vmem_shared>>
      tpu.enqueue_dma source(%arg8 : memref<128x128xf32, #tpu.memory_space<vmem>>) target(%dma_start3A_70 : memref<128x128xf32, #tpu.memory_space<vmem_shared>>) target_semaphore(%run_scoped3A : memref<!tpu.dma_semaphore, #tpu.memory_space<semaphore_mem>>)
      %dma_wait3A = arith.constant 0 : i32
      %dma_wait3A_71 = tpu.memref_slice %arg10[%add3A_26, %dma_wait3A] : memref<10240x128xf32, #tpu.memory_space<vmem_shared>> -> memref<128x128xf32, #tpu.memory_space<vmem_shared>>
      %dma_wait3A_72 = arith.constant 0 : i32
      %dma_wait3A_73 = tpu.memref_slice %arg10[%add3A_26, %dma_wait3A_72] : memref<10240x128xf32, #tpu.memory_space<vmem_shared>> -> memref<128x128xf32, #tpu.memory_space<vmem_shared>>
      tpu.wait_dma2 semaphore(%run_scoped3A : memref<!tpu.dma_semaphore, #tpu.memory_space<semaphore_mem>>) src(%arg8 : memref<128x128xf32, #tpu.memory_space<vmem>>) dst(%dma_wait3A_73 : memref<128x128xf32, #tpu.memory_space<vmem_shared>>)
      tpu.yield
    }) : () -> ()
    %barrier3A = arith.constant 0 : index
    tpu.barrier barrier_id(%barrier3A)
    %eq3A = arith.constant 0 : i32
    %eq3A_27 = arith.cmpi eq, %arg0, %eq3A : i32
    %mul3A_28 = arith.constant 40 : i32
    %mul3A_29 = arith.muli %arg1, %mul3A_28 : i32
    %mul3A_30 = arith.constant 120 : i32
    %mul3A_31 = arith.muli %arg1, %mul3A_30 : i32
    %add3A_32 = arith.constant 640 : i32
    %add3A_33 = arith.addi %add3A_32, %mul3A_31 : i32
    %select_n3A = arith.select %eq3A_27, %mul3A_29, %add3A_33 : i32
    %eq3A_34 = arith.constant 0 : i32
    %eq3A_35 = arith.cmpi eq, %arg0, %eq3A_34 : i32
    %jit3A = arith.constant 1 : i32
    %jit3A_36 = arith.constant 3 : i32
    %select_n3A_37 = arith.select %eq3A_35, %jit3A, %jit3A_36 : i32
    %while3A = arith.constant 0 : i32
    %while3A_38 = arith.constant 0 : i32
    %while3A_39 = arith.subi %select_n3A_37, %while3A_38 : i32
    %while3A_40 = arith.addi %while3A_38, %while3A_39 : i32
    %while3A_41 = arith.constant 1 : i32
    %while3A_42 = arith.divsi %while3A_39, %while3A_41 : i32
    %while3A_43 = arith.muli %while3A_42, %while3A_41 : i32
    %while3A_44 = arith.addi %while3A_38, %while3A_43 : i32
    %while3A_45 = arith.constant 1 : i32
    scf.for %while3A_68 = %while3A_38 to %while3A_44 step %while3A_45  : i32 {
      %mul3A_69 = arith.constant 40 : i32
      %mul3A_70 = arith.muli %while3A_68, %mul3A_69 : i32
      %add3A_71 = arith.addi %select_n3A, %mul3A_70 : i32
      %multiple_of3A = tpu.assume_multiple %add3A_71, 8 : i32
      "tpu.region"() ({
        %run_scoped3A = tpu.sem_alloc : memref<!tpu.dma_semaphore, #tpu.memory_space<semaphore_mem>>
        %dma_start3A_104 = arith.constant 0 : i32
        %dma_start3A_105 = tpu.memref_slice %arg3[%multiple_of3A, %dma_start3A_104] : memref<2560x128xi32, #tpu.memory_space<hbm>> -> memref<40x128xi32, #tpu.memory_space<hbm>>
        %dma_start3A_106 = arith.constant 0 : i32
        %dma_start3A_107 = tpu.memref_slice %arg3[%multiple_of3A, %dma_start3A_106] : memref<2560x128xi32, #tpu.memory_space<hbm>> -> memref<40x128xi32, #tpu.memory_space<hbm>>
        tpu.enqueue_dma source(%dma_start3A_107 : memref<40x128xi32, #tpu.memory_space<hbm>>) target(%arg6 : memref<40x128xi32, #tpu.memory_space<vmem>>) target_semaphore(%run_scoped3A : memref<!tpu.dma_semaphore, #tpu.memory_space<semaphore_mem>>)
        %dma_wait3A_108 = arith.constant 0 : i32
        %dma_wait3A_109 = tpu.memref_slice %arg3[%multiple_of3A, %dma_wait3A_108] : memref<2560x128xi32, #tpu.memory_space<hbm>> -> memref<40x128xi32, #tpu.memory_space<hbm>>
        %dma_wait3A_110 = arith.constant 0 : i32
        %dma_wait3A_111 = tpu.memref_slice %arg3[%multiple_of3A, %dma_wait3A_110] : memref<2560x128xi32, #tpu.memory_space<hbm>> -> memref<40x128xi32, #tpu.memory_space<hbm>>
        tpu.wait_dma2 semaphore(%run_scoped3A : memref<!tpu.dma_semaphore, #tpu.memory_space<semaphore_mem>>) src(%dma_wait3A_111 : memref<40x128xi32, #tpu.memory_space<hbm>>) dst(%arg6 : memref<40x128xi32, #tpu.memory_space<vmem>>)
        tpu.yield
      }) : () -> ()
      "tpu.region"() ({
        %run_scoped3A = tpu.sem_alloc : memref<!tpu.dma_semaphore, #tpu.memory_space<semaphore_mem>>
        %dma_start3A_104 = arith.constant 0 : i32
        %dma_start3A_105 = tpu.memref_slice %arg4[%multiple_of3A, %dma_start3A_104] : memref<2560x128xi32, #tpu.memory_space<hbm>> -> memref<40x128xi32, #tpu.memory_space<hbm>>
        %dma_start3A_106 = arith.constant 0 : i32
        %dma_start3A_107 = tpu.memref_slice %arg4[%multiple_of3A, %dma_start3A_106] : memref<2560x128xi32, #tpu.memory_space<hbm>> -> memref<40x128xi32, #tpu.memory_space<hbm>>
        tpu.enqueue_dma source(%dma_start3A_107 : memref<40x128xi32, #tpu.memory_space<hbm>>) target(%arg7 : memref<40x128xi32, #tpu.memory_space<vmem>>) target_semaphore(%run_scoped3A : memref<!tpu.dma_semaphore, #tpu.memory_space<semaphore_mem>>)
        %dma_wait3A_108 = arith.constant 0 : i32
        %dma_wait3A_109 = tpu.memref_slice %arg4[%multiple_of3A, %dma_wait3A_108] : memref<2560x128xi32, #tpu.memory_space<hbm>> -> memref<40x128xi32, #tpu.memory_space<hbm>>
        %dma_wait3A_110 = arith.constant 0 : i32
        %dma_wait3A_111 = tpu.memref_slice %arg4[%multiple_of3A, %dma_wait3A_110] : memref<2560x128xi32, #tpu.memory_space<hbm>> -> memref<40x128xi32, #tpu.memory_space<hbm>>
        tpu.wait_dma2 semaphore(%run_scoped3A : memref<!tpu.dma_semaphore, #tpu.memory_space<semaphore_mem>>) src(%dma_wait3A_111 : memref<40x128xi32, #tpu.memory_space<hbm>>) dst(%arg7 : memref<40x128xi32, #tpu.memory_space<vmem>>)
        tpu.yield
      }) : () -> ()
      %dma_start3A = arith.constant 0 : i32
      %dma_start3A_72 = arith.constant 0 : i32
      %dma_start3A_73 = tpu.memref_slice %arg6[%dma_start3A, %dma_start3A_72] : memref<40x128xi32, #tpu.memory_space<vmem>> -> memref<1x128xi32, #tpu.memory_space<vmem>>
      %dma_start3A_74 = tpu.memref_squeeze %dma_start3A_73 : memref<1x128xi32, #tpu.memory_space<vmem>> -> memref<128xi32, #tpu.memory_space<vmem>>
      %dma_start3A_75 = arith.constant 0 : i32
      %dma_start3A_76 = arith.constant 0 : i32
      %dma_start3A_77 = tpu.memref_slice %arg2[%dma_start3A_75, %dma_start3A_76] : memref<10000x128xf32, #tpu.memory_space<hbm>> -> memref<10000x128xf32, #tpu.memory_space<hbm>>
      tpu.enqueue_indirect_dma source(%dma_start3A_77 : memref<10000x128xf32, #tpu.memory_space<hbm>>) target(%arg8 : memref<128x128xf32, #tpu.memory_space<vmem>>) offsets(%dma_start3A_74 : memref<128xi32, #tpu.memory_space<vmem>>) semaphore(%arg11 : memref<!tpu.dma_semaphore, #tpu.memory_space<semaphore_mem>>)
      %dma_start3A_78 = arith.constant 1 : i32
      %dma_start3A_79 = arith.constant 0 : i32
      %dma_start3A_80 = tpu.memref_slice %arg6[%dma_start3A_78, %dma_start3A_79] : memref<40x128xi32, #tpu.memory_space<vmem>> -> memref<1x128xi32, #tpu.memory_space<vmem>>
      %dma_start3A_81 = tpu.memref_squeeze %dma_start3A_80 : memref<1x128xi32, #tpu.memory_space<vmem>> -> memref<128xi32, #tpu.memory_space<vmem>>
      %dma_start3A_82 = arith.constant 0 : i32
      %dma_start3A_83 = arith.constant 0 : i32
      %dma_start3A_84 = tpu.memref_slice %arg2[%dma_start3A_82, %dma_start3A_83] : memref<10000x128xf32, #tpu.memory_space<hbm>> -> memref<10000x128xf32, #tpu.memory_space<hbm>>
      tpu.enqueue_indirect_dma source(%dma_start3A_84 : memref<10000x128xf32, #tpu.memory_space<hbm>>) target(%arg9 : memref<128x128xf32, #tpu.memory_space<vmem>>) offsets(%dma_start3A_81 : memref<128xi32, #tpu.memory_space<vmem>>) semaphore(%arg12 : memref<!tpu.dma_semaphore, #tpu.memory_space<semaphore_mem>>)
      %scan3A_85 = arith.constant 0 : i32
      %scan3A_86 = arith.constant 0 : i32
      %scan3A_87 = arith.constant 20 : i32
      %scan3A_88 = arith.addi %scan3A_86, %scan3A_87 : i32
      %scan3A_89 = arith.constant 1 : i32
      scf.for %scan3A_104 = %scan3A_86 to %scan3A_88 step %scan3A_89  : i32 {
        %mul3A_105 = arith.constant 2 : i32
        %mul3A_106 = arith.muli %mul3A_105, %scan3A_104 : i32
        %add3A_107 = arith.constant 0 : i32
        %add3A_108 = arith.addi %mul3A_106, %add3A_107 : i32
        %dma_wait3A_109 = arith.constant 0 : i32
        %dma_wait3A_110 = tpu.memref_slice %arg6[%add3A_108, %dma_wait3A_109] : memref<40x128xi32, #tpu.memory_space<vmem>> -> memref<1x128xi32, #tpu.memory_space<vmem>>
        %dma_wait3A_111 = tpu.memref_squeeze %dma_wait3A_110 : memref<1x128xi32, #tpu.memory_space<vmem>> -> memref<128xi32, #tpu.memory_space<vmem>>
        %dma_wait3A_112 = arith.constant 0 : i32
        %dma_wait3A_113 = arith.constant 0 : i32
        %dma_wait3A_114 = tpu.memref_slice %arg2[%dma_wait3A_112, %dma_wait3A_113] : memref<10000x128xf32, #tpu.memory_space<hbm>> -> memref<10000x128xf32, #tpu.memory_space<hbm>>
        tpu.wait_indirect_dma semaphore(%arg11 : memref<!tpu.dma_semaphore, #tpu.memory_space<semaphore_mem>>) src(%dma_wait3A_114 : memref<10000x128xf32, #tpu.memory_space<hbm>>) dst(%arg8 : memref<128x128xf32, #tpu.memory_space<vmem>>)
        %dma_start3A_115 = arith.constant 0 : i32
        %dma_start3A_116 = tpu.memref_slice %arg7[%add3A_108, %dma_start3A_115] : memref<40x128xi32, #tpu.memory_space<vmem>> -> memref<1x128xi32, #tpu.memory_space<vmem>>
        %dma_start3A_117 = tpu.memref_squeeze %dma_start3A_116 : memref<1x128xi32, #tpu.memory_space<vmem>> -> memref<128xi32, #tpu.memory_space<vmem>>
        %dma_start3A_118 = arith.constant 0 : i32
        %dma_start3A_119 = arith.constant 0 : i32
        %dma_start3A_120 = tpu.memref_slice %arg10[%dma_start3A_118, %dma_start3A_119] : memref<10240x128xf32, #tpu.memory_space<vmem_shared>> -> memref<10240x128xf32, #tpu.memory_space<vmem_shared>>
        tpu.enqueue_indirect_dma source(%arg8 : memref<128x128xf32, #tpu.memory_space<vmem>>) target(%dma_start3A_120 : memref<10240x128xf32, #tpu.memory_space<vmem_shared>>) offsets(%dma_start3A_117 : memref<128xi32, #tpu.memory_space<vmem>>) semaphore(%arg13 : memref<!tpu.dma_semaphore, #tpu.memory_space<semaphore_mem>>) {add = true}
        %lt3A = arith.constant 19 : i32
        %lt3A_121 = arith.cmpi slt, %scan3A_104, %lt3A : i32
        %convert_element_type3A = arith.extui %lt3A_121 : i1 to i32
        %cond3A = arith.constant 0 : i32
        %cond3A_122 = arith.cmpi ne, %convert_element_type3A, %cond3A : i32
        scf.if %cond3A_122 {
          %dma_wait3A_144 = arith.constant 0 : i32
          %dma_wait3A_145 = tpu.memref_slice %arg7[%add3A_108, %dma_wait3A_144] : memref<40x128xi32, #tpu.memory_space<vmem>> -> memref<1x128xi32, #tpu.memory_space<vmem>>
          %dma_wait3A_146 = tpu.memref_squeeze %dma_wait3A_145 : memref<1x128xi32, #tpu.memory_space<vmem>> -> memref<128xi32, #tpu.memory_space<vmem>>
          %dma_wait3A_147 = arith.constant 0 : i32
          %dma_wait3A_148 = arith.constant 0 : i32
          %dma_wait3A_149 = tpu.memref_slice %arg10[%dma_wait3A_147, %dma_wait3A_148] : memref<10240x128xf32, #tpu.memory_space<vmem_shared>> -> memref<10240x128xf32, #tpu.memory_space<vmem_shared>>
          tpu.wait_indirect_dma semaphore(%arg13 : memref<!tpu.dma_semaphore, #tpu.memory_space<semaphore_mem>>) src(%arg8 : memref<128x128xf32, #tpu.memory_space<vmem>>) dst(%dma_wait3A_149 : memref<10240x128xf32, #tpu.memory_space<vmem_shared>>)
          %add3A_150 = arith.constant 2 : i32
          %add3A_151 = arith.addi %add3A_108, %add3A_150 : i32
          %dma_start3A_152 = arith.constant 0 : i32
          %dma_start3A_153 = tpu.memref_slice %arg6[%add3A_151, %dma_start3A_152] : memref<40x128xi32, #tpu.memory_space<vmem>> -> memref<1x128xi32, #tpu.memory_space<vmem>>
          %dma_start3A_154 = tpu.memref_squeeze %dma_start3A_153 : memref<1x128xi32, #tpu.memory_space<vmem>> -> memref<128xi32, #tpu.memory_space<vmem>>
          %dma_start3A_155 = arith.constant 0 : i32
          %dma_start3A_156 = arith.constant 0 : i32
          %dma_start3A_157 = tpu.memref_slice %arg2[%dma_start3A_155, %dma_start3A_156] : memref<10000x128xf32, #tpu.memory_space<hbm>> -> memref<10000x128xf32, #tpu.memory_space<hbm>>
          tpu.enqueue_indirect_dma source(%dma_start3A_157 : memref<10000x128xf32, #tpu.memory_space<hbm>>) target(%arg8 : memref<128x128xf32, #tpu.memory_space<vmem>>) offsets(%dma_start3A_154 : memref<128xi32, #tpu.memory_space<vmem>>) semaphore(%arg11 : memref<!tpu.dma_semaphore, #tpu.memory_space<semaphore_mem>>)
        } else {
        }
        %mul3A_123 = arith.constant 2 : i32
        %mul3A_124 = arith.muli %mul3A_123, %scan3A_104 : i32
        %add3A_125 = arith.constant 1 : i32
        %add3A_126 = arith.addi %mul3A_124, %add3A_125 : i32
        %dma_wait3A_127 = arith.constant 0 : i32
        %dma_wait3A_128 = tpu.memref_slice %arg6[%add3A_126, %dma_wait3A_127] : memref<40x128xi32, #tpu.memory_space<vmem>> -> memref<1x128xi32, #tpu.memory_space<vmem>>
        %dma_wait3A_129 = tpu.memref_squeeze %dma_wait3A_128 : memref<1x128xi32, #tpu.memory_space<vmem>> -> memref<128xi32, #tpu.memory_space<vmem>>
        %dma_wait3A_130 = arith.constant 0 : i32
        %dma_wait3A_131 = arith.constant 0 : i32
        %dma_wait3A_132 = tpu.memref_slice %arg2[%dma_wait3A_130, %dma_wait3A_131] : memref<10000x128xf32, #tpu.memory_space<hbm>> -> memref<10000x128xf32, #tpu.memory_space<hbm>>
        tpu.wait_indirect_dma semaphore(%arg12 : memref<!tpu.dma_semaphore, #tpu.memory_space<semaphore_mem>>) src(%dma_wait3A_132 : memref<10000x128xf32, #tpu.memory_space<hbm>>) dst(%arg9 : memref<128x128xf32, #tpu.memory_space<vmem>>)
        %dma_start3A_133 = arith.constant 0 : i32
        %dma_start3A_134 = tpu.memref_slice %arg7[%add3A_126, %dma_start3A_133] : memref<40x128xi32, #tpu.memory_space<vmem>> -> memref<1x128xi32, #tpu.memory_space<vmem>>
        %dma_start3A_135 = tpu.memref_squeeze %dma_start3A_134 : memref<1x128xi32, #tpu.memory_space<vmem>> -> memref<128xi32, #tpu.memory_space<vmem>>
        %dma_start3A_136 = arith.constant 0 : i32
        %dma_start3A_137 = arith.constant 0 : i32
        %dma_start3A_138 = tpu.memref_slice %arg10[%dma_start3A_136, %dma_start3A_137] : memref<10240x128xf32, #tpu.memory_space<vmem_shared>> -> memref<10240x128xf32, #tpu.memory_space<vmem_shared>>
        tpu.enqueue_indirect_dma source(%arg9 : memref<128x128xf32, #tpu.memory_space<vmem>>) target(%dma_start3A_138 : memref<10240x128xf32, #tpu.memory_space<vmem_shared>>) offsets(%dma_start3A_135 : memref<128xi32, #tpu.memory_space<vmem>>) semaphore(%arg14 : memref<!tpu.dma_semaphore, #tpu.memory_space<semaphore_mem>>) {add = true}
        %lt3A_139 = arith.constant 19 : i32
        %lt3A_140 = arith.cmpi slt, %scan3A_104, %lt3A_139 : i32
        %convert_element_type3A_141 = arith.extui %lt3A_140 : i1 to i32
        %cond3A_142 = arith.constant 0 : i32
        %cond3A_143 = arith.cmpi ne, %convert_element_type3A_141, %cond3A_142 : i32
        scf.if %cond3A_143 {
          %dma_wait3A_144 = arith.constant 0 : i32
          %dma_wait3A_145 = tpu.memref_slice %arg7[%add3A_126, %dma_wait3A_144] : memref<40x128xi32, #tpu.memory_space<vmem>> -> memref<1x128xi32, #tpu.memory_space<vmem>>
          %dma_wait3A_146 = tpu.memref_squeeze %dma_wait3A_145 : memref<1x128xi32, #tpu.memory_space<vmem>> -> memref<128xi32, #tpu.memory_space<vmem>>
          %dma_wait3A_147 = arith.constant 0 : i32
          %dma_wait3A_148 = arith.constant 0 : i32
          %dma_wait3A_149 = tpu.memref_slice %arg10[%dma_wait3A_147, %dma_wait3A_148] : memref<10240x128xf32, #tpu.memory_space<vmem_shared>> -> memref<10240x128xf32, #tpu.memory_space<vmem_shared>>
          tpu.wait_indirect_dma semaphore(%arg14 : memref<!tpu.dma_semaphore, #tpu.memory_space<semaphore_mem>>) src(%arg9 : memref<128x128xf32, #tpu.memory_space<vmem>>) dst(%dma_wait3A_149 : memref<10240x128xf32, #tpu.memory_space<vmem_shared>>)
          %add3A_150 = arith.constant 2 : i32
          %add3A_151 = arith.addi %add3A_126, %add3A_150 : i32
          %dma_start3A_152 = arith.constant 0 : i32
          %dma_start3A_153 = tpu.memref_slice %arg6[%add3A_151, %dma_start3A_152] : memref<40x128xi32, #tpu.memory_space<vmem>> -> memref<1x128xi32, #tpu.memory_space<vmem>>
          %dma_start3A_154 = tpu.memref_squeeze %dma_start3A_153 : memref<1x128xi32, #tpu.memory_space<vmem>> -> memref<128xi32, #tpu.memory_space<vmem>>
          %dma_start3A_155 = arith.constant 0 : i32
          %dma_start3A_156 = arith.constant 0 : i32
          %dma_start3A_157 = tpu.memref_slice %arg2[%dma_start3A_155, %dma_start3A_156] : memref<10000x128xf32, #tpu.memory_space<hbm>> -> memref<10000x128xf32, #tpu.memory_space<hbm>>
          tpu.enqueue_indirect_dma source(%dma_start3A_157 : memref<10000x128xf32, #tpu.memory_space<hbm>>) target(%arg9 : memref<128x128xf32, #tpu.memory_space<vmem>>) offsets(%dma_start3A_154 : memref<128xi32, #tpu.memory_space<vmem>>) semaphore(%arg12 : memref<!tpu.dma_semaphore, #tpu.memory_space<semaphore_mem>>)
        } else {
        }
      }
      %scan3A_90 = arith.constant 20 : i32
      %dma_wait3A = arith.constant 38 : i32
      %dma_wait3A_91 = arith.constant 0 : i32
      %dma_wait3A_92 = tpu.memref_slice %arg7[%dma_wait3A, %dma_wait3A_91] : memref<40x128xi32, #tpu.memory_space<vmem>> -> memref<1x128xi32, #tpu.memory_space<vmem>>
      %dma_wait3A_93 = tpu.memref_squeeze %dma_wait3A_92 : memref<1x128xi32, #tpu.memory_space<vmem>> -> memref<128xi32, #tpu.memory_space<vmem>>
      %dma_wait3A_94 = arith.constant 0 : i32
      %dma_wait3A_95 = arith.constant 0 : i32
      %dma_wait3A_96 = tpu.memref_slice %arg10[%dma_wait3A_94, %dma_wait3A_95] : memref<10240x128xf32, #tpu.memory_space<vmem_shared>> -> memref<10240x128xf32, #tpu.memory_space<vmem_shared>>
      tpu.wait_indirect_dma semaphore(%arg13 : memref<!tpu.dma_semaphore, #tpu.memory_space<semaphore_mem>>) src(%arg8 : memref<128x128xf32, #tpu.memory_space<vmem>>) dst(%dma_wait3A_96 : memref<10240x128xf32, #tpu.memory_space<vmem_shared>>)
      %dma_wait3A_97 = arith.constant 39 : i32
      %dma_wait3A_98 = arith.constant 0 : i32
      %dma_wait3A_99 = tpu.memref_slice %arg7[%dma_wait3A_97, %dma_wait3A_98] : memref<40x128xi32, #tpu.memory_space<vmem>> -> memref<1x128xi32, #tpu.memory_space<vmem>>
      %dma_wait3A_100 = tpu.memref_squeeze %dma_wait3A_99 : memref<1x128xi32, #tpu.memory_space<vmem>> -> memref<128xi32, #tpu.memory_space<vmem>>
      %dma_wait3A_101 = arith.constant 0 : i32
      %dma_wait3A_102 = arith.constant 0 : i32
      %dma_wait3A_103 = tpu.memref_slice %arg10[%dma_wait3A_101, %dma_wait3A_102] : memref<10240x128xf32, #tpu.memory_space<vmem_shared>> -> memref<10240x128xf32, #tpu.memory_space<vmem_shared>>
      tpu.wait_indirect_dma semaphore(%arg14 : memref<!tpu.dma_semaphore, #tpu.memory_space<semaphore_mem>>) src(%arg9 : memref<128x128xf32, #tpu.memory_space<vmem>>) dst(%dma_wait3A_103 : memref<10240x128xf32, #tpu.memory_space<vmem_shared>>)
    }
    %while3A_46 = arith.constant 1 : i32
    scf.for %while3A_68 = %while3A_44 to %while3A_40 step %while3A_46  : i32 {
      %mul3A_69 = arith.constant 40 : i32
      %mul3A_70 = arith.muli %while3A_68, %mul3A_69 : i32
      %add3A_71 = arith.addi %select_n3A, %mul3A_70 : i32
      %multiple_of3A = tpu.assume_multiple %add3A_71, 8 : i32
      "tpu.region"() ({
        %run_scoped3A = tpu.sem_alloc : memref<!tpu.dma_semaphore, #tpu.memory_space<semaphore_mem>>
        %dma_start3A_104 = arith.constant 0 : i32
        %dma_start3A_105 = tpu.memref_slice %arg3[%multiple_of3A, %dma_start3A_104] : memref<2560x128xi32, #tpu.memory_space<hbm>> -> memref<40x128xi32, #tpu.memory_space<hbm>>
        %dma_start3A_106 = arith.constant 0 : i32
        %dma_start3A_107 = tpu.memref_slice %arg3[%multiple_of3A, %dma_start3A_106] : memref<2560x128xi32, #tpu.memory_space<hbm>> -> memref<40x128xi32, #tpu.memory_space<hbm>>
        tpu.enqueue_dma source(%dma_start3A_107 : memref<40x128xi32, #tpu.memory_space<hbm>>) target(%arg6 : memref<40x128xi32, #tpu.memory_space<vmem>>) target_semaphore(%run_scoped3A : memref<!tpu.dma_semaphore, #tpu.memory_space<semaphore_mem>>)
        %dma_wait3A_108 = arith.constant 0 : i32
        %dma_wait3A_109 = tpu.memref_slice %arg3[%multiple_of3A, %dma_wait3A_108] : memref<2560x128xi32, #tpu.memory_space<hbm>> -> memref<40x128xi32, #tpu.memory_space<hbm>>
        %dma_wait3A_110 = arith.constant 0 : i32
        %dma_wait3A_111 = tpu.memref_slice %arg3[%multiple_of3A, %dma_wait3A_110] : memref<2560x128xi32, #tpu.memory_space<hbm>> -> memref<40x128xi32, #tpu.memory_space<hbm>>
        tpu.wait_dma2 semaphore(%run_scoped3A : memref<!tpu.dma_semaphore, #tpu.memory_space<semaphore_mem>>) src(%dma_wait3A_111 : memref<40x128xi32, #tpu.memory_space<hbm>>) dst(%arg6 : memref<40x128xi32, #tpu.memory_space<vmem>>)
        tpu.yield
      }) : () -> ()
      "tpu.region"() ({
        %run_scoped3A = tpu.sem_alloc : memref<!tpu.dma_semaphore, #tpu.memory_space<semaphore_mem>>
        %dma_start3A_104 = arith.constant 0 : i32
        %dma_start3A_105 = tpu.memref_slice %arg4[%multiple_of3A, %dma_start3A_104] : memref<2560x128xi32, #tpu.memory_space<hbm>> -> memref<40x128xi32, #tpu.memory_space<hbm>>
        %dma_start3A_106 = arith.constant 0 : i32
        %dma_start3A_107 = tpu.memref_slice %arg4[%multiple_of3A, %dma_start3A_106] : memref<2560x128xi32, #tpu.memory_space<hbm>> -> memref<40x128xi32, #tpu.memory_space<hbm>>
        tpu.enqueue_dma source(%dma_start3A_107 : memref<40x128xi32, #tpu.memory_space<hbm>>) target(%arg7 : memref<40x128xi32, #tpu.memory_space<vmem>>) target_semaphore(%run_scoped3A : memref<!tpu.dma_semaphore, #tpu.memory_space<semaphore_mem>>)
        %dma_wait3A_108 = arith.constant 0 : i32
        %dma_wait3A_109 = tpu.memref_slice %arg4[%multiple_of3A, %dma_wait3A_108] : memref<2560x128xi32, #tpu.memory_space<hbm>> -> memref<40x128xi32, #tpu.memory_space<hbm>>
        %dma_wait3A_110 = arith.constant 0 : i32
        %dma_wait3A_111 = tpu.memref_slice %arg4[%multiple_of3A, %dma_wait3A_110] : memref<2560x128xi32, #tpu.memory_space<hbm>> -> memref<40x128xi32, #tpu.memory_space<hbm>>
        tpu.wait_dma2 semaphore(%run_scoped3A : memref<!tpu.dma_semaphore, #tpu.memory_space<semaphore_mem>>) src(%dma_wait3A_111 : memref<40x128xi32, #tpu.memory_space<hbm>>) dst(%arg7 : memref<40x128xi32, #tpu.memory_space<vmem>>)
        tpu.yield
      }) : () -> ()
      %dma_start3A = arith.constant 0 : i32
      %dma_start3A_72 = arith.constant 0 : i32
      %dma_start3A_73 = tpu.memref_slice %arg6[%dma_start3A, %dma_start3A_72] : memref<40x128xi32, #tpu.memory_space<vmem>> -> memref<1x128xi32, #tpu.memory_space<vmem>>
      %dma_start3A_74 = tpu.memref_squeeze %dma_start3A_73 : memref<1x128xi32, #tpu.memory_space<vmem>> -> memref<128xi32, #tpu.memory_space<vmem>>
      %dma_start3A_75 = arith.constant 0 : i32
      %dma_start3A_76 = arith.constant 0 : i32
      %dma_start3A_77 = tpu.memref_slice %arg2[%dma_start3A_75, %dma_start3A_76] : memref<10000x128xf32, #tpu.memory_space<hbm>> -> memref<10000x128xf32, #tpu.memory_space<hbm>>
      tpu.enqueue_indirect_dma source(%dma_start3A_77 : memref<10000x128xf32, #tpu.memory_space<hbm>>) target(%arg8 : memref<128x128xf32, #tpu.memory_space<vmem>>) offsets(%dma_start3A_74 : memref<128xi32, #tpu.memory_space<vmem>>) semaphore(%arg11 : memref<!tpu.dma_semaphore, #tpu.memory_space<semaphore_mem>>)
      %dma_start3A_78 = arith.constant 1 : i32
      %dma_start3A_79 = arith.constant 0 : i32
      %dma_start3A_80 = tpu.memref_slice %arg6[%dma_start3A_78, %dma_start3A_79] : memref<40x128xi32, #tpu.memory_space<vmem>> -> memref<1x128xi32, #tpu.memory_space<vmem>>
      %dma_start3A_81 = tpu.memref_squeeze %dma_start3A_80 : memref<1x128xi32, #tpu.memory_space<vmem>> -> memref<128xi32, #tpu.memory_space<vmem>>
      %dma_start3A_82 = arith.constant 0 : i32
      %dma_start3A_83 = arith.constant 0 : i32
      %dma_start3A_84 = tpu.memref_slice %arg2[%dma_start3A_82, %dma_start3A_83] : memref<10000x128xf32, #tpu.memory_space<hbm>> -> memref<10000x128xf32, #tpu.memory_space<hbm>>
      tpu.enqueue_indirect_dma source(%dma_start3A_84 : memref<10000x128xf32, #tpu.memory_space<hbm>>) target(%arg9 : memref<128x128xf32, #tpu.memory_space<vmem>>) offsets(%dma_start3A_81 : memref<128xi32, #tpu.memory_space<vmem>>) semaphore(%arg12 : memref<!tpu.dma_semaphore, #tpu.memory_space<semaphore_mem>>)
      %scan3A_85 = arith.constant 0 : i32
      %scan3A_86 = arith.constant 0 : i32
      %scan3A_87 = arith.constant 20 : i32
      %scan3A_88 = arith.addi %scan3A_86, %scan3A_87 : i32
      %scan3A_89 = arith.constant 1 : i32
      scf.for %scan3A_104 = %scan3A_86 to %scan3A_88 step %scan3A_89  : i32 {
        %mul3A_105 = arith.constant 2 : i32
        %mul3A_106 = arith.muli %mul3A_105, %scan3A_104 : i32
        %add3A_107 = arith.constant 0 : i32
        %add3A_108 = arith.addi %mul3A_106, %add3A_107 : i32
        %dma_wait3A_109 = arith.constant 0 : i32
        %dma_wait3A_110 = tpu.memref_slice %arg6[%add3A_108, %dma_wait3A_109] : memref<40x128xi32, #tpu.memory_space<vmem>> -> memref<1x128xi32, #tpu.memory_space<vmem>>
        %dma_wait3A_111 = tpu.memref_squeeze %dma_wait3A_110 : memref<1x128xi32, #tpu.memory_space<vmem>> -> memref<128xi32, #tpu.memory_space<vmem>>
        %dma_wait3A_112 = arith.constant 0 : i32
        %dma_wait3A_113 = arith.constant 0 : i32
        %dma_wait3A_114 = tpu.memref_slice %arg2[%dma_wait3A_112, %dma_wait3A_113] : memref<10000x128xf32, #tpu.memory_space<hbm>> -> memref<10000x128xf32, #tpu.memory_space<hbm>>
        tpu.wait_indirect_dma semaphore(%arg11 : memref<!tpu.dma_semaphore, #tpu.memory_space<semaphore_mem>>) src(%dma_wait3A_114 : memref<10000x128xf32, #tpu.memory_space<hbm>>) dst(%arg8 : memref<128x128xf32, #tpu.memory_space<vmem>>)
        %dma_start3A_115 = arith.constant 0 : i32
        %dma_start3A_116 = tpu.memref_slice %arg7[%add3A_108, %dma_start3A_115] : memref<40x128xi32, #tpu.memory_space<vmem>> -> memref<1x128xi32, #tpu.memory_space<vmem>>
        %dma_start3A_117 = tpu.memref_squeeze %dma_start3A_116 : memref<1x128xi32, #tpu.memory_space<vmem>> -> memref<128xi32, #tpu.memory_space<vmem>>
        %dma_start3A_118 = arith.constant 0 : i32
        %dma_start3A_119 = arith.constant 0 : i32
        %dma_start3A_120 = tpu.memref_slice %arg10[%dma_start3A_118, %dma_start3A_119] : memref<10240x128xf32, #tpu.memory_space<vmem_shared>> -> memref<10240x128xf32, #tpu.memory_space<vmem_shared>>
        tpu.enqueue_indirect_dma source(%arg8 : memref<128x128xf32, #tpu.memory_space<vmem>>) target(%dma_start3A_120 : memref<10240x128xf32, #tpu.memory_space<vmem_shared>>) offsets(%dma_start3A_117 : memref<128xi32, #tpu.memory_space<vmem>>) semaphore(%arg13 : memref<!tpu.dma_semaphore, #tpu.memory_space<semaphore_mem>>) {add = true}
        %lt3A = arith.constant 19 : i32
        %lt3A_121 = arith.cmpi slt, %scan3A_104, %lt3A : i32
        %convert_element_type3A = arith.extui %lt3A_121 : i1 to i32
        %cond3A = arith.constant 0 : i32
        %cond3A_122 = arith.cmpi ne, %convert_element_type3A, %cond3A : i32
        scf.if %cond3A_122 {
          %dma_wait3A_144 = arith.constant 0 : i32
          %dma_wait3A_145 = tpu.memref_slice %arg7[%add3A_108, %dma_wait3A_144] : memref<40x128xi32, #tpu.memory_space<vmem>> -> memref<1x128xi32, #tpu.memory_space<vmem>>
          %dma_wait3A_146 = tpu.memref_squeeze %dma_wait3A_145 : memref<1x128xi32, #tpu.memory_space<vmem>> -> memref<128xi32, #tpu.memory_space<vmem>>
          %dma_wait3A_147 = arith.constant 0 : i32
          %dma_wait3A_148 = arith.constant 0 : i32
          %dma_wait3A_149 = tpu.memref_slice %arg10[%dma_wait3A_147, %dma_wait3A_148] : memref<10240x128xf32, #tpu.memory_space<vmem_shared>> -> memref<10240x128xf32, #tpu.memory_space<vmem_shared>>
          tpu.wait_indirect_dma semaphore(%arg13 : memref<!tpu.dma_semaphore, #tpu.memory_space<semaphore_mem>>) src(%arg8 : memref<128x128xf32, #tpu.memory_space<vmem>>) dst(%dma_wait3A_149 : memref<10240x128xf32, #tpu.memory_space<vmem_shared>>)
          %add3A_150 = arith.constant 2 : i32
          %add3A_151 = arith.addi %add3A_108, %add3A_150 : i32
          %dma_start3A_152 = arith.constant 0 : i32
          %dma_start3A_153 = tpu.memref_slice %arg6[%add3A_151, %dma_start3A_152] : memref<40x128xi32, #tpu.memory_space<vmem>> -> memref<1x128xi32, #tpu.memory_space<vmem>>
          %dma_start3A_154 = tpu.memref_squeeze %dma_start3A_153 : memref<1x128xi32, #tpu.memory_space<vmem>> -> memref<128xi32, #tpu.memory_space<vmem>>
          %dma_start3A_155 = arith.constant 0 : i32
          %dma_start3A_156 = arith.constant 0 : i32
          %dma_start3A_157 = tpu.memref_slice %arg2[%dma_start3A_155, %dma_start3A_156] : memref<10000x128xf32, #tpu.memory_space<hbm>> -> memref<10000x128xf32, #tpu.memory_space<hbm>>
          tpu.enqueue_indirect_dma source(%dma_start3A_157 : memref<10000x128xf32, #tpu.memory_space<hbm>>) target(%arg8 : memref<128x128xf32, #tpu.memory_space<vmem>>) offsets(%dma_start3A_154 : memref<128xi32, #tpu.memory_space<vmem>>) semaphore(%arg11 : memref<!tpu.dma_semaphore, #tpu.memory_space<semaphore_mem>>)
        } else {
        }
        %mul3A_123 = arith.constant 2 : i32
        %mul3A_124 = arith.muli %mul3A_123, %scan3A_104 : i32
        %add3A_125 = arith.constant 1 : i32
        %add3A_126 = arith.addi %mul3A_124, %add3A_125 : i32
        %dma_wait3A_127 = arith.constant 0 : i32
        %dma_wait3A_128 = tpu.memref_slice %arg6[%add3A_126, %dma_wait3A_127] : memref<40x128xi32, #tpu.memory_space<vmem>> -> memref<1x128xi32, #tpu.memory_space<vmem>>
        %dma_wait3A_129 = tpu.memref_squeeze %dma_wait3A_128 : memref<1x128xi32, #tpu.memory_space<vmem>> -> memref<128xi32, #tpu.memory_space<vmem>>
        %dma_wait3A_130 = arith.constant 0 : i32
        %dma_wait3A_131 = arith.constant 0 : i32
        %dma_wait3A_132 = tpu.memref_slice %arg2[%dma_wait3A_130, %dma_wait3A_131] : memref<10000x128xf32, #tpu.memory_space<hbm>> -> memref<10000x128xf32, #tpu.memory_space<hbm>>
        tpu.wait_indirect_dma semaphore(%arg12 : memref<!tpu.dma_semaphore, #tpu.memory_space<semaphore_mem>>) src(%dma_wait3A_132 : memref<10000x128xf32, #tpu.memory_space<hbm>>) dst(%arg9 : memref<128x128xf32, #tpu.memory_space<vmem>>)
        %dma_start3A_133 = arith.constant 0 : i32
        %dma_start3A_134 = tpu.memref_slice %arg7[%add3A_126, %dma_start3A_133] : memref<40x128xi32, #tpu.memory_space<vmem>> -> memref<1x128xi32, #tpu.memory_space<vmem>>
        %dma_start3A_135 = tpu.memref_squeeze %dma_start3A_134 : memref<1x128xi32, #tpu.memory_space<vmem>> -> memref<128xi32, #tpu.memory_space<vmem>>
        %dma_start3A_136 = arith.constant 0 : i32
        %dma_start3A_137 = arith.constant 0 : i32
        %dma_start3A_138 = tpu.memref_slice %arg10[%dma_start3A_136, %dma_start3A_137] : memref<10240x128xf32, #tpu.memory_space<vmem_shared>> -> memref<10240x128xf32, #tpu.memory_space<vmem_shared>>
        tpu.enqueue_indirect_dma source(%arg9 : memref<128x128xf32, #tpu.memory_space<vmem>>) target(%dma_start3A_138 : memref<10240x128xf32, #tpu.memory_space<vmem_shared>>) offsets(%dma_start3A_135 : memref<128xi32, #tpu.memory_space<vmem>>) semaphore(%arg14 : memref<!tpu.dma_semaphore, #tpu.memory_space<semaphore_mem>>) {add = true}
        %lt3A_139 = arith.constant 19 : i32
        %lt3A_140 = arith.cmpi slt, %scan3A_104, %lt3A_139 : i32
        %convert_element_type3A_141 = arith.extui %lt3A_140 : i1 to i32
        %cond3A_142 = arith.constant 0 : i32
        %cond3A_143 = arith.cmpi ne, %convert_element_type3A_141, %cond3A_142 : i32
        scf.if %cond3A_143 {
          %dma_wait3A_144 = arith.constant 0 : i32
          %dma_wait3A_145 = tpu.memref_slice %arg7[%add3A_126, %dma_wait3A_144] : memref<40x128xi32, #tpu.memory_space<vmem>> -> memref<1x128xi32, #tpu.memory_space<vmem>>
          %dma_wait3A_146 = tpu.memref_squeeze %dma_wait3A_145 : memref<1x128xi32, #tpu.memory_space<vmem>> -> memref<128xi32, #tpu.memory_space<vmem>>
          %dma_wait3A_147 = arith.constant 0 : i32
          %dma_wait3A_148 = arith.constant 0 : i32
          %dma_wait3A_149 = tpu.memref_slice %arg10[%dma_wait3A_147, %dma_wait3A_148] : memref<10240x128xf32, #tpu.memory_space<vmem_shared>> -> memref<10240x128xf32, #tpu.memory_space<vmem_shared>>
          tpu.wait_indirect_dma semaphore(%arg14 : memref<!tpu.dma_semaphore, #tpu.memory_space<semaphore_mem>>) src(%arg9 : memref<128x128xf32, #tpu.memory_space<vmem>>) dst(%dma_wait3A_149 : memref<10240x128xf32, #tpu.memory_space<vmem_shared>>)
          %add3A_150 = arith.constant 2 : i32
          %add3A_151 = arith.addi %add3A_126, %add3A_150 : i32
          %dma_start3A_152 = arith.constant 0 : i32
          %dma_start3A_153 = tpu.memref_slice %arg6[%add3A_151, %dma_start3A_152] : memref<40x128xi32, #tpu.memory_space<vmem>> -> memref<1x128xi32, #tpu.memory_space<vmem>>
          %dma_start3A_154 = tpu.memref_squeeze %dma_start3A_153 : memref<1x128xi32, #tpu.memory_space<vmem>> -> memref<128xi32, #tpu.memory_space<vmem>>
          %dma_start3A_155 = arith.constant 0 : i32
          %dma_start3A_156 = arith.constant 0 : i32
          %dma_start3A_157 = tpu.memref_slice %arg2[%dma_start3A_155, %dma_start3A_156] : memref<10000x128xf32, #tpu.memory_space<hbm>> -> memref<10000x128xf32, #tpu.memory_space<hbm>>
          tpu.enqueue_indirect_dma source(%dma_start3A_157 : memref<10000x128xf32, #tpu.memory_space<hbm>>) target(%arg9 : memref<128x128xf32, #tpu.memory_space<vmem>>) offsets(%dma_start3A_154 : memref<128xi32, #tpu.memory_space<vmem>>) semaphore(%arg12 : memref<!tpu.dma_semaphore, #tpu.memory_space<semaphore_mem>>)
        } else {
        }
      }
      %scan3A_90 = arith.constant 20 : i32
      %dma_wait3A = arith.constant 38 : i32
      %dma_wait3A_91 = arith.constant 0 : i32
      %dma_wait3A_92 = tpu.memref_slice %arg7[%dma_wait3A, %dma_wait3A_91] : memref<40x128xi32, #tpu.memory_space<vmem>> -> memref<1x128xi32, #tpu.memory_space<vmem>>
      %dma_wait3A_93 = tpu.memref_squeeze %dma_wait3A_92 : memref<1x128xi32, #tpu.memory_space<vmem>> -> memref<128xi32, #tpu.memory_space<vmem>>
      %dma_wait3A_94 = arith.constant 0 : i32
      %dma_wait3A_95 = arith.constant 0 : i32
      %dma_wait3A_96 = tpu.memref_slice %arg10[%dma_wait3A_94, %dma_wait3A_95] : memref<10240x128xf32, #tpu.memory_space<vmem_shared>> -> memref<10240x128xf32, #tpu.memory_space<vmem_shared>>
      tpu.wait_indirect_dma semaphore(%arg13 : memref<!tpu.dma_semaphore, #tpu.memory_space<semaphore_mem>>) src(%arg8 : memref<128x128xf32, #tpu.memory_space<vmem>>) dst(%dma_wait3A_96 : memref<10240x128xf32, #tpu.memory_space<vmem_shared>>)
      %dma_wait3A_97 = arith.constant 39 : i32
      %dma_wait3A_98 = arith.constant 0 : i32
      %dma_wait3A_99 = tpu.memref_slice %arg7[%dma_wait3A_97, %dma_wait3A_98] : memref<40x128xi32, #tpu.memory_space<vmem>> -> memref<1x128xi32, #tpu.memory_space<vmem>>
      %dma_wait3A_100 = tpu.memref_squeeze %dma_wait3A_99 : memref<1x128xi32, #tpu.memory_space<vmem>> -> memref<128xi32, #tpu.memory_space<vmem>>
      %dma_wait3A_101 = arith.constant 0 : i32
      %dma_wait3A_102 = arith.constant 0 : i32
      %dma_wait3A_103 = tpu.memref_slice %arg10[%dma_wait3A_101, %dma_wait3A_102] : memref<10240x128xf32, #tpu.memory_space<vmem_shared>> -> memref<10240x128xf32, #tpu.memory_space<vmem_shared>>
      tpu.wait_indirect_dma semaphore(%arg14 : memref<!tpu.dma_semaphore, #tpu.memory_space<semaphore_mem>>) src(%arg9 : memref<128x128xf32, #tpu.memory_space<vmem>>) dst(%dma_wait3A_103 : memref<10240x128xf32, #tpu.memory_space<vmem_shared>>)
    }
    %barrier3A_47 = arith.constant 0 : index
    tpu.barrier barrier_id(%barrier3A_47)
    %mul3A_48 = arith.constant 640 : i32
    %mul3A_49 = arith.muli %arg1, %mul3A_48 : i32
    %add3A_50 = arith.constant 0 : i32
    %add3A_51 = arith.addi %mul3A_49, %add3A_50 : i32
    "tpu.region"() ({
      %run_scoped3A = tpu.sem_alloc : memref<!tpu.dma_semaphore, #tpu.memory_space<semaphore_mem>>
      %dma_start3A = arith.constant 0 : i32
      %dma_start3A_68 = tpu.memref_slice %arg5[%arg0, %add3A_51, %dma_start3A] : memref<2x10240x128xf32, #tpu.memory_space<hbm>> -> memref<1x128x128xf32, #tpu.memory_space<hbm>>
      %dma_start3A_69 = tpu.memref_squeeze %dma_start3A_68 : memref<1x128x128xf32, #tpu.memory_space<hbm>> -> memref<128x128xf32, #tpu.memory_space<hbm>>
      %dma_start3A_70 = arith.constant 0 : i32
      %dma_start3A_71 = tpu.memref_slice %arg10[%add3A_51, %dma_start3A_70] : memref<10240x128xf32, #tpu.memory_space<vmem_shared>> -> memref<128x128xf32, #tpu.memory_space<vmem_shared>>
      tpu.enqueue_dma source(%dma_start3A_71 : memref<128x128xf32, #tpu.memory_space<vmem_shared>>) target(%dma_start3A_69 : memref<128x128xf32, #tpu.memory_space<hbm>>) target_semaphore(%run_scoped3A : memref<!tpu.dma_semaphore, #tpu.memory_space<semaphore_mem>>)
      %dma_wait3A = arith.constant 0 : i32
      %dma_wait3A_72 = tpu.memref_slice %arg5[%arg0, %add3A_51, %dma_wait3A] : memref<2x10240x128xf32, #tpu.memory_space<hbm>> -> memref<1x128x128xf32, #tpu.memory_space<hbm>>
      %dma_wait3A_73 = tpu.memref_squeeze %dma_wait3A_72 : memref<1x128x128xf32, #tpu.memory_space<hbm>> -> memref<128x128xf32, #tpu.memory_space<hbm>>
      %dma_wait3A_74 = arith.constant 0 : i32
      %dma_wait3A_75 = tpu.memref_slice %arg10[%add3A_51, %dma_wait3A_74] : memref<10240x128xf32, #tpu.memory_space<vmem_shared>> -> memref<128x128xf32, #tpu.memory_space<vmem_shared>>
      tpu.wait_dma2 semaphore(%run_scoped3A : memref<!tpu.dma_semaphore, #tpu.memory_space<semaphore_mem>>) src(%dma_wait3A_75 : memref<128x128xf32, #tpu.memory_space<vmem_shared>>) dst(%dma_wait3A_73 : memref<128x128xf32, #tpu.memory_space<hbm>>)
      tpu.yield
    }) : () -> ()
    %mul3A_52 = arith.constant 640 : i32
    %mul3A_53 = arith.muli %arg1, %mul3A_52 : i32
    %add3A_54 = arith.constant 128 : i32
    %add3A_55 = arith.addi %mul3A_53, %add3A_54 : i32
    "tpu.region"() ({
      %run_scoped3A = tpu.sem_alloc : memref<!tpu.dma_semaphore, #tpu.memory_space<semaphore_mem>>
      %dma_start3A = arith.constant 0 : i32
      %dma_start3A_68 = tpu.memref_slice %arg5[%arg0, %add3A_55, %dma_start3A] : memref<2x10240x128xf32, #tpu.memory_space<hbm>> -> memref<1x128x128xf32, #tpu.memory_space<hbm>>
      %dma_start3A_69 = tpu.memref_squeeze %dma_start3A_68 : memref<1x128x128xf32, #tpu.memory_space<hbm>> -> memref<128x128xf32, #tpu.memory_space<hbm>>
      %dma_start3A_70 = arith.constant 0 : i32
      %dma_start3A_71 = tpu.memref_slice %arg10[%add3A_55, %dma_start3A_70] : memref<10240x128xf32, #tpu.memory_space<vmem_shared>> -> memref<128x128xf32, #tpu.memory_space<vmem_shared>>
      tpu.enqueue_dma source(%dma_start3A_71 : memref<128x128xf32, #tpu.memory_space<vmem_shared>>) target(%dma_start3A_69 : memref<128x128xf32, #tpu.memory_space<hbm>>) target_semaphore(%run_scoped3A : memref<!tpu.dma_semaphore, #tpu.memory_space<semaphore_mem>>)
      %dma_wait3A = arith.constant 0 : i32
      %dma_wait3A_72 = tpu.memref_slice %arg5[%arg0, %add3A_55, %dma_wait3A] : memref<2x10240x128xf32, #tpu.memory_space<hbm>> -> memref<1x128x128xf32, #tpu.memory_space<hbm>>
      %dma_wait3A_73 = tpu.memref_squeeze %dma_wait3A_72 : memref<1x128x128xf32, #tpu.memory_space<hbm>> -> memref<128x128xf32, #tpu.memory_space<hbm>>
      %dma_wait3A_74 = arith.constant 0 : i32
      %dma_wait3A_75 = tpu.memref_slice %arg10[%add3A_55, %dma_wait3A_74] : memref<10240x128xf32, #tpu.memory_space<vmem_shared>> -> memref<128x128xf32, #tpu.memory_space<vmem_shared>>
      tpu.wait_dma2 semaphore(%run_scoped3A : memref<!tpu.dma_semaphore, #tpu.memory_space<semaphore_mem>>) src(%dma_wait3A_75 : memref<128x128xf32, #tpu.memory_space<vmem_shared>>) dst(%dma_wait3A_73 : memref<128x128xf32, #tpu.memory_space<hbm>>)
      tpu.yield
    }) : () -> ()
    %mul3A_56 = arith.constant 640 : i32
    %mul3A_57 = arith.muli %arg1, %mul3A_56 : i32
    %add3A_58 = arith.constant 256 : i32
    %add3A_59 = arith.addi %mul3A_57, %add3A_58 : i32
    "tpu.region"() ({
      %run_scoped3A = tpu.sem_alloc : memref<!tpu.dma_semaphore, #tpu.memory_space<semaphore_mem>>
      %dma_start3A = arith.constant 0 : i32
      %dma_start3A_68 = tpu.memref_slice %arg5[%arg0, %add3A_59, %dma_start3A] : memref<2x10240x128xf32, #tpu.memory_space<hbm>> -> memref<1x128x128xf32, #tpu.memory_space<hbm>>
      %dma_start3A_69 = tpu.memref_squeeze %dma_start3A_68 : memref<1x128x128xf32, #tpu.memory_space<hbm>> -> memref<128x128xf32, #tpu.memory_space<hbm>>
      %dma_start3A_70 = arith.constant 0 : i32
      %dma_start3A_71 = tpu.memref_slice %arg10[%add3A_59, %dma_start3A_70] : memref<10240x128xf32, #tpu.memory_space<vmem_shared>> -> memref<128x128xf32, #tpu.memory_space<vmem_shared>>
      tpu.enqueue_dma source(%dma_start3A_71 : memref<128x128xf32, #tpu.memory_space<vmem_shared>>) target(%dma_start3A_69 : memref<128x128xf32, #tpu.memory_space<hbm>>) target_semaphore(%run_scoped3A : memref<!tpu.dma_semaphore, #tpu.memory_space<semaphore_mem>>)
      %dma_wait3A = arith.constant 0 : i32
      %dma_wait3A_72 = tpu.memref_slice %arg5[%arg0, %add3A_59, %dma_wait3A] : memref<2x10240x128xf32, #tpu.memory_space<hbm>> -> memref<1x128x128xf32, #tpu.memory_space<hbm>>
      %dma_wait3A_73 = tpu.memref_squeeze %dma_wait3A_72 : memref<1x128x128xf32, #tpu.memory_space<hbm>> -> memref<128x128xf32, #tpu.memory_space<hbm>>
      %dma_wait3A_74 = arith.constant 0 : i32
      %dma_wait3A_75 = tpu.memref_slice %arg10[%add3A_59, %dma_wait3A_74] : memref<10240x128xf32, #tpu.memory_space<vmem_shared>> -> memref<128x128xf32, #tpu.memory_space<vmem_shared>>
      tpu.wait_dma2 semaphore(%run_scoped3A : memref<!tpu.dma_semaphore, #tpu.memory_space<semaphore_mem>>) src(%dma_wait3A_75 : memref<128x128xf32, #tpu.memory_space<vmem_shared>>) dst(%dma_wait3A_73 : memref<128x128xf32, #tpu.memory_space<hbm>>)
      tpu.yield
    }) : () -> ()
    %mul3A_60 = arith.constant 640 : i32
    %mul3A_61 = arith.muli %arg1, %mul3A_60 : i32
    %add3A_62 = arith.constant 384 : i32
    %add3A_63 = arith.addi %mul3A_61, %add3A_62 : i32
    "tpu.region"() ({
      %run_scoped3A = tpu.sem_alloc : memref<!tpu.dma_semaphore, #tpu.memory_space<semaphore_mem>>
      %dma_start3A = arith.constant 0 : i32
      %dma_start3A_68 = tpu.memref_slice %arg5[%arg0, %add3A_63, %dma_start3A] : memref<2x10240x128xf32, #tpu.memory_space<hbm>> -> memref<1x128x128xf32, #tpu.memory_space<hbm>>
      %dma_start3A_69 = tpu.memref_squeeze %dma_start3A_68 : memref<1x128x128xf32, #tpu.memory_space<hbm>> -> memref<128x128xf32, #tpu.memory_space<hbm>>
      %dma_start3A_70 = arith.constant 0 : i32
      %dma_start3A_71 = tpu.memref_slice %arg10[%add3A_63, %dma_start3A_70] : memref<10240x128xf32, #tpu.memory_space<vmem_shared>> -> memref<128x128xf32, #tpu.memory_space<vmem_shared>>
      tpu.enqueue_dma source(%dma_start3A_71 : memref<128x128xf32, #tpu.memory_space<vmem_shared>>) target(%dma_start3A_69 : memref<128x128xf32, #tpu.memory_space<hbm>>) target_semaphore(%run_scoped3A : memref<!tpu.dma_semaphore, #tpu.memory_space<semaphore_mem>>)
      %dma_wait3A = arith.constant 0 : i32
      %dma_wait3A_72 = tpu.memref_slice %arg5[%arg0, %add3A_63, %dma_wait3A] : memref<2x10240x128xf32, #tpu.memory_space<hbm>> -> memref<1x128x128xf32, #tpu.memory_space<hbm>>
      %dma_wait3A_73 = tpu.memref_squeeze %dma_wait3A_72 : memref<1x128x128xf32, #tpu.memory_space<hbm>> -> memref<128x128xf32, #tpu.memory_space<hbm>>
      %dma_wait3A_74 = arith.constant 0 : i32
      %dma_wait3A_75 = tpu.memref_slice %arg10[%add3A_63, %dma_wait3A_74] : memref<10240x128xf32, #tpu.memory_space<vmem_shared>> -> memref<128x128xf32, #tpu.memory_space<vmem_shared>>
      tpu.wait_dma2 semaphore(%run_scoped3A : memref<!tpu.dma_semaphore, #tpu.memory_space<semaphore_mem>>) src(%dma_wait3A_75 : memref<128x128xf32, #tpu.memory_space<vmem_shared>>) dst(%dma_wait3A_73 : memref<128x128xf32, #tpu.memory_space<hbm>>)
      tpu.yield
    }) : () -> ()
    %mul3A_64 = arith.constant 640 : i32
    %mul3A_65 = arith.muli %arg1, %mul3A_64 : i32
    %add3A_66 = arith.constant 512 : i32
    %add3A_67 = arith.addi %mul3A_65, %add3A_66 : i32
    "tpu.region"() ({
      %run_scoped3A = tpu.sem_alloc : memref<!tpu.dma_semaphore, #tpu.memory_space<semaphore_mem>>
      %dma_start3A = arith.constant 0 : i32
      %dma_start3A_68 = tpu.memref_slice %arg5[%arg0, %add3A_67, %dma_start3A] : memref<2x10240x128xf32, #tpu.memory_space<hbm>> -> memref<1x128x128xf32, #tpu.memory_space<hbm>>
      %dma_start3A_69 = tpu.memref_squeeze %dma_start3A_68 : memref<1x128x128xf32, #tpu.memory_space<hbm>> -> memref<128x128xf32, #tpu.memory_space<hbm>>
      %dma_start3A_70 = arith.constant 0 : i32
      %dma_start3A_71 = tpu.memref_slice %arg10[%add3A_67, %dma_start3A_70] : memref<10240x128xf32, #tpu.memory_space<vmem_shared>> -> memref<128x128xf32, #tpu.memory_space<vmem_shared>>
      tpu.enqueue_dma source(%dma_start3A_71 : memref<128x128xf32, #tpu.memory_space<vmem_shared>>) target(%dma_start3A_69 : memref<128x128xf32, #tpu.memory_space<hbm>>) target_semaphore(%run_scoped3A : memref<!tpu.dma_semaphore, #tpu.memory_space<semaphore_mem>>)
      %dma_wait3A = arith.constant 0 : i32
      %dma_wait3A_72 = tpu.memref_slice %arg5[%arg0, %add3A_67, %dma_wait3A] : memref<2x10240x128xf32, #tpu.memory_space<hbm>> -> memref<1x128x128xf32, #tpu.memory_space<hbm>>
      %dma_wait3A_73 = tpu.memref_squeeze %dma_wait3A_72 : memref<1x128x128xf32, #tpu.memory_space<hbm>> -> memref<128x128xf32, #tpu.memory_space<hbm>>
      %dma_wait3A_74 = arith.constant 0 : i32
      %dma_wait3A_75 = tpu.memref_slice %arg10[%add3A_67, %dma_wait3A_74] : memref<10240x128xf32, #tpu.memory_space<vmem_shared>> -> memref<128x128xf32, #tpu.memory_space<vmem_shared>>
      tpu.wait_dma2 semaphore(%run_scoped3A : memref<!tpu.dma_semaphore, #tpu.memory_space<semaphore_mem>>) src(%dma_wait3A_75 : memref<128x128xf32, #tpu.memory_space<vmem_shared>>) dst(%dma_wait3A_73 : memref<128x128xf32, #tpu.memory_space<hbm>>)
      tpu.yield
    }) : () -> ()
    return
  }
}

module attributes {stable_mosaic.version = 14 : i64} {
  func.func @_mm1_body(%arg0: i32, %arg1: memref<1000x128xf32, #tpu.memory_space<vmem>>, %arg2: memref<128x128xf32, #tpu.memory_space<vmem>>, %arg3: memref<1000x128xf32, #tpu.memory_space<vmem>>, %arg4: memref<1000x128xf32, #tpu.memory_space<vmem>>) attributes {dimension_semantics = [#tpu.dimension_semantics<arbitrary>], iteration_bounds = array<i64: 10>, scalar_prefetch = 0 : i64, scratch_operands = 0 : i64, tpu.core_type = #tpu.core_type<tc>, window_params = [{transform_indices = @transform_0, window_bounds = array<i64: 1000, 128>}, {pipeline_mode = #tpu.pipeline_mode<synchronous>, transform_indices = @transform_1, window_bounds = array<i64: 128, 128>}, {transform_indices = @transform_2, window_bounds = array<i64: 1000, 128>}, {transform_indices = @transform_3, window_bounds = array<i64: 1000, 128>}]} {
    %get3A = arith.constant 0 : index
    %get3A_0 = arith.constant 0 : index
    %get3A_1 = vector.load %arg1[%get3A, %get3A_0] : memref<1000x128xf32, #tpu.memory_space<vmem>>, vector<1000x128xf32>
    %get3A_2 = arith.constant 0 : index
    %get3A_3 = arith.constant 0 : index
    %get3A_4 = vector.load %arg2[%get3A_2, %get3A_3] : memref<128x128xf32, #tpu.memory_space<vmem>>, vector<128x128xf32>
    %dot_general3A = arith.constant dense<0.000000e+00> : vector<1000x128xf32>
    %dot_general3A_5 = tpu.matmul %get3A_1, %get3A_4, %dot_general3A {dimension_numbers = #tpu.dot_dimension_numbers<[1], [0], [0], [1], [0, 0, 1, 1], [], []>, transpose_lhs_hint = false} : vector<1000x128xf32>, vector<128x128xf32>, vector<1000x128xf32> -> vector<1000x128xf32>
    %get3A_6 = arith.constant 0 : index
    %get3A_7 = arith.constant 0 : index
    %get3A_8 = vector.load %arg3[%get3A_6, %get3A_7] : memref<1000x128xf32, #tpu.memory_space<vmem>>, vector<1000x128xf32>
    %mul3A = arith.mulf %dot_general3A_5, %get3A_8 : vector<1000x128xf32>
    %swap3A = arith.constant 0 : index
    %swap3A_9 = arith.constant 0 : index
    %swap3A_10 = vector.load %arg4[%swap3A, %swap3A_9] : memref<1000x128xf32, #tpu.memory_space<vmem>>, vector<1000x128xf32>
    tpu.vector_store %arg4[%swap3A, %swap3A_9], %mul3A {strides = array<i32>} : memref<1000x128xf32, #tpu.memory_space<vmem>>, vector<1000x128xf32>,
    return
  }
  func.func @transform_0(%arg0: i32) -> (i32, i32) {
    %c0_i32 = arith.constant 0 : i32
    %c0_i32_0 = arith.constant 0 : i32
    return %arg0, %c0_i32 : i32, i32
  }
  func.func @transform_1(%arg0: i32) -> (i32, i32) {
    %c0_i32 = arith.constant 0 : i32
    %c0_i32_0 = arith.constant 0 : i32
    %c0_i32_1 = arith.constant 0 : i32
    return %c0_i32, %c0_i32_0 : i32, i32
  }
  func.func @transform_2(%arg0: i32) -> (i32, i32) {
    %c0_i32 = arith.constant 0 : i32
    %c0_i32_0 = arith.constant 0 : i32
    return %arg0, %c0_i32 : i32, i32
  }
  func.func @transform_3(%arg0: i32) -> (i32, i32) {
    %c0_i32 = arith.constant 0 : i32
    %c0_i32_0 = arith.constant 0 : i32
    return %arg0, %c0_i32 : i32, i32
  }
}

module attributes {stable_mosaic.version = 14 : i64} {
  func.func @_ew1_body(%arg0: i32, %arg1: memref<1000x128xf32, #tpu.memory_space<vmem>>, %arg2: memref<1000x128xf32, #tpu.memory_space<vmem>>, %arg3: memref<1000x128xf32, #tpu.memory_space<vmem>>, %arg4: memref<1000x128xf32, #tpu.memory_space<vmem>>, %arg5: memref<1x128xf32, #tpu.memory_space<vmem>>, %arg6: memref<1000x128xf32, #tpu.memory_space<vmem>>) attributes {dimension_semantics = [#tpu.dimension_semantics<arbitrary>], iteration_bounds = array<i64: 10>, scalar_prefetch = 0 : i64, scratch_operands = 0 : i64, tpu.core_type = #tpu.core_type<tc>, window_params = [{transform_indices = @transform_0, window_bounds = array<i64: 1000, 128>}, {transform_indices = @transform_1, window_bounds = array<i64: 1000, 128>}, {transform_indices = @transform_2, window_bounds = array<i64: 1000, 128>}, {transform_indices = @transform_3, window_bounds = array<i64: 1000, 128>}, {pipeline_mode = #tpu.pipeline_mode<synchronous>, transform_indices = @transform_4, window_bounds = array<i64: 1, 128>}, {transform_indices = @transform_5, window_bounds = array<i64: 1000, 128>}]} {
    %get3A = arith.constant 0 : index
    %get3A_0 = arith.constant 0 : index
    %get3A_1 = vector.load %arg4[%get3A, %get3A_0] : memref<1000x128xf32, #tpu.memory_space<vmem>>, vector<1000x128xf32>
    %get3A_2 = arith.constant 0 : index
    %get3A_3 = arith.constant 0 : index
    %get3A_4 = vector.load %arg1[%get3A_2, %get3A_3] : memref<1000x128xf32, #tpu.memory_space<vmem>>, vector<1000x128xf32>
    %get3A_5 = arith.constant 0 : index
    %get3A_6 = arith.constant 0 : index
    %get3A_7 = vector.load %arg2[%get3A_5, %get3A_6] : memref<1000x128xf32, #tpu.memory_space<vmem>>, vector<1000x128xf32>
    %add3A = arith.addf %get3A_4, %get3A_7 : vector<1000x128xf32>
    %get3A_8 = arith.constant 0 : index
    %get3A_9 = arith.constant 0 : index
    %get3A_10 = vector.load %arg3[%get3A_8, %get3A_9] : memref<1000x128xf32, #tpu.memory_space<vmem>>, vector<1000x128xf32>
    %add3A_11 = arith.addf %add3A, %get3A_10 : vector<1000x128xf32>
    %mul3A = arith.mulf %get3A_1, %add3A_11 : vector<1000x128xf32>
    %get3A_12 = arith.constant 0 : index
    %get3A_13 = arith.constant 0 : index
    %get3A_14 = vector.load %arg5[%get3A_12, %get3A_13] : memref<1x128xf32, #tpu.memory_space<vmem>>, vector<1x128xf32>
    %add3A_15 = vector.broadcast %get3A_14 : vector<1x128xf32> to vector<1000x128xf32>
    %add3A_16 = arith.addf %mul3A, %add3A_15 : vector<1000x128xf32>
    %max3A = arith.constant 0.000000e+00 : f32
    %max3A_17 = vector.broadcast %max3A : f32 to vector<1000x128xf32>
    %max3A_18 = arith.maximumf %add3A_16, %max3A_17 : vector<1000x128xf32>
    %swap3A = arith.constant 0 : index
    %swap3A_19 = arith.constant 0 : index
    %swap3A_20 = vector.load %arg6[%swap3A, %swap3A_19] : memref<1000x128xf32, #tpu.memory_space<vmem>>, vector<1000x128xf32>
    tpu.vector_store %arg6[%swap3A, %swap3A_19], %max3A_18 {strides = array<i32>} : memref<1000x128xf32, #tpu.memory_space<vmem>>, vector<1000x128xf32>,
    return
  }
  func.func @transform_0(%arg0: i32) -> (i32, i32) {
    %c0_i32 = arith.constant 0 : i32
    %c0_i32_0 = arith.constant 0 : i32
    return %arg0, %c0_i32 : i32, i32
  }
  func.func @transform_1(%arg0: i32) -> (i32, i32) {
    %c0_i32 = arith.constant 0 : i32
    %c0_i32_0 = arith.constant 0 : i32
    return %arg0, %c0_i32 : i32, i32
  }
  func.func @transform_2(%arg0: i32) -> (i32, i32) {
    %c0_i32 = arith.constant 0 : i32
    %c0_i32_0 = arith.constant 0 : i32
    return %arg0, %c0_i32 : i32, i32
  }
  func.func @transform_3(%arg0: i32) -> (i32, i32) {
    %c0_i32 = arith.constant 0 : i32
    %c0_i32_0 = arith.constant 0 : i32
    return %arg0, %c0_i32 : i32, i32
  }
  func.func @transform_4(%arg0: i32) -> (i32, i32) {
    %c0_i32 = arith.constant 0 : i32
    %c0_i32_0 = arith.constant 0 : i32
    %c0_i32_1 = arith.constant 0 : i32
    return %c0_i32, %c0_i32_0 : i32, i32
  }
  func.func @transform_5(%arg0: i32) -> (i32, i32) {
    %c0_i32 = arith.constant 0 : i32
    %c0_i32_0 = arith.constant 0 : i32
    return %arg0, %c0_i32 : i32, i32
  }
}

module attributes {stable_mosaic.version = 14 : i64} {
  func.func @_mlp_body(%arg0: i32, %arg1: memref<1000x128xf32, #tpu.memory_space<vmem>>, %arg2: memref<1000x128xf32, #tpu.memory_space<vmem>>, %arg3: memref<1000x128xf32, #tpu.memory_space<vmem>>, %arg4: memref<128x128xf32, #tpu.memory_space<vmem>>, %arg5: memref<128x128xf32, #tpu.memory_space<vmem>>, %arg6: memref<1x128xf32, #tpu.memory_space<vmem>>, %arg7: memref<128x64xf32, #tpu.memory_space<vmem>>, %arg8: memref<1x64xf32, #tpu.memory_space<vmem>>, %arg9: memref<64x128xf32, #tpu.memory_space<vmem>>, %arg10: memref<1x128xf32, #tpu.memory_space<vmem>>, %arg11: memref<128x16xf32, #tpu.memory_space<vmem>>, %arg12: memref<1x16xf32, #tpu.memory_space<vmem>>, %arg13: memref<1000x16xf32, #tpu.memory_space<vmem>>) attributes {dimension_semantics = [#tpu.dimension_semantics<arbitrary>], iteration_bounds = array<i64: 10>, scalar_prefetch = 0 : i64, scratch_operands = 0 : i64, tpu.core_type = #tpu.core_type<tc>, window_params = [{transform_indices = @transform_0, window_bounds = array<i64: 1000, 128>}, {transform_indices = @transform_1, window_bounds = array<i64: 1000, 128>}, {transform_indices = @transform_2, window_bounds = array<i64: 1000, 128>}, {pipeline_mode = #tpu.pipeline_mode<synchronous>, transform_indices = @transform_3, window_bounds = array<i64: 128, 128>}, {pipeline_mode = #tpu.pipeline_mode<synchronous>, transform_indices = @transform_4, window_bounds = array<i64: 128, 128>}, {pipeline_mode = #tpu.pipeline_mode<synchronous>, transform_indices = @transform_5, window_bounds = array<i64: 1, 128>}, {pipeline_mode = #tpu.pipeline_mode<synchronous>, transform_indices = @transform_6, window_bounds = array<i64: 128, 64>}, {pipeline_mode = #tpu.pipeline_mode<synchronous>, transform_indices = @transform_7, window_bounds = array<i64: 1, 64>}, {pipeline_mode = #tpu.pipeline_mode<synchronous>, transform_indices = @transform_8, window_bounds = array<i64: 64, 128>}, {pipeline_mode = #tpu.pipeline_mode<synchronous>, transform_indices = @transform_9, window_bounds = array<i64: 1, 128>}, {pipeline_mode = #tpu.pipeline_mode<synchronous>, transform_indices = @transform_10, window_bounds = array<i64: 128, 16>}, {pipeline_mode = #tpu.pipeline_mode<synchronous>, transform_indices = @transform_11, window_bounds = array<i64: 1, 16>}, {transform_indices = @transform_12, window_bounds = array<i64: 1000, 16>}]} {
    %get3A = arith.constant 0 : index
    %get3A_0 = arith.constant 0 : index
    %get3A_1 = vector.load %arg1[%get3A, %get3A_0] : memref<1000x128xf32, #tpu.memory_space<vmem>>, vector<1000x128xf32>
    %get3A_2 = arith.constant 0 : index
    %get3A_3 = arith.constant 0 : index
    %get3A_4 = vector.load %arg2[%get3A_2, %get3A_3] : memref<1000x128xf32, #tpu.memory_space<vmem>>, vector<1000x128xf32>
    %add3A = arith.addf %get3A_1, %get3A_4 : vector<1000x128xf32>
    %get3A_5 = arith.constant 0 : index
    %get3A_6 = arith.constant 0 : index
    %get3A_7 = vector.load %arg4[%get3A_5, %get3A_6] : memref<128x128xf32, #tpu.memory_space<vmem>>, vector<128x128xf32>
    %dot_general3A = arith.constant dense<0.000000e+00> : vector<1000x128xf32>
    %dot_general3A_8 = tpu.matmul %add3A, %get3A_7, %dot_general3A {dimension_numbers = #tpu.dot_dimension_numbers<[1], [0], [0], [1], [0, 0, 1, 1], [], []>, transpose_lhs_hint = false} : vector<1000x128xf32>, vector<128x128xf32>, vector<1000x128xf32> -> vector<1000x128xf32>
    %get3A_9 = arith.constant 0 : index
    %get3A_10 = arith.constant 0 : index
    %get3A_11 = vector.load %arg3[%get3A_9, %get3A_10] : memref<1000x128xf32, #tpu.memory_space<vmem>>, vector<1000x128xf32>
    %get3A_12 = arith.constant 0 : index
    %get3A_13 = arith.constant 0 : index
    %get3A_14 = vector.load %arg5[%get3A_12, %get3A_13] : memref<128x128xf32, #tpu.memory_space<vmem>>, vector<128x128xf32>
    %dot_general3A_15 = arith.constant dense<0.000000e+00> : vector<1000x128xf32>
    %dot_general3A_16 = tpu.matmul %get3A_11, %get3A_14, %dot_general3A_15 {dimension_numbers = #tpu.dot_dimension_numbers<[1], [0], [0], [1], [0, 0, 1, 1], [], []>, transpose_lhs_hint = false} : vector<1000x128xf32>, vector<128x128xf32>, vector<1000x128xf32> -> vector<1000x128xf32>
    %add3A_17 = arith.addf %dot_general3A_8, %dot_general3A_16 : vector<1000x128xf32>
    %get3A_18 = arith.constant 0 : index
    %get3A_19 = arith.constant 0 : index
    %get3A_20 = vector.load %arg6[%get3A_18, %get3A_19] : memref<1x128xf32, #tpu.memory_space<vmem>>, vector<1x128xf32>
    %add3A_21 = vector.broadcast %get3A_20 : vector<1x128xf32> to vector<1000x128xf32>
    %add3A_22 = arith.addf %add3A_17, %add3A_21 : vector<1000x128xf32>
    %max3A = arith.constant 0.000000e+00 : f32
    %max3A_23 = vector.broadcast %max3A : f32 to vector<1000x128xf32>
    %max3A_24 = arith.maximumf %add3A_22, %max3A_23 : vector<1000x128xf32>
    %get3A_25 = arith.constant 0 : index
    %get3A_26 = arith.constant 0 : index
    %get3A_27 = vector.load %arg7[%get3A_25, %get3A_26] : memref<128x64xf32, #tpu.memory_space<vmem>>, vector<128x64xf32>
    %dot_general3A_28 = arith.constant dense<0.000000e+00> : vector<1000x64xf32>
    %dot_general3A_29 = tpu.matmul %max3A_24, %get3A_27, %dot_general3A_28 {dimension_numbers = #tpu.dot_dimension_numbers<[1], [0], [0], [1], [0, 0, 1, 1], [], []>, transpose_lhs_hint = false} : vector<1000x128xf32>, vector<128x64xf32>, vector<1000x64xf32> -> vector<1000x64xf32>
    %get3A_30 = arith.constant 0 : index
    %get3A_31 = arith.constant 0 : index
    %get3A_32 = vector.load %arg8[%get3A_30, %get3A_31] : memref<1x64xf32, #tpu.memory_space<vmem>>, vector<1x64xf32>
    %add3A_33 = vector.broadcast %get3A_32 : vector<1x64xf32> to vector<1000x64xf32>
    %add3A_34 = arith.addf %dot_general3A_29, %add3A_33 : vector<1000x64xf32>
    %max3A_35 = arith.constant 0.000000e+00 : f32
    %max3A_36 = vector.broadcast %max3A_35 : f32 to vector<1000x64xf32>
    %max3A_37 = arith.maximumf %add3A_34, %max3A_36 : vector<1000x64xf32>
    %get3A_38 = arith.constant 0 : index
    %get3A_39 = arith.constant 0 : index
    %get3A_40 = vector.load %arg9[%get3A_38, %get3A_39] : memref<64x128xf32, #tpu.memory_space<vmem>>, vector<64x128xf32>
    %dot_general3A_41 = arith.constant dense<0.000000e+00> : vector<1000x128xf32>
    %dot_general3A_42 = tpu.matmul %max3A_37, %get3A_40, %dot_general3A_41 {dimension_numbers = #tpu.dot_dimension_numbers<[1], [0], [0], [1], [0, 0, 1, 1], [], []>, transpose_lhs_hint = false} : vector<1000x64xf32>, vector<64x128xf32>, vector<1000x128xf32> -> vector<1000x128xf32>
    %get3A_43 = arith.constant 0 : index
    %get3A_44 = arith.constant 0 : index
    %get3A_45 = vector.load %arg10[%get3A_43, %get3A_44] : memref<1x128xf32, #tpu.memory_space<vmem>>, vector<1x128xf32>
    %add3A_46 = vector.broadcast %get3A_45 : vector<1x128xf32> to vector<1000x128xf32>
    %add3A_47 = arith.addf %dot_general3A_42, %add3A_46 : vector<1000x128xf32>
    %max3A_48 = arith.constant 0.000000e+00 : f32
    %max3A_49 = vector.broadcast %max3A_48 : f32 to vector<1000x128xf32>
    %max3A_50 = arith.maximumf %add3A_47, %max3A_49 : vector<1000x128xf32>
    %get3A_51 = arith.constant 0 : index
    %get3A_52 = arith.constant 0 : index
    %get3A_53 = vector.load %arg11[%get3A_51, %get3A_52] : memref<128x16xf32, #tpu.memory_space<vmem>>, vector<128x16xf32>
    %dot_general3A_54 = arith.constant dense<0.000000e+00> : vector<1000x16xf32>
    %dot_general3A_55 = tpu.matmul %max3A_50, %get3A_53, %dot_general3A_54 {dimension_numbers = #tpu.dot_dimension_numbers<[1], [0], [0], [1], [0, 0, 1, 1], [], []>, transpose_lhs_hint = false} : vector<1000x128xf32>, vector<128x16xf32>, vector<1000x16xf32> -> vector<1000x16xf32>
    %get3A_56 = arith.constant 0 : index
    %get3A_57 = arith.constant 0 : index
    %get3A_58 = vector.load %arg12[%get3A_56, %get3A_57] : memref<1x16xf32, #tpu.memory_space<vmem>>, vector<1x16xf32>
    %add3A_59 = vector.broadcast %get3A_58 : vector<1x16xf32> to vector<1000x16xf32>
    %add3A_60 = arith.addf %dot_general3A_55, %add3A_59 : vector<1000x16xf32>
    %swap3A = arith.constant 0 : index
    %swap3A_61 = arith.constant 0 : index
    %swap3A_62 = vector.load %arg13[%swap3A, %swap3A_61] : memref<1000x16xf32, #tpu.memory_space<vmem>>, vector<1000x16xf32>
    tpu.vector_store %arg13[%swap3A, %swap3A_61], %add3A_60 {strides = array<i32>} : memref<1000x16xf32, #tpu.memory_space<vmem>>, vector<1000x16xf32>,
    return
  }
  func.func @transform_0(%arg0: i32) -> (i32, i32) {
    %c0_i32 = arith.constant 0 : i32
    %c0_i32_0 = arith.constant 0 : i32
    return %arg0, %c0_i32 : i32, i32
  }
  func.func @transform_1(%arg0: i32) -> (i32, i32) {
    %c0_i32 = arith.constant 0 : i32
    %c0_i32_0 = arith.constant 0 : i32
    return %arg0, %c0_i32 : i32, i32
  }
  func.func @transform_2(%arg0: i32) -> (i32, i32) {
    %c0_i32 = arith.constant 0 : i32
    %c0_i32_0 = arith.constant 0 : i32
    return %arg0, %c0_i32 : i32, i32
  }
  func.func @transform_3(%arg0: i32) -> (i32, i32) {
    %c0_i32 = arith.constant 0 : i32
    %c0_i32_0 = arith.constant 0 : i32
    %c0_i32_1 = arith.constant 0 : i32
    return %c0_i32, %c0_i32_0 : i32, i32
  }
  func.func @transform_4(%arg0: i32) -> (i32, i32) {
    %c0_i32 = arith.constant 0 : i32
    %c0_i32_0 = arith.constant 0 : i32
    %c0_i32_1 = arith.constant 0 : i32
    return %c0_i32, %c0_i32_0 : i32, i32
  }
  func.func @transform_5(%arg0: i32) -> (i32, i32) {
    %c0_i32 = arith.constant 0 : i32
    %c0_i32_0 = arith.constant 0 : i32
    %c0_i32_1 = arith.constant 0 : i32
    return %c0_i32, %c0_i32_0 : i32, i32
  }
  func.func @transform_6(%arg0: i32) -> (i32, i32) {
    %c0_i32 = arith.constant 0 : i32
    %c0_i32_0 = arith.constant 0 : i32
    %c0_i32_1 = arith.constant 0 : i32
    return %c0_i32, %c0_i32_0 : i32, i32
  }
  func.func @transform_7(%arg0: i32) -> (i32, i32) {
    %c0_i32 = arith.constant 0 : i32
    %c0_i32_0 = arith.constant 0 : i32
    %c0_i32_1 = arith.constant 0 : i32
    return %c0_i32, %c0_i32_0 : i32, i32
  }
  func.func @transform_8(%arg0: i32) -> (i32, i32) {
    %c0_i32 = arith.constant 0 : i32
    %c0_i32_0 = arith.constant 0 : i32
    %c0_i32_1 = arith.constant 0 : i32
    return %c0_i32, %c0_i32_0 : i32, i32
  }
  func.func @transform_9(%arg0: i32) -> (i32, i32) {
    %c0_i32 = arith.constant 0 : i32
    %c0_i32_0 = arith.constant 0 : i32
    %c0_i32_1 = arith.constant 0 : i32
    return %c0_i32, %c0_i32_0 : i32, i32
  }
  func.func @transform_10(%arg0: i32) -> (i32, i32) {
    %c0_i32 = arith.constant 0 : i32
    %c0_i32_0 = arith.constant 0 : i32
    %c0_i32_1 = arith.constant 0 : i32
    return %c0_i32, %c0_i32_0 : i32, i32
  }
  func.func @transform_11(%arg0: i32) -> (i32, i32) {
    %c0_i32 = arith.constant 0 : i32
    %c0_i32_0 = arith.constant 0 : i32
    %c0_i32_1 = arith.constant 0 : i32
    return %c0_i32, %c0_i32_0 : i32, i32
  }
  func.func @transform_12(%arg0: i32) -> (i32, i32) {
    %c0_i32 = arith.constant 0 : i32
    %c0_i32_0 = arith.constant 0 : i32
    return %arg0, %c0_i32 : i32, i32
  }
}

</mosaic_0001>

<sc_bundles>
// kernel: kernel.11.cloned.1.call-start
scs
__scs_entry_jumppad:
0x0: {  	(pc) =	sbr.rel $0x88, $3  }
0x1: {  	(tag) =	ssettag $0x0;
	lr =	simm.s32 $0x1  }
0x2: {  	[smem:$0x3F94] =	sst lr;
	_ =	strace $0xD0000000  }
0x3: {  	_ = 	snop  }
0x4: {  	_ = 	snop  }
0x5: {  	_ = 	snop  }
0x6: {  	_ = 	snop  }
0x7: {  	_ = 	snop  }
__scs_overlays_trampoline_lowered:
0x8: {  	[smem:$0x3FA3] =	sst s0  }
0x9: {  	[smem:$0x3FA4] =	sst s1  }
0xa: {  	[smem:$0x3FA5] =	sst s2  }
0xb: {  	[smem:$0x3FA6] =	sst s3  }
0xc: {  	[smem:$0x3FA7] =	sst s4  }
0xd: {  	[smem:$0x3FA8] =	sst s5  }
0xe: {  	[smem:$0x3FA9] =	sst s6  }
0xf: {  	[smem:$0x3FAA] =	sst s7  }
0x10: {  	[smem:$0x3FAB] =	sst s8  }
0x11: {  	[smem:$0x3FAC] =	sst s9;
	s0 =	simm.s32 @!p0 $0x0  }
0x12: {  	s1 =	sld [smem:$0x3F92];
	s0 =	simm.s32 @p0 $0x1  }
0x13: {  	[smem:$0x3FAD] =	sst s0;
	s0 =	simm.s32 @!p1 $0x0  }
0x14: {  	s2 =	sld [smem:$0x3F91];
	s0 =	simm.s32 @p1 $0x1  }
0x15: {  	[smem:$0x3FAE] =	sst s0;
	s0 =	simm.s32 @!p2 $0x0  }
0x16: {  	s3 =	sld [smem:$0x3FDB];
	s0 =	simm.s32 @p2 $0x1  }
0x17: {  	s4 =	simm.s32 $0x1BF5;
	[smem:$0x3FB0] =	sst s0  }
0x18: {  	s0 =	sld [smem:$0x3F93];
	_ =	swait.ge [sflag:s4], $0x0  }
0x19: {  	s7 =	sld [smem:$0x3F94]  }
0x1a: {  	s8 =	sadd.s32 $0xFFFFE003, lr  }
0x1b: {  	s9 =	sadd.s32 $0xFFFFFEF7, lr;
	s5 =	simm.s32 $0xFFFFFFFF;
	p2 =	slt.u32 s8, $0xFFFFF086  }
0x1c: {  	p1 =	slt.u32 s9, $0xF7A;
	s5 =	simm.s32 @!p2 $0x0  }
0x1d: {  	s5 =	simm.s32 @p1 $0x1;
	p0 =	seq.s32 s7, s2  }
0x1e: {  	s7 =	smul.u32 @!p0 $0xF7A, s2;
	p2 =	seq.s32 @!p0 s5, $0x0  }
0x1f: {  	s9 =	smul.u32 $0xF7A, s1;
	s8 =	simm.s32 @!p0 $0x1BF5;
	p2 =	por !p2, p0  }
0x20: {  	[sflag:s8] =	ssyncset.s32 @!p0 $0xFFFFF086;
	s6 =	sadd.s32 @!p0 s3, s7;
	s7 =	simm.s32 @!p0 $0x108  }
0x21: {  	s3 =	sadd.s32 s3, s9;
	s6 =	sadd.s32 @!p0 $0x88, s6;
	s7 =	simm.s32 @p2 $0x1082  }
0x22: {  	[simem:s7], [sflag:s8] =	dma.local @!p0 [hbm:s6], $0xF7A  }
0x23: {  	s9 =	sor.u32 $0xD0000000, s2;
	s6 =	simm.s32 $0x108;
	_ =	swait.ge @!p0 [sflag:s8], $0x0  }
0x24: {  	s3 =	sadd.s32 $0x88, s3;
	s6 =	simm.s32 @!p1 $0x1082;
	[sflag:s4] =	ssyncset.s32 $0xFFFFF086  }
0x25: {  	[simem:s6], [sflag:s4] =	dma.local [hbm:s3], $0xF7A  }
0x26: {  	[smem:$0x3F94] =	sst s1;
	(tag) =	ssettag s2;
	_ =	strace s9  }
0x27: {  	s1 =	sld [smem:$0x3FA4]  }
0x28: {  	s2 =	sld [smem:$0x3FA5]  }
0x29: {  	s4 =	sld [smem:$0x3FA7]  }
0x2a: {  	p0 =	seq.s32 s5, $0x0;
	s5 =	sld [smem:$0x3FA8]  }
0x2b: {  	s6 =	sld [smem:$0x3FA9]  }
0x2c: {  	s7 =	sld [smem:$0x3FAA]  }
0x2d: {  	s3 =	simm.s32 $0x108;
	s8 =	sld [smem:$0x3FAB]  }
0x2e: {  	s3 =	simm.s32 @!p0 $0x1082;
	s9 =	sld [smem:$0x3FAC]  }
0x2f: {  	lr =	sadd.s32 s0, s3;
	s0 =	sld [smem:$0x3FA3]  }
0x30: {  	s3 =	sld [smem:$0x3FA6]  }
0x31: {  	[smem:$0x3FAF] =	sst s10  }
0x32: {  	s10 =	sld [smem:$0x3FAD];
	_ =	sdelay $0x3  }
0x33: {  	p0 =	seq.s32 s10, $0x1;
	s10 =	sld [smem:$0x3FAF];
	_ =	sdelay $0x3  }
0x34: {  	[smem:$0x3FAF] =	sst s10  }
0x35: {  	s10 =	sld [smem:$0x3FAE];
	_ =	sdelay $0x3  }
0x36: {  	p1 =	seq.s32 s10, $0x1;
	s10 =	sld [smem:$0x3FAF];
	_ =	sdelay $0x3  }
0x37: {  	[smem:$0x3FAF] =	sst s10  }
0x38: {  	s10 =	sld [smem:$0x3FB0]  }
0x39: {  	_ = 	snop;
	(pc) =	sbr.ind lr, $3  }
0x3a: {  	_ = 	snop  }
0x3b: {  	_ = 	snop  }
0x3c: {  	p2 =	seq.s32 s10, $0x1;
	s10 =	sld [smem:$0x3FAF]  }
0x3d: {  	_ =	shalt  }
0x3e: {  	_ =	shalt  }
0x3f: {  	_ =	shalt  }
0x40: {  	_ =	shalt  }
0x41: {  	_ =	shalt  }
0x42: {  	_ =	shalt  }
0x43: {  	_ =	shalt  }
0x44: {  	_ =	shalt  }
0x45: {  	_ =	shalt  }
0x46: {  	_ =	shalt  }
0x47: {  	_ =	shalt  }
0x48: {  	_ =	shalt  }
0x49: {  	_ =	shalt  }
0x4a: {  	_ =	shalt  }
0x4b: {  	_ =	shalt  }
0x4c: {  	_ =	shalt  }
0x4d: {  	_ =	shalt  }
0x4e: {  	_ =	shalt  }
0x4f: {  	_ =	shalt  }
0x50: {  	_ =	shalt  }
0x51: {  	_ =	shalt  }
0x52: {  	_ =	shalt  }
0x53: {  	_ =	shalt  }
0x54: {  	_ =	shalt  }
0x55: {  	_ =	shalt  }
0x56: {  	_ =	shalt  }
0x57: {  	_ =	shalt  }
0x58: {  	_ =	shalt  }
0x59: {  	_ =	shalt  }
0x5a: {  	_ =	shalt  }
0x5b: {  	_ =	shalt  }
0x5c: {  	_ =	shalt  }
0x5d: {  	_ =	shalt  }
0x5e: {  	_ =	shalt  }
0x5f: {  	_ =	shalt  }
0x60: {  	_ =	shalt  }
0x61: {  	_ =	shalt  }
0x62: {  	_ =	shalt  }
0x63: {  	_ =	shalt  }
0x64: {  	_ =	shalt  }
0x65: {  	_ =	shalt  }
0x66: {  	_ =	shalt  }
0x67: {  	_ =	shalt  }
0x68: {  	_ =	shalt  }
0x69: {  	_ =	shalt  }
0x6a: {  	_ =	shalt  }
0x6b: {  	_ =	shalt  }
0x6c: {  	_ =	shalt  }
0x6d: {  	_ =	shalt  }
0x6e: {  	_ =	shalt  }
0x6f: {  	_ =	shalt  }
0x70: {  	_ =	shalt  }
0x71: {  	_ =	shalt  }
0x72: {  	_ =	shalt  }
0x73: {  	_ =	shalt  }
0x74: {  	_ =	shalt  }
0x75: {  	_ =	shalt  }
0x76: {  	_ =	shalt  }
0x77: {  	_ =	shalt  }
0x78: {  	_ =	shalt  }
0x79: {  	_ =	shalt  }
0x7a: {  	_ =	shalt  }
0x7b: {  	_ =	shalt  }
0x7c: {  	_ =	shalt  }
0x7d: {  	_ =	shalt  }
0x7e: {  	_ =	shalt  }
0x7f: {  	_ =	shalt  }
0x80: {  	_ =	shalt  }
0x81: {  	_ =	shalt  }
0x82: {  	_ =	shalt  }
0x83: {  	_ =	shalt  }
0x84: {  	_ =	shalt  }
0x85: {  	_ =	shalt  }
0x86: {  	_ =	shalt  }
0x87: {  	_ =	shalt  }
.Lfunc_end0:
.L_simem_size_0:
called_computation.1_lowered:
.L_overlay_start_0:
0x88: {  	s2 =	sld [smem:$0x3FD9]  }
0x89: {  	s3 =	sld [smem:$0x3FFE];
	_ =	sdelay $0x1  }
0x8a: {  	s1 =	srdreg.scid  }
0x8b: {  	s0 =	sand.u32 $0x1, s1  }
0x8c: {  	s16 =	sshll.u32 s0, $0xA;
	s2 =	sadd.s32 s3, s2  }
0x8d: {  	s2 =	sadd.s32 s2, s16  }
0x8e: {  	[smem:$0x3FBB] =	sst s2  }
0x8f: {  	_ = 	snop  }
0x90: {  	(tm) =	ssettm $0x1  }
0x91: {  	s17 =	sld [smem:$0x3FFB];
	_ =	sdelay $0x3  }
0x92: {  	_ =	strace s17  }
0x93: {  	s2 =	sld [smem:$0x3FFC];
	_ =	sdelay $0x3  }
0x94: {  	_ =	strace s2  }
0x95: {  	s2 =	sld [smem:$0x3FFD];
	_ =	sdelay $0x3  }
0x96: {  	_ =	strace s2  }
0x97: {  	_ =	strace $0x8FFFFFFF  }
0x98: {  	s18 =	sld [smem:$0x3FDB];
	_ =	sdelay $0x1  }
0x99: {  	s19 =	simm.s32 $_scs_section_size  }
0x9a: {  	s4 =	simm.s32 $_size__tile_overlayer_lowered;
	s5 =	simm.s32 $_tile_overlayer_lowered  }
0x9b: {  	s22 =	simm.s32 $0x1BFF;
	s21 =	sshll.u32 s5, $0x1;
	s2 =	sadd.s32 s19, s18  }
0x9c: {  	s6 =	simm.s32 $0x0;
	s20 =	sshll.u32 s4, $0x1;
	s4 =	sadd.s32 s21, s2  }
0x9d: {  	[timem:s6], [sflag:s22] =	dma.local [hbm:s4], s20  }
0x9e: {  	_ =	swait.ge [sflag:s22], s20  }
0x9f: {  	s3 =	ssub.s32 $0x0, s20;
	[sflag:s22] =	ssyncset.done $0x0  }
0xa0: {  	[sflag:s22] =	ssyncadd.s32 s3;
	_ =	sdelay $0x1  }
0xa1: {  	s23 =	simm.s32 $0x1B8B  }
0xa2: {  	_ =	swait.ge [sflag:s23], $0x1  }
0xa3: {  	[sflag:s23] =	ssyncset.done $0x0  }
0xa4: {  	s25 =	simm.s32 $0x1B8E;
	s24 =	sld [smem:$0x3FFE];
	[sflag:s23] =	ssyncadd.s32 $0xFFFFFFFF  }
0xa5: {  	s26 =	simm.s32 $execute0_lowered;
	[smem:$0x3FD2] =	sst s25  }
0xa6: {  	s4 =	sshll.u32 s26, $0x1;
	_ =	strace $0x80000049;
	[dreg:$0x1] =	wrdreg $0xFFFFFFFF  }
0xa7: {  	s28 =	simm.s32 $_size_execute0_lowered;
	s2 =	sadd.s32 s2, s4;
	[dreg:$0x0] =	wrdreg $0x0  }
0xa8: {  	s4 =	sshll.u32 s28, $0x1;
	[dreg:$0x2] =	wrdreg s2  }
0xa9: {  	[dreg:$0x3] =	wrdreg s4  }
0xaa: {  	[dreg:$0x4] =	wrdreg $0xC0  }
0xab: {  	_ =	task [dreg:s6], $0x5FFFF  }
0xac: {  	[dreg:$0x1] =	wrdreg $0xFFFFFFFF  }
0xad: {  	[dreg:$0x0] =	wrdreg $0x60  }
0xae: {  	[dreg:$0x2] =	wrdreg s24  }
0xaf: {  	[dreg:$0x3] =	wrdreg $0xA8000  }
0xb0: {  	[dreg:$0x4] =	wrdreg $0x9  }
0xb1: {  	_ =	task.clear_ibuf [dreg:s6], $0x5FFFF;
	_ =	strace $0x90000049  }
0xb2: {  	s29 =	simm.s32 $0x9;
	_ =	strace $0x8000004B  }
0xb3: {  	_ =	swait.ge [sflag:s29], $0x1  }
0xb4: {  	[sflag:s29] =	ssyncadd.s32 $0xFFFFFFFF  }
0xb5: {  	_ =	strace $0x9000004B  }
0xb6: {  	_ =	sfence  }
0xb7: {  	s30 =	sld [smem:$0x0];
	_ =	sdelay $0x2  }
0xb8: {  	s31 =	sshll.u32 s1, $0xD;
	s1 =	sshrl.u32 s1, $0x2  }
0xb9: {  	s3 =	sand.u32 $0x4000, s31;
	s1 =	sadd.s32 s1, s30  }
0xba: {  	s0 =	sor.u32 s3, s0;
	s1 =	sshll.u32 s1, $0x11  }
0xbb: {  	s0 =	sor.u32 s1, s0  }
0xbc: {  	s0 =	sadd.s32 $0x8F2B, s0  }
0xbd: {  	[sflag:s0] =	ssyncadd.remote.s32 $0x1  }
0xbe: {  	_ =	sfence.sel $0xFFFF  }
0xbf: {  	[dreg:$0x0] =	wrdreg $0xFFFFFFFF;
	(pc) =	sbr.abs _section_cstart, $3  }
0xc0: {  	[dreg:$0x1] =	wrdreg $0xFFFFFFFF  }
0xc1: {  	_ =	task.clear_ibuf [dreg:s6], $0x2FFFF;
	_ =	strace $0x9FFFFFFF  }
0xc2: {  	(tm) =	ssettm $0x7FFFFFFF  }
0xc3: {  	_ =	shalt  }
tec
execute0_lowered:
.L_overlay_start_1:
0x0: {  	(tag) =	ssettag $0x1  }
0x1: {  	s0 =	rddreg [dreg:$0x0]  }
0x2: {  	s1 =	rddreg [dreg:$0x1];
	s2 =	simm.s32 $0x0  }
0x3: {  	s3 =	srdreg.scid;
	s12 =	stileid.u32;
	s28 =	simm.s32 $0x4  }
0x4: {  	s29 =	simm.s32 $0x2700;
	s30 =	simm.s32 $0x2780;
	s31 =	simm.s32 $0x0  }
0x5: {  	[smem:$0x7FF] =	sst s2;
	s4 =	sadd.s32 $0x3EA00, s0;
	s8 =	smul.u32 $0x50000, s12  }
0x6: {  	s3 =	sand.u32 $0x1, s3;
	s5 =	sadd.s32 $0x3800, s0;
	s13 =	smul.u32 $0x14000, s12  }
0x7: {  	s6 =	sadd.s32 $0xD800, s0;
	s0 =	sadd.s32 $0x65C00, s0;
	s21 =	smul.u32 $0x78, s12  }
0x8: {  	s12 =	smul.u32 $0x28, s12;
	_ =	strace $0x8000004A;
	s7 =	ssub.s32 $0x2, s3  }
0x9: {  	s19 =	smul.u32 $0x140000, s3;
	p0 =	seq.s32 s3, $0x1;
	s9 =	sshrl.u32 s7, $0x1  }
0xa: {  	s20 =	sshrl.u32 s8, $0x2;
	s14 =	sadd.s32 $0x4000, s13;
	s15 =	sadd.s32 $0x8000, s13  }
0xb: {  	s16 =	sadd.s32 $0xC000, s13;
	s17 =	sadd.s32 $0x10000, s13;
	s3 =	sadd.s32 $0x280, s21  }
0xc: {  	s21 =	simm.s32 $0x1400;
	s18 =	ssub.s32 s7, s9;
	s7 =	sadd.s32 s20, s1  }
0xd: {  	s8 =	sadd.s32 s14, s1;
	s9 =	sadd.s32 s15, s1;
	s10 =	sadd.s32 s16, s1  }
0xe: {  	s11 =	sadd.s32 s17, s1;
	s13 =	sadd.s32 s13, s19;
	s14 =	sadd.s32 s19, s14  }
0xf: {  	s12 =	smov.u32 @p0 s3;
	s24 =	sadd.s32 s19, s15;
	s25 =	sadd.s32 s19, s16  }
0x10: {  	s26 =	sadd.s32 s19, s17;
	s19 =	simm.s32 $0x2800;
	s20 =	simm.s32 $0x5  }
0x11: {  	s13 =	sshrl.u32 s13, $0x3;
	s14 =	sshrl.u32 s14, $0x3;
	s3 =	sshrl.u32 s24, $0x3  }
0x12: {  	s17 =	sshrl.u32 s26, $0x3;
	s18 =	smax.u32 s18, $0x1;
	s24 =	simm.s32 $0x1  }
0x13: {  	s26 =	simm.s32 $0x2;
	s22 =	sadd.s32 s0, s13;
	s23 =	sadd.s32 s0, s14  }
0x14: {  	s13 =	sshrl.u32 s25, $0x3;
	s15 =	sadd.s32 s0, s3;
	[dreg:$0x3] =	wrdreg s22  }
0x15: {  	s17 =	sadd.s32 s0, s17;
	s25 =	simm.s32 $0x3;
	[dreg:$0x4] =	wrdreg s23  }
0x16: {  	v0 =	vimm.f32 $0.0e+00;
	s16 =	sadd.s32 s0, s13;
	s22 =	simm.s32 $0x80;
	s23 =	simm.s32 $0x6800  }
.LBB2_1:
0x17: {  	s0 =	simm.s32 $0x0;
	s3 =	simm.s32 $0x200  }
.LBB2_2:
0x18: {  	p1 =	sne.s32 s3, $0xFE00;
	[tilespmem:s0+$0x2870] =	vst v0  }
0x19: {  	[tilespmem:s0+$0x2800] =	vst v0  }
0x1a: {  	[tilespmem:s0+$0x2810] =	vst v0  }
.Ltmp0:
0x1b: {  	[tilespmem:s0+$0x2820] =	vst v0;
	(pc) =	sbr.rel @p1 .LBB2_2-.Ltmp0, $4  }
0x1c: {  	[tilespmem:s0+$0x2830] =	vst v0  }
0x1d: {  	[tilespmem:s0+$0x2840] =	vst v0  }
0x1e: {  	[tilespmem:s0+$0x2850] =	vst v0  }
0x1f: {  	[tilespmem:s0+$0x2860] =	vst v0;
	s0 =	sshra.s32 s3, $0x2;
	s3 =	sadd.s32 $0x200, s3  }
0x20: {  	[tilespmem:s0+$0x2870] =	vst v0  }
0x21: {  	[tilespmem:s0+$0x2800] =	vst v0  }
0x22: {  	[tilespmem:s0+$0x2810] =	vst v0  }
0x23: {  	[tilespmem:s0+$0x2820] =	vst v0  }
0x24: {  	[tilespmem:s0+$0x2830] =	vst v0  }
0x25: {  	[tilespmem:s0+$0x2840] =	vst v0  }
0x26: {  	[tilespmem:s0+$0x2850] =	vst v0  }
0x27: {  	[tilespmem:s0+$0x2860] =	vst v0  }
0x28: {  	[spmem:s7] =	stream.linear.scatter [tilespmem:s19], [sflag:$0x5], $0x4000, $0x38;
	[tilespmem:$0x1E800] =	vst v63  }
0x29: {  	_ =	swait.ge [sflag:s20], $0x4000  }
0x2a: {  	[sflag:s20] =	ssyncset.done $0x0  }
0x2b: {  	[sflag:s20] =	ssyncadd.s32 $0xFFFFC000  }
0x2c: {  	[spmem:s8] =	stream.linear.scatter [tilespmem:s19], [sflag:$0x5], $0x4000, $0x38;
	[tilespmem:$0x1E800] =	vst v63  }
0x2d: {  	_ =	swait.ge [sflag:s20], $0x4000  }
0x2e: {  	[sflag:s20] =	ssyncset.done $0x0  }
0x2f: {  	[sflag:s20] =	ssyncadd.s32 $0xFFFFC000  }
0x30: {  	[spmem:s9] =	stream.linear.scatter [tilespmem:s19], [sflag:$0x5], $0x4000, $0x38;
	[tilespmem:$0x1E800] =	vst v63  }
0x31: {  	_ =	swait.ge [sflag:s20], $0x4000  }
0x32: {  	[sflag:s20] =	ssyncset.done $0x0  }
0x33: {  	[sflag:s20] =	ssyncadd.s32 $0xFFFFC000  }
0x34: {  	[spmem:s10] =	stream.linear.scatter [tilespmem:s19], [sflag:$0x5], $0x4000, $0x38;
	[tilespmem:$0x1E800] =	vst v63  }
0x35: {  	_ =	swait.ge [sflag:s20], $0x4000  }
0x36: {  	[sflag:s20] =	ssyncset.done $0x0  }
0x37: {  	[sflag:s20] =	ssyncadd.s32 $0xFFFFC000  }
0x38: {  	[spmem:s11] =	stream.linear.scatter [tilespmem:s19], [sflag:$0x5], $0x4000, $0x38;
	[tilespmem:$0x1E800] =	vst v63  }
0x39: {  	_ =	swait.ge [sflag:s20], $0x4000  }
0x3a: {  	[sflag:s20] =	ssyncset.done $0x0  }
0x3b: {  	[sflag:s20] =	ssyncadd.s32 $0xFFFFC000  }
0x3c: {  	s0 =	simm.s32 $0x0;
	[bflag:$0x0] =	sbarrier.arrive $0xFFFF  }
.LBB2_4:
0x3d: {  	s3 =	smul.u32 $0x28, s0;
	_ =	sdelay $0x1  }
0x3e: {  	s3 =	sadd.s32 s12, s3  }
0x3f: {  	s3 =	sshll.u32 s3, $0x4  }
0x40: {  	s13 =	sadd.s32 s5, s3  }
0x41: {  	[tilespmem:s31], [sflag:$0x5] =	stream.linear.gather [hbm4b:s13+s31], $0x1400, $0x38;
	[tilespmem:$0x1E800] =	vst v63  }
0x42: {  	_ =	swait.ge [sflag:s20], $0x1400  }
0x43: {  	[sflag:s20] =	ssyncset.done $0x0  }
0x44: {  	s3 =	sadd.s32 s6, s3;
	[sflag:s20] =	ssyncadd.s32 $0xFFFFEC00  }
0x45: {  	[tilespmem:s21], [sflag:$0x5] =	stream.linear.gather [hbm4b:s3+s31], $0x1400, $0x38;
	[tilespmem:$0x1E800] =	vst v63  }
0x46: {  	_ =	swait.ge [sflag:s20], $0x1400  }
0x47: {  	[sflag:s20] =	ssyncset.done $0x0  }
0x48: {  	[sflag:s20] =	ssyncadd.s32 $0xFFFFEC00  }
0x49: {  	[tilespmem:s19], [sflag:$0x1] =	stream.indirect.gather [hbm4b:s4+s22], $0x80, s31, s22, $0xb8;
	[tilespmem:$0x1E800] =	vst v63  }
0x4a: {  	_ = 	snop  }
0x4b: {  	[tilespmem:s23], [sflag:$0x2] =	stream.indirect.gather [hbm4b:s4+s22], $0x80, s22, s22, $0xb8;
	[tilespmem:$0x1E800] =	vst v63  }
0x4c: {  	_ =	swait.ge [sflag:s24], $0x4000  }
0x4d: {  	[sflag:s24] =	ssyncset.done $0x0  }
0x4e: {  	s14 =	simm.s32 $0x1400;
	[sflag:s24] =	ssyncadd.s32 $0xFFFFC000  }
0x4f: {  	[spmem:s1] =	stream.indirect.scatter.add.f32 [tilespmem:s19], [sflag:$0x3], $0x80, s14, s22, $0xb8;
	[tilespmem:$0x1E800] =	vst v63  }
0x50: {  	_ =	swait.ge [sflag:s25], $0x4000  }
0x51: {  	[sflag:s25] =	ssyncset.done $0x0  }
0x52: {  	s13 =	simm.s32 $0x100;
	[sflag:s25] =	ssyncadd.s32 $0xFFFFC000  }
0x53: {  	[tilespmem:s19], [sflag:$0x1] =	stream.indirect.gather [hbm4b:s4+s22], $0x80, s13, s22, $0xb8;
	[tilespmem:$0x1E800] =	vst v63  }
0x54: {  	_ =	swait.ge [sflag:s26], $0x4000  }
0x55: {  	[sflag:s26] =	ssyncset.done $0x0  }
0x56: {  	s14 =	simm.s32 $0x1480;
	[sflag:s26] =	ssyncadd.s32 $0xFFFFC000  }
0x57: {  	[spmem:s1] =	stream.indirect.scatter.add.f32 [tilespmem:s23], [sflag:$0x4], $0x80, s14, s22, $0xb8;
	[tilespmem:$0x1E800] =	vst v63  }
0x58: {  	_ =	swait.ge [sflag:s28], $0x4000  }
0x59: {  	[sflag:s28] =	ssyncset.done $0x0  }
0x5a: {  	s3 =	simm.s32 $0x400;
	s13 =	simm.s32 $0x180;
	[sflag:s28] =	ssyncadd.s32 $0xFFFFC000  }
.LBB2_5:
0x5b: {  	[tilespmem:s23], [sflag:$0x2] =	stream.indirect.gather [hbm4b:s4+s22], $0x80, s13, s22, $0xb8;
	[tilespmem:$0x1E800] =	vst v63  }
0x5c: {  	s13 =	smov.u32 s3  }
0x5d: {  	p1 =	sne.s32 s3, $0x4800;
	s3 =	sadd.s32 $0x400, s3;
	_ =	swait.ge [sflag:s24], $0x4000  }
0x5e: {  	s13 =	sshra.s32 s13, $0x2;
	[sflag:s24] =	ssyncset.done $0x0  }
0x5f: {  	s14 =	sadd.s32 $0x1400, s13;
	[sflag:s24] =	ssyncadd.s32 $0xFFFFC000  }
0x60: {  	[spmem:s1] =	stream.indirect.scatter.add.f32 [tilespmem:s19], [sflag:$0x3], $0x80, s14, s22, $0xb8;
	[tilespmem:$0x1E800] =	vst v63  }
0x61: {  	_ =	swait.ge [sflag:s25], $0x4000  }
0x62: {  	[sflag:s25] =	ssyncset.done $0x0  }
0x63: {  	s14 =	sadd.s32 $0x100, s13;
	[sflag:s25] =	ssyncadd.s32 $0xFFFFC000  }
0x64: {  	[tilespmem:s19], [sflag:$0x1] =	stream.indirect.gather [hbm4b:s4+s22], $0x80, s14, s22, $0xb8;
	[tilespmem:$0x1E800] =	vst v63  }
0x65: {  	_ =	swait.ge [sflag:s26], $0x4000  }
0x66: {  	[sflag:s26] =	ssyncset.done $0x0  }
.Ltmp1:
0x67: {  	s14 =	sadd.s32 $0x1480, s13;
	[sflag:s26] =	ssyncadd.s32 $0xFFFFC000;
	(pc) =	sbr.rel @p1 .LBB2_5-.Ltmp1, $4  }
0x68: {  	[spmem:s1] =	stream.indirect.scatter.add.f32 [tilespmem:s23], [sflag:$0x4], $0x80, s14, s22, $0xb8;
	[tilespmem:$0x1E800] =	vst v63  }
0x69: {  	_ =	swait.ge [sflag:s28], $0x4000  }
0x6a: {  	[sflag:s28] =	ssyncset.done $0x0  }
0x6b: {  	s13 =	sadd.s32 $0x180, s13;
	[sflag:s28] =	ssyncadd.s32 $0xFFFFC000  }
0x6c: {  	[tilespmem:s23], [sflag:$0x2] =	stream.indirect.gather [hbm4b:s4+s22], $0x80, s13, s22, $0xb8;
	[tilespmem:$0x1E800] =	vst v63  }
0x6d: {  	_ =	swait.ge [sflag:s24], $0x4000  }
0x6e: {  	[sflag:s24] =	ssyncset.done $0x0  }
0x6f: {  	[sflag:s24] =	ssyncadd.s32 $0xFFFFC000  }
0x70: {  	[spmem:s1] =	stream.indirect.scatter.add.f32 [tilespmem:s19], [sflag:$0x3], $0x80, s29, s22, $0xb8;
	[tilespmem:$0x1E800] =	vst v63  }
0x71: {  	_ =	swait.ge [sflag:s26], $0x4000  }
0x72: {  	p1 =	slt.u32 s0, $0x2;
	[sflag:s26] =	ssyncset.done $0x0  }
0x73: {  	p1 =	por !p0, !p1;
	[sflag:s26] =	ssyncadd.s32 $0xFFFFC000  }
0x74: {  	[spmem:s1] =	stream.indirect.scatter.add.f32 [tilespmem:s23], [sflag:$0x4], $0x80, s30, s22, $0xb8;
	[tilespmem:$0x1E800] =	vst v63  }
0x75: {  	p1 =	por !p1, !p1;
	_ =	swait.ge [sflag:s25], $0x4000  }
.Ltmp2:
0x76: {  	[sflag:s25] =	ssyncset.done $0x0;
	(pc) =	sbr.rel @p1 .LBB2_4-.Ltmp2, $4  }
0x77: {  	[sflag:s25] =	ssyncadd.s32 $0xFFFFC000  }
0x78: {  	_ =	swait.ge [sflag:s28], $0x4000  }
0x79: {  	[sflag:s28] =	ssyncset.done $0x0  }
0x7a: {  	s0 =	sadd.s32 $0x1, s0;
	[sflag:s28] =	ssyncadd.s32 $0xFFFFC000  }
0x7b: {  	s0 =	stileid.u32  }
0x7c: {  	[bflag:$0x0] =	sbarrier.arrive $0xFFFF;
	s0 =	sshll.u32 s0, $0x6  }
0x7d: {  	s3 =	sshrl.u32 s7, $0x3;
	s13 =	rddreg [dreg:$0x3];
	s0 =	sor.u32 $0x1C05, s0  }
0x7e: {  	[hbm:s13], [sflag:s0] =	dma.local [spmem:s3], $0x800  }
0x7f: {  	_ =	swait.ge [sflag:s20], $0x800  }
0x80: {  	[sflag:s20] =	ssyncset.done $0x0  }
0x81: {  	s13 =	sshrl.u32 s8, $0x3;
	s14 =	rddreg [dreg:$0x4];
	[sflag:s20] =	ssyncadd.s32 $0xFFFFF800  }
0x82: {  	[hbm:s14], [sflag:s0] =	dma.local [spmem:s13], $0x800  }
0x83: {  	_ =	swait.ge [sflag:s20], $0x800  }
0x84: {  	[sflag:s20] =	ssyncset.done $0x0  }
0x85: {  	s14 =	sshrl.u32 s9, $0x3;
	[sflag:s20] =	ssyncadd.s32 $0xFFFFF800  }
0x86: {  	[hbm:s15], [sflag:s0] =	dma.local [spmem:s14], $0x800  }
0x87: {  	_ =	swait.ge [sflag:s20], $0x800  }
0x88: {  	[sflag:s20] =	ssyncset.done $0x0  }
0x89: {  	s13 =	sshrl.u32 s10, $0x3;
	[sflag:s20] =	ssyncadd.s32 $0xFFFFF800  }
0x8a: {  	[hbm:s16], [sflag:s0] =	dma.local [spmem:s13], $0x800  }
0x8b: {  	s2 =	sadd.s32 $0x1, s2;
	_ =	swait.ge [sflag:s20], $0x800  }
0x8c: {  	p1 =	sne.s32 s2, s18;
	[sflag:s20] =	ssyncset.done $0x0  }
.Ltmp3:
0x8d: {  	s14 =	sshrl.u32 s11, $0x3;
	[sflag:s20] =	ssyncadd.s32 $0xFFFFF800;
	(pc) =	sbr.rel @p1 .LBB2_1-.Ltmp3, $4  }
0x8e: {  	[hbm:s17], [sflag:s0] =	dma.local [spmem:s14], $0x800  }
0x8f: {  	_ =	swait.ge [sflag:s20], $0x800  }
0x90: {  	[sflag:s20] =	ssyncset.done $0x0  }
0x91: {  	[sflag:s20] =	ssyncadd.s32 $0xFFFFF800  }
0x92: {  	_ =	sfence.sel $0x180000  }
0x93: {  	[bflag:$0x0] =	sbarrier.arrive $0xFFFF  }
0x94: {  	_ =	strace $0x9000004A  }
0x95: {  	s0 =	stileid.u32;
	[bflag:$0x2] =	sbarrier.arrive $0xFFFF  }
0x96: {  	p0 =	sne.s32 s0, $0x0;
	s0 =	rddreg [dreg:$0x2]  }
0x97: {  	s0 =	sadd.s32 @!p0 $0x100000, s0  }
0x98: {  	[sflag:s0] =	ssyncadd.tile.s32 @!p0 $0x1;
	_ =	shalt  }
.Lfunc_end2:
_tile_overlayer_lowered:
.L_overlay_start_2:
0x99: {  	(tag) =	ssettag $0x2  }
0x9a: {  	s0 =	rddreg [dreg:$0x0];
	s2 =	stileid.u32  }
0x9b: {  	s1 =	rddreg [dreg:$0x1];
	p0 =	sne.s32 s2, $0x0  }
0x9c: {  	s3 =	rddreg [dreg:$0x2];
	[bflag:$0x3] =	sbarrier.arrive $0xFFFF;
	s2 =	simm.s32 @!p0 $0x1C05  }
0x9d: {  	[timem:s3], [sflag:s2] =	dma.local @!p0 [hbm:s0], s1  }
0x9e: {  	s0 =	simm.s32 @!p0 $0x5  }
0x9f: {  	_ =	swait.ge @!p0 [sflag:s0], s1  }
0xa0: {  	s1 =	ssub.s32 @!p0 $0x0, s1;
	[sflag:s0] =	ssyncset.done @!p0 $0x0  }
0xa1: {  	[sflag:s0] =	ssyncadd.s32 @!p0 s1  }
0xa2: {  	[bflag:$0x3] =	sbarrier.arrive $0xFFFF  }
0xa3: {  	_ =	shalt  }

// kernel: kernel.14.cloned.1.call-start
scs
__scs_entry_jumppad:
0x0: {  	(pc) =	sbr.rel $0x88, $3  }
0x1: {  	(tag) =	ssettag $0x0;
	lr =	simm.s32 $0x1  }
0x2: {  	[smem:$0x3F94] =	sst lr;
	_ =	strace $0xD0000000  }
0x3: {  	_ = 	snop  }
0x4: {  	_ = 	snop  }
0x5: {  	_ = 	snop  }
0x6: {  	_ = 	snop  }
0x7: {  	_ = 	snop  }
__scs_overlays_trampoline_lowered:
0x8: {  	[smem:$0x3FA3] =	sst s0  }
0x9: {  	[smem:$0x3FA4] =	sst s1  }
0xa: {  	[smem:$0x3FA5] =	sst s2  }
0xb: {  	[smem:$0x3FA6] =	sst s3  }
0xc: {  	[smem:$0x3FA7] =	sst s4  }
0xd: {  	[smem:$0x3FA8] =	sst s5  }
0xe: {  	[smem:$0x3FA9] =	sst s6  }
0xf: {  	[smem:$0x3FAA] =	sst s7  }
0x10: {  	[smem:$0x3FAB] =	sst s8  }
0x11: {  	[smem:$0x3FAC] =	sst s9;
	s0 =	simm.s32 @!p0 $0x0  }
0x12: {  	s1 =	sld [smem:$0x3F92];
	s0 =	simm.s32 @p0 $0x1  }
0x13: {  	[smem:$0x3FAD] =	sst s0;
	s0 =	simm.s32 @!p1 $0x0  }
0x14: {  	s2 =	sld [smem:$0x3F91];
	s0 =	simm.s32 @p1 $0x1  }
0x15: {  	[smem:$0x3FAE] =	sst s0;
	s0 =	simm.s32 @!p2 $0x0  }
0x16: {  	s3 =	sld [smem:$0x3FDB];
	s0 =	simm.s32 @p2 $0x1  }
0x17: {  	s4 =	simm.s32 $0x1BF5;
	[smem:$0x3FB0] =	sst s0  }
0x18: {  	s0 =	sld [smem:$0x3F93];
	_ =	swait.ge [sflag:s4], $0x0  }
0x19: {  	s7 =	sld [smem:$0x3F94]  }
0x1a: {  	s8 =	sadd.s32 $0xFFFFE003, lr  }
0x1b: {  	s9 =	sadd.s32 $0xFFFFFEF7, lr;
	s5 =	simm.s32 $0xFFFFFFFF;
	p2 =	slt.u32 s8, $0xFFFFF086  }
0x1c: {  	p1 =	slt.u32 s9, $0xF7A;
	s5 =	simm.s32 @!p2 $0x0  }
0x1d: {  	s5 =	simm.s32 @p1 $0x1;
	p0 =	seq.s32 s7, s2  }
0x1e: {  	s7 =	smul.u32 @!p0 $0xF7A, s2;
	p2 =	seq.s32 @!p0 s5, $0x0  }
0x1f: {  	s9 =	smul.u32 $0xF7A, s1;
	s8 =	simm.s32 @!p0 $0x1BF5;
	p2 =	por !p2, p0  }
0x20: {  	[sflag:s8] =	ssyncset.s32 @!p0 $0xFFFFF086;
	s6 =	sadd.s32 @!p0 s3, s7;
	s7 =	simm.s32 @!p0 $0x108  }
0x21: {  	s3 =	sadd.s32 s3, s9;
	s6 =	sadd.s32 @!p0 $0x88, s6;
	s7 =	simm.s32 @p2 $0x1082  }
0x22: {  	[simem:s7], [sflag:s8] =	dma.local @!p0 [hbm:s6], $0xF7A  }
0x23: {  	s9 =	sor.u32 $0xD0000000, s2;
	s6 =	simm.s32 $0x108;
	_ =	swait.ge @!p0 [sflag:s8], $0x0  }
0x24: {  	s3 =	sadd.s32 $0x88, s3;
	s6 =	simm.s32 @!p1 $0x1082;
	[sflag:s4] =	ssyncset.s32 $0xFFFFF086  }
0x25: {  	[simem:s6], [sflag:s4] =	dma.local [hbm:s3], $0xF7A  }
0x26: {  	[smem:$0x3F94] =	sst s1;
	(tag) =	ssettag s2;
	_ =	strace s9  }
0x27: {  	s1 =	sld [smem:$0x3FA4]  }
0x28: {  	s2 =	sld [smem:$0x3FA5]  }
0x29: {  	s4 =	sld [smem:$0x3FA7]  }
0x2a: {  	p0 =	seq.s32 s5, $0x0;
	s5 =	sld [smem:$0x3FA8]  }
0x2b: {  	s6 =	sld [smem:$0x3FA9]  }
0x2c: {  	s7 =	sld [smem:$0x3FAA]  }
0x2d: {  	s3 =	simm.s32 $0x108;
	s8 =	sld [smem:$0x3FAB]  }
0x2e: {  	s3 =	simm.s32 @!p0 $0x1082;
	s9 =	sld [smem:$0x3FAC]  }
0x2f: {  	lr =	sadd.s32 s0, s3;
	s0 =	sld [smem:$0x3FA3]  }
0x30: {  	s3 =	sld [smem:$0x3FA6]  }
0x31: {  	[smem:$0x3FAF] =	sst s10  }
0x32: {  	s10 =	sld [smem:$0x3FAD];
	_ =	sdelay $0x3  }
0x33: {  	p0 =	seq.s32 s10, $0x1;
	s10 =	sld [smem:$0x3FAF];
	_ =	sdelay $0x3  }
0x34: {  	[smem:$0x3FAF] =	sst s10  }
0x35: {  	s10 =	sld [smem:$0x3FAE];
	_ =	sdelay $0x3  }
0x36: {  	p1 =	seq.s32 s10, $0x1;
	s10 =	sld [smem:$0x3FAF];
	_ =	sdelay $0x3  }
0x37: {  	[smem:$0x3FAF] =	sst s10  }
0x38: {  	s10 =	sld [smem:$0x3FB0]  }
0x39: {  	_ = 	snop;
	(pc) =	sbr.ind lr, $3  }
0x3a: {  	_ = 	snop  }
0x3b: {  	_ = 	snop  }
0x3c: {  	p2 =	seq.s32 s10, $0x1;
	s10 =	sld [smem:$0x3FAF]  }
0x3d: {  	_ =	shalt  }
0x3e: {  	_ =	shalt  }
0x3f: {  	_ =	shalt  }
0x40: {  	_ =	shalt  }
0x41: {  	_ =	shalt  }
0x42: {  	_ =	shalt  }
0x43: {  	_ =	shalt  }
0x44: {  	_ =	shalt  }
0x45: {  	_ =	shalt  }
0x46: {  	_ =	shalt  }
0x47: {  	_ =	shalt  }
0x48: {  	_ =	shalt  }
0x49: {  	_ =	shalt  }
0x4a: {  	_ =	shalt  }
0x4b: {  	_ =	shalt  }
0x4c: {  	_ =	shalt  }
0x4d: {  	_ =	shalt  }
0x4e: {  	_ =	shalt  }
0x4f: {  	_ =	shalt  }
0x50: {  	_ =	shalt  }
0x51: {  	_ =	shalt  }
0x52: {  	_ =	shalt  }
0x53: {  	_ =	shalt  }
0x54: {  	_ =	shalt  }
0x55: {  	_ =	shalt  }
0x56: {  	_ =	shalt  }
0x57: {  	_ =	shalt  }
0x58: {  	_ =	shalt  }
0x59: {  	_ =	shalt  }
0x5a: {  	_ =	shalt  }
0x5b: {  	_ =	shalt  }
0x5c: {  	_ =	shalt  }
0x5d: {  	_ =	shalt  }
0x5e: {  	_ =	shalt  }
0x5f: {  	_ =	shalt  }
0x60: {  	_ =	shalt  }
0x61: {  	_ =	shalt  }
0x62: {  	_ =	shalt  }
0x63: {  	_ =	shalt  }
0x64: {  	_ =	shalt  }
0x65: {  	_ =	shalt  }
0x66: {  	_ =	shalt  }
0x67: {  	_ =	shalt  }
0x68: {  	_ =	shalt  }
0x69: {  	_ =	shalt  }
0x6a: {  	_ =	shalt  }
0x6b: {  	_ =	shalt  }
0x6c: {  	_ =	shalt  }
0x6d: {  	_ =	shalt  }
0x6e: {  	_ =	shalt  }
0x6f: {  	_ =	shalt  }
0x70: {  	_ =	shalt  }
0x71: {  	_ =	shalt  }
0x72: {  	_ =	shalt  }
0x73: {  	_ =	shalt  }
0x74: {  	_ =	shalt  }
0x75: {  	_ =	shalt  }
0x76: {  	_ =	shalt  }
0x77: {  	_ =	shalt  }
0x78: {  	_ =	shalt  }
0x79: {  	_ =	shalt  }
0x7a: {  	_ =	shalt  }
0x7b: {  	_ =	shalt  }
0x7c: {  	_ =	shalt  }
0x7d: {  	_ =	shalt  }
0x7e: {  	_ =	shalt  }
0x7f: {  	_ =	shalt  }
0x80: {  	_ =	shalt  }
0x81: {  	_ =	shalt  }
0x82: {  	_ =	shalt  }
0x83: {  	_ =	shalt  }
0x84: {  	_ =	shalt  }
0x85: {  	_ =	shalt  }
0x86: {  	_ =	shalt  }
0x87: {  	_ =	shalt  }
.Lfunc_end0:
.L_simem_size_0:
called_computation.2_lowered:
.L_overlay_start_0:
0x88: {  	s2 =	sld [smem:$0x3FD9]  }
0x89: {  	s3 =	sld [smem:$0x3FFE];
	_ =	sdelay $0x1  }
0x8a: {  	s1 =	srdreg.scid  }
0x8b: {  	s0 =	sand.u32 $0x1, s1  }
0x8c: {  	s16 =	sshll.u32 s0, $0xA;
	s2 =	sadd.s32 s3, s2  }
0x8d: {  	s2 =	sadd.s32 s2, s16  }
0x8e: {  	[smem:$0x3FBB] =	sst s2  }
0x8f: {  	_ = 	snop  }
0x90: {  	(tm) =	ssettm $0x1  }
0x91: {  	s17 =	sld [smem:$0x3FFB];
	_ =	sdelay $0x3  }
0x92: {  	_ =	strace s17  }
0x93: {  	s2 =	sld [smem:$0x3FFC];
	_ =	sdelay $0x3  }
0x94: {  	_ =	strace s2  }
0x95: {  	s2 =	sld [smem:$0x3FFD];
	_ =	sdelay $0x3  }
0x96: {  	_ =	strace s2  }
0x97: {  	_ =	strace $0x8FFFFFFF  }
0x98: {  	s18 =	sld [smem:$0x3FDB];
	_ =	sdelay $0x1  }
0x99: {  	s19 =	simm.s32 $_scs_section_size  }
0x9a: {  	s4 =	simm.s32 $_size__tile_overlayer_lowered;
	s5 =	simm.s32 $_tile_overlayer_lowered  }
0x9b: {  	s22 =	simm.s32 $0x1BFF;
	s21 =	sshll.u32 s5, $0x1;
	s2 =	sadd.s32 s19, s18  }
0x9c: {  	s6 =	simm.s32 $0x0;
	s20 =	sshll.u32 s4, $0x1;
	s4 =	sadd.s32 s21, s2  }
0x9d: {  	[timem:s6], [sflag:s22] =	dma.local [hbm:s4], s20  }
0x9e: {  	_ =	swait.ge [sflag:s22], s20  }
0x9f: {  	s3 =	ssub.s32 $0x0, s20;
	[sflag:s22] =	ssyncset.done $0x0  }
0xa0: {  	[sflag:s22] =	ssyncadd.s32 s3;
	_ =	sdelay $0x1  }
0xa1: {  	s23 =	simm.s32 $0x1B8B  }
0xa2: {  	_ =	swait.ge [sflag:s23], $0x1  }
0xa3: {  	[sflag:s23] =	ssyncset.done $0x0  }
0xa4: {  	s25 =	simm.s32 $0x1B8E;
	s24 =	sld [smem:$0x3FFE];
	[sflag:s23] =	ssyncadd.s32 $0xFFFFFFFF  }
0xa5: {  	s26 =	simm.s32 $execute0_lowered;
	[smem:$0x3FD2] =	sst s25  }
0xa6: {  	s4 =	sshll.u32 s26, $0x1;
	_ =	strace $0x8000004C;
	[dreg:$0x1] =	wrdreg $0xFFFFFFFF  }
0xa7: {  	s28 =	simm.s32 $_size_execute0_lowered;
	s2 =	sadd.s32 s2, s4;
	[dreg:$0x0] =	wrdreg $0x0  }
0xa8: {  	s4 =	sshll.u32 s28, $0x1;
	[dreg:$0x2] =	wrdreg s2  }
0xa9: {  	[dreg:$0x3] =	wrdreg s4  }
0xaa: {  	[dreg:$0x4] =	wrdreg $0xC0  }
0xab: {  	_ =	task [dreg:s6], $0x5FFFF  }
0xac: {  	[dreg:$0x1] =	wrdreg $0xFFFFFFFF  }
0xad: {  	[dreg:$0x0] =	wrdreg $0x60  }
0xae: {  	[dreg:$0x2] =	wrdreg s24  }
0xaf: {  	[dreg:$0x3] =	wrdreg $0xA8000  }
0xb0: {  	[dreg:$0x4] =	wrdreg $0x9  }
0xb1: {  	_ =	task.clear_ibuf [dreg:s6], $0x5FFFF;
	_ =	strace $0x9000004C  }
0xb2: {  	s29 =	simm.s32 $0x9;
	_ =	strace $0x8000004E  }
0xb3: {  	_ =	swait.ge [sflag:s29], $0x1  }
0xb4: {  	[sflag:s29] =	ssyncadd.s32 $0xFFFFFFFF  }
0xb5: {  	_ =	strace $0x9000004E  }
0xb6: {  	_ =	sfence  }
0xb7: {  	s30 =	sld [smem:$0x0];
	_ =	sdelay $0x2  }
0xb8: {  	s31 =	sshll.u32 s1, $0xD;
	s1 =	sshrl.u32 s1, $0x2  }
0xb9: {  	s3 =	sand.u32 $0x4000, s31;
	s1 =	sadd.s32 s1, s30  }
0xba: {  	s0 =	sor.u32 s3, s0;
	s1 =	sshll.u32 s1, $0x11  }
0xbb: {  	s0 =	sor.u32 s1, s0  }
0xbc: {  	s0 =	sadd.s32 $0x8F2B, s0  }
0xbd: {  	[sflag:s0] =	ssyncadd.remote.s32 $0x1  }
0xbe: {  	_ =	sfence.sel $0xFFFF  }
0xbf: {  	[dreg:$0x0] =	wrdreg $0xFFFFFFFF;
	(pc) =	sbr.abs _section_cstart, $3  }
0xc0: {  	[dreg:$0x1] =	wrdreg $0xFFFFFFFF  }
0xc1: {  	_ =	task.clear_ibuf [dreg:s6], $0x2FFFF;
	_ =	strace $0x9FFFFFFF  }
0xc2: {  	(tm) =	ssettm $0x7FFFFFFF  }
0xc3: {  	_ =	shalt  }
tec
execute0_lowered:
.L_overlay_start_1:
0x0: {  	(tag) =	ssettag $0x1  }
0x1: {  	s0 =	rddreg [dreg:$0x0]  }
0x2: {  	s1 =	rddreg [dreg:$0x1];
	s2 =	simm.s32 $0x0  }
0x3: {  	s3 =	srdreg.scid;
	s12 =	stileid.u32;
	s28 =	simm.s32 $0x4  }
0x4: {  	s29 =	simm.s32 $0x2700;
	s30 =	simm.s32 $0x2780;
	s31 =	simm.s32 $0x0  }
0x5: {  	[smem:$0x7FF] =	sst s2;
	s4 =	sadd.s32 $0x17800, s0;
	s8 =	smul.u32 $0x50000, s12  }
0x6: {  	s3 =	sand.u32 $0x1, s3;
	s5 =	sadd.s32 $0x3800, s0;
	s13 =	smul.u32 $0x14000, s12  }
0x7: {  	s6 =	sadd.s32 $0xD800, s0;
	s0 =	sadd.s32 $0x3EA00, s0;
	s21 =	smul.u32 $0x78, s12  }
0x8: {  	s12 =	smul.u32 $0x28, s12;
	_ =	strace $0x8000004D;
	s7 =	ssub.s32 $0x2, s3  }
0x9: {  	s19 =	smul.u32 $0x140000, s3;
	p0 =	seq.s32 s3, $0x1;
	s9 =	sshrl.u32 s7, $0x1  }
0xa: {  	s20 =	sshrl.u32 s8, $0x2;
	s14 =	sadd.s32 $0x4000, s13;
	s15 =	sadd.s32 $0x8000, s13  }
0xb: {  	s16 =	sadd.s32 $0xC000, s13;
	s17 =	sadd.s32 $0x10000, s13;
	s3 =	sadd.s32 $0x280, s21  }
0xc: {  	s21 =	simm.s32 $0x1400;
	s18 =	ssub.s32 s7, s9;
	s7 =	sadd.s32 s20, s1  }
0xd: {  	s8 =	sadd.s32 s14, s1;
	s9 =	sadd.s32 s15, s1;
	s10 =	sadd.s32 s16, s1  }
0xe: {  	s11 =	sadd.s32 s17, s1;
	s13 =	sadd.s32 s13, s19;
	s14 =	sadd.s32 s19, s14  }
0xf: {  	s12 =	smov.u32 @p0 s3;
	s24 =	sadd.s32 s19, s15;
	s25 =	sadd.s32 s19, s16  }
0x10: {  	s26 =	sadd.s32 s19, s17;
	s19 =	simm.s32 $0x2800;
	s20 =	simm.s32 $0x5  }
0x11: {  	s13 =	sshrl.u32 s13, $0x3;
	s14 =	sshrl.u32 s14, $0x3;
	s3 =	sshrl.u32 s24, $0x3  }
0x12: {  	s17 =	sshrl.u32 s26, $0x3;
	s18 =	smax.u32 s18, $0x1;
	s24 =	simm.s32 $0x1  }
0x13: {  	s26 =	simm.s32 $0x2;
	s22 =	sadd.s32 s0, s13;
	s23 =	sadd.s32 s0, s14  }
0x14: {  	s13 =	sshrl.u32 s25, $0x3;
	s15 =	sadd.s32 s0, s3;
	[dreg:$0x3] =	wrdreg s22  }
0x15: {  	s17 =	sadd.s32 s0, s17;
	s25 =	simm.s32 $0x3;
	[dreg:$0x4] =	wrdreg s23  }
0x16: {  	v0 =	vimm.f32 $0.0e+00;
	s16 =	sadd.s32 s0, s13;
	s22 =	simm.s32 $0x80;
	s23 =	simm.s32 $0x6800  }
.LBB2_1:
0x17: {  	s0 =	simm.s32 $0x0;
	s3 =	simm.s32 $0x200  }
.LBB2_2:
0x18: {  	p1 =	sne.s32 s3, $0xFE00;
	[tilespmem:s0+$0x2870] =	vst v0  }
0x19: {  	[tilespmem:s0+$0x2800] =	vst v0  }
0x1a: {  	[tilespmem:s0+$0x2810] =	vst v0  }
.Ltmp0:
0x1b: {  	[tilespmem:s0+$0x2820] =	vst v0;
	(pc) =	sbr.rel @p1 .LBB2_2-.Ltmp0, $4  }
0x1c: {  	[tilespmem:s0+$0x2830] =	vst v0  }
0x1d: {  	[tilespmem:s0+$0x2840] =	vst v0  }
0x1e: {  	[tilespmem:s0+$0x2850] =	vst v0  }
0x1f: {  	[tilespmem:s0+$0x2860] =	vst v0;
	s0 =	sshra.s32 s3, $0x2;
	s3 =	sadd.s32 $0x200, s3  }
0x20: {  	[tilespmem:s0+$0x2870] =	vst v0  }
0x21: {  	[tilespmem:s0+$0x2800] =	vst v0  }
0x22: {  	[tilespmem:s0+$0x2810] =	vst v0  }
0x23: {  	[tilespmem:s0+$0x2820] =	vst v0  }
0x24: {  	[tilespmem:s0+$0x2830] =	vst v0  }
0x25: {  	[tilespmem:s0+$0x2840] =	vst v0  }
0x26: {  	[tilespmem:s0+$0x2850] =	vst v0  }
0x27: {  	[tilespmem:s0+$0x2860] =	vst v0  }
0x28: {  	[spmem:s7] =	stream.linear.scatter [tilespmem:s19], [sflag:$0x5], $0x4000, $0x38;
	[tilespmem:$0x1E800] =	vst v63  }
0x29: {  	_ =	swait.ge [sflag:s20], $0x4000  }
0x2a: {  	[sflag:s20] =	ssyncset.done $0x0  }
0x2b: {  	[sflag:s20] =	ssyncadd.s32 $0xFFFFC000  }
0x2c: {  	[spmem:s8] =	stream.linear.scatter [tilespmem:s19], [sflag:$0x5], $0x4000, $0x38;
	[tilespmem:$0x1E800] =	vst v63  }
0x2d: {  	_ =	swait.ge [sflag:s20], $0x4000  }
0x2e: {  	[sflag:s20] =	ssyncset.done $0x0  }
0x2f: {  	[sflag:s20] =	ssyncadd.s32 $0xFFFFC000  }
0x30: {  	[spmem:s9] =	stream.linear.scatter [tilespmem:s19], [sflag:$0x5], $0x4000, $0x38;
	[tilespmem:$0x1E800] =	vst v63  }
0x31: {  	_ =	swait.ge [sflag:s20], $0x4000  }
0x32: {  	[sflag:s20] =	ssyncset.done $0x0  }
0x33: {  	[sflag:s20] =	ssyncadd.s32 $0xFFFFC000  }
0x34: {  	[spmem:s10] =	stream.linear.scatter [tilespmem:s19], [sflag:$0x5], $0x4000, $0x38;
	[tilespmem:$0x1E800] =	vst v63  }
0x35: {  	_ =	swait.ge [sflag:s20], $0x4000  }
0x36: {  	[sflag:s20] =	ssyncset.done $0x0  }
0x37: {  	[sflag:s20] =	ssyncadd.s32 $0xFFFFC000  }
0x38: {  	[spmem:s11] =	stream.linear.scatter [tilespmem:s19], [sflag:$0x5], $0x4000, $0x38;
	[tilespmem:$0x1E800] =	vst v63  }
0x39: {  	_ =	swait.ge [sflag:s20], $0x4000  }
0x3a: {  	[sflag:s20] =	ssyncset.done $0x0  }
0x3b: {  	[sflag:s20] =	ssyncadd.s32 $0xFFFFC000  }
0x3c: {  	s0 =	simm.s32 $0x0;
	[bflag:$0x0] =	sbarrier.arrive $0xFFFF  }
.LBB2_4:
0x3d: {  	s3 =	smul.u32 $0x28, s0;
	_ =	sdelay $0x1  }
0x3e: {  	s3 =	sadd.s32 s12, s3  }
0x3f: {  	s3 =	sshll.u32 s3, $0x4  }
0x40: {  	s13 =	sadd.s32 s5, s3  }
0x41: {  	[tilespmem:s31], [sflag:$0x5] =	stream.linear.gather [hbm4b:s13+s31], $0x1400, $0x38;
	[tilespmem:$0x1E800] =	vst v63  }
0x42: {  	_ =	swait.ge [sflag:s20], $0x1400  }
0x43: {  	[sflag:s20] =	ssyncset.done $0x0  }
0x44: {  	s3 =	sadd.s32 s6, s3;
	[sflag:s20] =	ssyncadd.s32 $0xFFFFEC00  }
0x45: {  	[tilespmem:s21], [sflag:$0x5] =	stream.linear.gather [hbm4b:s3+s31], $0x1400, $0x38;
	[tilespmem:$0x1E800] =	vst v63  }
0x46: {  	_ =	swait.ge [sflag:s20], $0x1400  }
0x47: {  	[sflag:s20] =	ssyncset.done $0x0  }
0x48: {  	[sflag:s20] =	ssyncadd.s32 $0xFFFFEC00  }
0x49: {  	[tilespmem:s19], [sflag:$0x1] =	stream.indirect.gather [hbm4b:s4+s22], $0x80, s31, s22, $0xb8;
	[tilespmem:$0x1E800] =	vst v63  }
0x4a: {  	_ = 	snop  }
0x4b: {  	[tilespmem:s23], [sflag:$0x2] =	stream.indirect.gather [hbm4b:s4+s22], $0x80, s22, s22, $0xb8;
	[tilespmem:$0x1E800] =	vst v63  }
0x4c: {  	_ =	swait.ge [sflag:s24], $0x4000  }
0x4d: {  	[sflag:s24] =	ssyncset.done $0x0  }
0x4e: {  	s14 =	simm.s32 $0x1400;
	[sflag:s24] =	ssyncadd.s32 $0xFFFFC000  }
0x4f: {  	[spmem:s1] =	stream.indirect.scatter.add.f32 [tilespmem:s19], [sflag:$0x3], $0x80, s14, s22, $0xb8;
	[tilespmem:$0x1E800] =	vst v63  }
0x50: {  	_ =	swait.ge [sflag:s25], $0x4000  }
0x51: {  	[sflag:s25] =	ssyncset.done $0x0  }
0x52: {  	s13 =	simm.s32 $0x100;
	[sflag:s25] =	ssyncadd.s32 $0xFFFFC000  }
0x53: {  	[tilespmem:s19], [sflag:$0x1] =	stream.indirect.gather [hbm4b:s4+s22], $0x80, s13, s22, $0xb8;
	[tilespmem:$0x1E800] =	vst v63  }
0x54: {  	_ =	swait.ge [sflag:s26], $0x4000  }
0x55: {  	[sflag:s26] =	ssyncset.done $0x0  }
0x56: {  	s14 =	simm.s32 $0x1480;
	[sflag:s26] =	ssyncadd.s32 $0xFFFFC000  }
0x57: {  	[spmem:s1] =	stream.indirect.scatter.add.f32 [tilespmem:s23], [sflag:$0x4], $0x80, s14, s22, $0xb8;
	[tilespmem:$0x1E800] =	vst v63  }
0x58: {  	_ =	swait.ge [sflag:s28], $0x4000  }
0x59: {  	[sflag:s28] =	ssyncset.done $0x0  }
0x5a: {  	s3 =	simm.s32 $0x400;
	s13 =	simm.s32 $0x180;
	[sflag:s28] =	ssyncadd.s32 $0xFFFFC000  }
.LBB2_5:
0x5b: {  	[tilespmem:s23], [sflag:$0x2] =	stream.indirect.gather [hbm4b:s4+s22], $0x80, s13, s22, $0xb8;
	[tilespmem:$0x1E800] =	vst v63  }
0x5c: {  	s13 =	smov.u32 s3  }
0x5d: {  	p1 =	sne.s32 s3, $0x4800;
	s3 =	sadd.s32 $0x400, s3;
	_ =	swait.ge [sflag:s24], $0x4000  }
0x5e: {  	s13 =	sshra.s32 s13, $0x2;
	[sflag:s24] =	ssyncset.done $0x0  }
0x5f: {  	s14 =	sadd.s32 $0x1400, s13;
	[sflag:s24] =	ssyncadd.s32 $0xFFFFC000  }
0x60: {  	[spmem:s1] =	stream.indirect.scatter.add.f32 [tilespmem:s19], [sflag:$0x3], $0x80, s14, s22, $0xb8;
	[tilespmem:$0x1E800] =	vst v63  }
0x61: {  	_ =	swait.ge [sflag:s25], $0x4000  }
0x62: {  	[sflag:s25] =	ssyncset.done $0x0  }
0x63: {  	s14 =	sadd.s32 $0x100, s13;
	[sflag:s25] =	ssyncadd.s32 $0xFFFFC000  }
0x64: {  	[tilespmem:s19], [sflag:$0x1] =	stream.indirect.gather [hbm4b:s4+s22], $0x80, s14, s22, $0xb8;
	[tilespmem:$0x1E800] =	vst v63  }
0x65: {  	_ =	swait.ge [sflag:s26], $0x4000  }
0x66: {  	[sflag:s26] =	ssyncset.done $0x0  }
.Ltmp1:
0x67: {  	s14 =	sadd.s32 $0x1480, s13;
	[sflag:s26] =	ssyncadd.s32 $0xFFFFC000;
	(pc) =	sbr.rel @p1 .LBB2_5-.Ltmp1, $4  }
0x68: {  	[spmem:s1] =	stream.indirect.scatter.add.f32 [tilespmem:s23], [sflag:$0x4], $0x80, s14, s22, $0xb8;
	[tilespmem:$0x1E800] =	vst v63  }
0x69: {  	_ =	swait.ge [sflag:s28], $0x4000  }
0x6a: {  	[sflag:s28] =	ssyncset.done $0x0  }
0x6b: {  	s13 =	sadd.s32 $0x180, s13;
	[sflag:s28] =	ssyncadd.s32 $0xFFFFC000  }
0x6c: {  	[tilespmem:s23], [sflag:$0x2] =	stream.indirect.gather [hbm4b:s4+s22], $0x80, s13, s22, $0xb8;
	[tilespmem:$0x1E800] =	vst v63  }
0x6d: {  	_ =	swait.ge [sflag:s24], $0x4000  }
0x6e: {  	[sflag:s24] =	ssyncset.done $0x0  }
0x6f: {  	[sflag:s24] =	ssyncadd.s32 $0xFFFFC000  }
0x70: {  	[spmem:s1] =	stream.indirect.scatter.add.f32 [tilespmem:s19], [sflag:$0x3], $0x80, s29, s22, $0xb8;
	[tilespmem:$0x1E800] =	vst v63  }
0x71: {  	_ =	swait.ge [sflag:s26], $0x4000  }
0x72: {  	p1 =	slt.u32 s0, $0x2;
	[sflag:s26] =	ssyncset.done $0x0  }
0x73: {  	p1 =	por !p0, !p1;
	[sflag:s26] =	ssyncadd.s32 $0xFFFFC000  }
0x74: {  	[spmem:s1] =	stream.indirect.scatter.add.f32 [tilespmem:s23], [sflag:$0x4], $0x80, s30, s22, $0xb8;
	[tilespmem:$0x1E800] =	vst v63  }
0x75: {  	p1 =	por !p1, !p1;
	_ =	swait.ge [sflag:s25], $0x4000  }
.Ltmp2:
0x76: {  	[sflag:s25] =	ssyncset.done $0x0;
	(pc) =	sbr.rel @p1 .LBB2_4-.Ltmp2, $4  }
0x77: {  	[sflag:s25] =	ssyncadd.s32 $0xFFFFC000  }
0x78: {  	_ =	swait.ge [sflag:s28], $0x4000  }
0x79: {  	[sflag:s28] =	ssyncset.done $0x0  }
0x7a: {  	s0 =	sadd.s32 $0x1, s0;
	[sflag:s28] =	ssyncadd.s32 $0xFFFFC000  }
0x7b: {  	s0 =	stileid.u32  }
0x7c: {  	[bflag:$0x0] =	sbarrier.arrive $0xFFFF;
	s0 =	sshll.u32 s0, $0x6  }
0x7d: {  	s3 =	sshrl.u32 s7, $0x3;
	s13 =	rddreg [dreg:$0x3];
	s0 =	sor.u32 $0x1C05, s0  }
0x7e: {  	[hbm:s13], [sflag:s0] =	dma.local [spmem:s3], $0x800  }
0x7f: {  	_ =	swait.ge [sflag:s20], $0x800  }
0x80: {  	[sflag:s20] =	ssyncset.done $0x0  }
0x81: {  	s13 =	sshrl.u32 s8, $0x3;
	s14 =	rddreg [dreg:$0x4];
	[sflag:s20] =	ssyncadd.s32 $0xFFFFF800  }
0x82: {  	[hbm:s14], [sflag:s0] =	dma.local [spmem:s13], $0x800  }
0x83: {  	_ =	swait.ge [sflag:s20], $0x800  }
0x84: {  	[sflag:s20] =	ssyncset.done $0x0  }
0x85: {  	s14 =	sshrl.u32 s9, $0x3;
	[sflag:s20] =	ssyncadd.s32 $0xFFFFF800  }
0x86: {  	[hbm:s15], [sflag:s0] =	dma.local [spmem:s14], $0x800  }
0x87: {  	_ =	swait.ge [sflag:s20], $0x800  }
0x88: {  	[sflag:s20] =	ssyncset.done $0x0  }
0x89: {  	s13 =	sshrl.u32 s10, $0x3;
	[sflag:s20] =	ssyncadd.s32 $0xFFFFF800  }
0x8a: {  	[hbm:s16], [sflag:s0] =	dma.local [spmem:s13], $0x800  }
0x8b: {  	s2 =	sadd.s32 $0x1, s2;
	_ =	swait.ge [sflag:s20], $0x800  }
0x8c: {  	p1 =	sne.s32 s2, s18;
	[sflag:s20] =	ssyncset.done $0x0  }
.Ltmp3:
0x8d: {  	s14 =	sshrl.u32 s11, $0x3;
	[sflag:s20] =	ssyncadd.s32 $0xFFFFF800;
	(pc) =	sbr.rel @p1 .LBB2_1-.Ltmp3, $4  }
0x8e: {  	[hbm:s17], [sflag:s0] =	dma.local [spmem:s14], $0x800  }
0x8f: {  	_ =	swait.ge [sflag:s20], $0x800  }
0x90: {  	[sflag:s20] =	ssyncset.done $0x0  }
0x91: {  	[sflag:s20] =	ssyncadd.s32 $0xFFFFF800  }
0x92: {  	_ =	sfence.sel $0x180000  }
0x93: {  	[bflag:$0x0] =	sbarrier.arrive $0xFFFF  }
0x94: {  	_ =	strace $0x9000004D  }
0x95: {  	s0 =	stileid.u32;
	[bflag:$0x2] =	sbarrier.arrive $0xFFFF  }
0x96: {  	p0 =	sne.s32 s0, $0x0;
	s0 =	rddreg [dreg:$0x2]  }
0x97: {  	s0 =	sadd.s32 @!p0 $0x100000, s0  }
0x98: {  	[sflag:s0] =	ssyncadd.tile.s32 @!p0 $0x1;
	_ =	shalt  }
.Lfunc_end2:
_tile_overlayer_lowered:
.L_overlay_start_2:
0x99: {  	(tag) =	ssettag $0x2  }
0x9a: {  	s0 =	rddreg [dreg:$0x0];
	s2 =	stileid.u32  }
0x9b: {  	s1 =	rddreg [dreg:$0x1];
	p0 =	sne.s32 s2, $0x0  }
0x9c: {  	s3 =	rddreg [dreg:$0x2];
	[bflag:$0x3] =	sbarrier.arrive $0xFFFF;
	s2 =	simm.s32 @!p0 $0x1C05  }
0x9d: {  	[timem:s3], [sflag:s2] =	dma.local @!p0 [hbm:s0], s1  }
0x9e: {  	s0 =	simm.s32 @!p0 $0x5  }
0x9f: {  	_ =	swait.ge @!p0 [sflag:s0], s1  }
0xa0: {  	s1 =	ssub.s32 @!p0 $0x0, s1;
	[sflag:s0] =	ssyncset.done @!p0 $0x0  }
0xa1: {  	[sflag:s0] =	ssyncadd.s32 @!p0 s1  }
0xa2: {  	[bflag:$0x3] =	sbarrier.arrive $0xFFFF  }
0xa3: {  	_ =	shalt  }

// kernel: kernel.8.cloned.1.call-start
scs
__scs_entry_jumppad:
0x0: {  	(pc) =	sbr.rel $0x88, $3  }
0x1: {  	(tag) =	ssettag $0x0;
	lr =	simm.s32 $0x1  }
0x2: {  	[smem:$0x3F94] =	sst lr;
	_ =	strace $0xD0000000  }
0x3: {  	_ = 	snop  }
0x4: {  	_ = 	snop  }
0x5: {  	_ = 	snop  }
0x6: {  	_ = 	snop  }
0x7: {  	_ = 	snop  }
__scs_overlays_trampoline_lowered:
0x8: {  	[smem:$0x3FA3] =	sst s0  }
0x9: {  	[smem:$0x3FA4] =	sst s1  }
0xa: {  	[smem:$0x3FA5] =	sst s2  }
0xb: {  	[smem:$0x3FA6] =	sst s3  }
0xc: {  	[smem:$0x3FA7] =	sst s4  }
0xd: {  	[smem:$0x3FA8] =	sst s5  }
0xe: {  	[smem:$0x3FA9] =	sst s6  }
0xf: {  	[smem:$0x3FAA] =	sst s7  }
0x10: {  	[smem:$0x3FAB] =	sst s8  }
0x11: {  	[smem:$0x3FAC] =	sst s9;
	s0 =	simm.s32 @!p0 $0x0  }
0x12: {  	s1 =	sld [smem:$0x3F92];
	s0 =	simm.s32 @p0 $0x1  }
0x13: {  	[smem:$0x3FAD] =	sst s0;
	s0 =	simm.s32 @!p1 $0x0  }
0x14: {  	s2 =	sld [smem:$0x3F91];
	s0 =	simm.s32 @p1 $0x1  }
0x15: {  	[smem:$0x3FAE] =	sst s0;
	s0 =	simm.s32 @!p2 $0x0  }
0x16: {  	s3 =	sld [smem:$0x3FDB];
	s0 =	simm.s32 @p2 $0x1  }
0x17: {  	s4 =	simm.s32 $0x1BF5;
	[smem:$0x3FB0] =	sst s0  }
0x18: {  	s0 =	sld [smem:$0x3F93];
	_ =	swait.ge [sflag:s4], $0x0  }
0x19: {  	s7 =	sld [smem:$0x3F94]  }
0x1a: {  	s8 =	sadd.s32 $0xFFFFE003, lr  }
0x1b: {  	s9 =	sadd.s32 $0xFFFFFEF7, lr;
	s5 =	simm.s32 $0xFFFFFFFF;
	p2 =	slt.u32 s8, $0xFFFFF086  }
0x1c: {  	p1 =	slt.u32 s9, $0xF7A;
	s5 =	simm.s32 @!p2 $0x0  }
0x1d: {  	s5 =	simm.s32 @p1 $0x1;
	p0 =	seq.s32 s7, s2  }
0x1e: {  	s7 =	smul.u32 @!p0 $0xF7A, s2;
	p2 =	seq.s32 @!p0 s5, $0x0  }
0x1f: {  	s9 =	smul.u32 $0xF7A, s1;
	s8 =	simm.s32 @!p0 $0x1BF5;
	p2 =	por !p2, p0  }
0x20: {  	[sflag:s8] =	ssyncset.s32 @!p0 $0xFFFFF086;
	s6 =	sadd.s32 @!p0 s3, s7;
	s7 =	simm.s32 @!p0 $0x108  }
0x21: {  	s3 =	sadd.s32 s3, s9;
	s6 =	sadd.s32 @!p0 $0x88, s6;
	s7 =	simm.s32 @p2 $0x1082  }
0x22: {  	[simem:s7], [sflag:s8] =	dma.local @!p0 [hbm:s6], $0xF7A  }
0x23: {  	s9 =	sor.u32 $0xD0000000, s2;
	s6 =	simm.s32 $0x108;
	_ =	swait.ge @!p0 [sflag:s8], $0x0  }
0x24: {  	s3 =	sadd.s32 $0x88, s3;
	s6 =	simm.s32 @!p1 $0x1082;
	[sflag:s4] =	ssyncset.s32 $0xFFFFF086  }
0x25: {  	[simem:s6], [sflag:s4] =	dma.local [hbm:s3], $0xF7A  }
0x26: {  	[smem:$0x3F94] =	sst s1;
	(tag) =	ssettag s2;
	_ =	strace s9  }
0x27: {  	s1 =	sld [smem:$0x3FA4]  }
0x28: {  	s2 =	sld [smem:$0x3FA5]  }
0x29: {  	s4 =	sld [smem:$0x3FA7]  }
0x2a: {  	p0 =	seq.s32 s5, $0x0;
	s5 =	sld [smem:$0x3FA8]  }
0x2b: {  	s6 =	sld [smem:$0x3FA9]  }
0x2c: {  	s7 =	sld [smem:$0x3FAA]  }
0x2d: {  	s3 =	simm.s32 $0x108;
	s8 =	sld [smem:$0x3FAB]  }
0x2e: {  	s3 =	simm.s32 @!p0 $0x1082;
	s9 =	sld [smem:$0x3FAC]  }
0x2f: {  	lr =	sadd.s32 s0, s3;
	s0 =	sld [smem:$0x3FA3]  }
0x30: {  	s3 =	sld [smem:$0x3FA6]  }
0x31: {  	[smem:$0x3FAF] =	sst s10  }
0x32: {  	s10 =	sld [smem:$0x3FAD];
	_ =	sdelay $0x3  }
0x33: {  	p0 =	seq.s32 s10, $0x1;
	s10 =	sld [smem:$0x3FAF];
	_ =	sdelay $0x3  }
0x34: {  	[smem:$0x3FAF] =	sst s10  }
0x35: {  	s10 =	sld [smem:$0x3FAE];
	_ =	sdelay $0x3  }
0x36: {  	p1 =	seq.s32 s10, $0x1;
	s10 =	sld [smem:$0x3FAF];
	_ =	sdelay $0x3  }
0x37: {  	[smem:$0x3FAF] =	sst s10  }
0x38: {  	s10 =	sld [smem:$0x3FB0]  }
0x39: {  	_ = 	snop;
	(pc) =	sbr.ind lr, $3  }
0x3a: {  	_ = 	snop  }
0x3b: {  	_ = 	snop  }
0x3c: {  	p2 =	seq.s32 s10, $0x1;
	s10 =	sld [smem:$0x3FAF]  }
0x3d: {  	_ =	shalt  }
0x3e: {  	_ =	shalt  }
0x3f: {  	_ =	shalt  }
0x40: {  	_ =	shalt  }
0x41: {  	_ =	shalt  }
0x42: {  	_ =	shalt  }
0x43: {  	_ =	shalt  }
0x44: {  	_ =	shalt  }
0x45: {  	_ =	shalt  }
0x46: {  	_ =	shalt  }
0x47: {  	_ =	shalt  }
0x48: {  	_ =	shalt  }
0x49: {  	_ =	shalt  }
0x4a: {  	_ =	shalt  }
0x4b: {  	_ =	shalt  }
0x4c: {  	_ =	shalt  }
0x4d: {  	_ =	shalt  }
0x4e: {  	_ =	shalt  }
0x4f: {  	_ =	shalt  }
0x50: {  	_ =	shalt  }
0x51: {  	_ =	shalt  }
0x52: {  	_ =	shalt  }
0x53: {  	_ =	shalt  }
0x54: {  	_ =	shalt  }
0x55: {  	_ =	shalt  }
0x56: {  	_ =	shalt  }
0x57: {  	_ =	shalt  }
0x58: {  	_ =	shalt  }
0x59: {  	_ =	shalt  }
0x5a: {  	_ =	shalt  }
0x5b: {  	_ =	shalt  }
0x5c: {  	_ =	shalt  }
0x5d: {  	_ =	shalt  }
0x5e: {  	_ =	shalt  }
0x5f: {  	_ =	shalt  }
0x60: {  	_ =	shalt  }
0x61: {  	_ =	shalt  }
0x62: {  	_ =	shalt  }
0x63: {  	_ =	shalt  }
0x64: {  	_ =	shalt  }
0x65: {  	_ =	shalt  }
0x66: {  	_ =	shalt  }
0x67: {  	_ =	shalt  }
0x68: {  	_ =	shalt  }
0x69: {  	_ =	shalt  }
0x6a: {  	_ =	shalt  }
0x6b: {  	_ =	shalt  }
0x6c: {  	_ =	shalt  }
0x6d: {  	_ =	shalt  }
0x6e: {  	_ =	shalt  }
0x6f: {  	_ =	shalt  }
0x70: {  	_ =	shalt  }
0x71: {  	_ =	shalt  }
0x72: {  	_ =	shalt  }
0x73: {  	_ =	shalt  }
0x74: {  	_ =	shalt  }
0x75: {  	_ =	shalt  }
0x76: {  	_ =	shalt  }
0x77: {  	_ =	shalt  }
0x78: {  	_ =	shalt  }
0x79: {  	_ =	shalt  }
0x7a: {  	_ =	shalt  }
0x7b: {  	_ =	shalt  }
0x7c: {  	_ =	shalt  }
0x7d: {  	_ =	shalt  }
0x7e: {  	_ =	shalt  }
0x7f: {  	_ =	shalt  }
0x80: {  	_ =	shalt  }
0x81: {  	_ =	shalt  }
0x82: {  	_ =	shalt  }
0x83: {  	_ =	shalt  }
0x84: {  	_ =	shalt  }
0x85: {  	_ =	shalt  }
0x86: {  	_ =	shalt  }
0x87: {  	_ =	shalt  }
.Lfunc_end0:
.L_simem_size_0:
called_computation_lowered:
.L_overlay_start_0:
0x88: {  	s2 =	sld [smem:$0x3FD9]  }
0x89: {  	s3 =	sld [smem:$0x3FFE];
	_ =	sdelay $0x1  }
0x8a: {  	s1 =	srdreg.scid  }
0x8b: {  	s0 =	sand.u32 $0x1, s1  }
0x8c: {  	s16 =	sshll.u32 s0, $0xA;
	s2 =	sadd.s32 s3, s2  }
0x8d: {  	s2 =	sadd.s32 s2, s16  }
0x8e: {  	[smem:$0x3FBB] =	sst s2  }
0x8f: {  	_ = 	snop  }
0x90: {  	(tm) =	ssettm $0x1  }
0x91: {  	s17 =	sld [smem:$0x3FFB];
	_ =	sdelay $0x3  }
0x92: {  	_ =	strace s17  }
0x93: {  	s2 =	sld [smem:$0x3FFC];
	_ =	sdelay $0x3  }
0x94: {  	_ =	strace s2  }
0x95: {  	s2 =	sld [smem:$0x3FFD];
	_ =	sdelay $0x3  }
0x96: {  	_ =	strace s2  }
0x97: {  	_ =	strace $0x8FFFFFFF  }
0x98: {  	s18 =	sld [smem:$0x3FDB];
	_ =	sdelay $0x1  }
0x99: {  	s19 =	simm.s32 $_scs_section_size  }
0x9a: {  	s4 =	simm.s32 $_size__tile_overlayer_lowered;
	s5 =	simm.s32 $_tile_overlayer_lowered  }
0x9b: {  	s22 =	simm.s32 $0x1BFF;
	s21 =	sshll.u32 s5, $0x1;
	s2 =	sadd.s32 s19, s18  }
0x9c: {  	s6 =	simm.s32 $0x0;
	s20 =	sshll.u32 s4, $0x1;
	s4 =	sadd.s32 s21, s2  }
0x9d: {  	[timem:s6], [sflag:s22] =	dma.local [hbm:s4], s20  }
0x9e: {  	_ =	swait.ge [sflag:s22], s20  }
0x9f: {  	s3 =	ssub.s32 $0x0, s20;
	[sflag:s22] =	ssyncset.done $0x0  }
0xa0: {  	[sflag:s22] =	ssyncadd.s32 s3;
	_ =	sdelay $0x1  }
0xa1: {  	s23 =	simm.s32 $0x1B8B  }
0xa2: {  	_ =	swait.ge [sflag:s23], $0x1  }
0xa3: {  	[sflag:s23] =	ssyncset.done $0x0  }
0xa4: {  	s25 =	simm.s32 $0x1B8E;
	s24 =	sld [smem:$0x3FFE];
	[sflag:s23] =	ssyncadd.s32 $0xFFFFFFFF  }
0xa5: {  	s26 =	simm.s32 $execute0_lowered;
	[smem:$0x3FD2] =	sst s25  }
0xa6: {  	s4 =	sshll.u32 s26, $0x1;
	_ =	strace $0x80000046;
	[dreg:$0x1] =	wrdreg $0xFFFFFFFF  }
0xa7: {  	s28 =	simm.s32 $_size_execute0_lowered;
	s2 =	sadd.s32 s2, s4;
	[dreg:$0x0] =	wrdreg $0x0  }
0xa8: {  	s4 =	sshll.u32 s28, $0x1;
	[dreg:$0x2] =	wrdreg s2  }
0xa9: {  	[dreg:$0x3] =	wrdreg s4  }
0xaa: {  	[dreg:$0x4] =	wrdreg $0xC0  }
0xab: {  	_ =	task [dreg:s6], $0x5FFFF  }
0xac: {  	[dreg:$0x1] =	wrdreg $0xFFFFFFFF  }
0xad: {  	[dreg:$0x0] =	wrdreg $0x60  }
0xae: {  	[dreg:$0x2] =	wrdreg s24  }
0xaf: {  	[dreg:$0x3] =	wrdreg $0x68000  }
0xb0: {  	[dreg:$0x4] =	wrdreg $0x9  }
0xb1: {  	_ =	task.clear_ibuf [dreg:s6], $0x5FFFF;
	_ =	strace $0x90000046  }
0xb2: {  	s29 =	simm.s32 $0x9;
	_ =	strace $0x80000048  }
0xb3: {  	_ =	swait.ge [sflag:s29], $0x1  }
0xb4: {  	[sflag:s29] =	ssyncadd.s32 $0xFFFFFFFF  }
0xb5: {  	_ =	strace $0x90000048  }
0xb6: {  	_ =	sfence  }
0xb7: {  	s30 =	sld [smem:$0x0];
	_ =	sdelay $0x2  }
0xb8: {  	s31 =	sshll.u32 s1, $0xD;
	s1 =	sshrl.u32 s1, $0x2  }
0xb9: {  	s3 =	sand.u32 $0x4000, s31;
	s1 =	sadd.s32 s1, s30  }
0xba: {  	s0 =	sor.u32 s3, s0;
	s1 =	sshll.u32 s1, $0x11  }
0xbb: {  	s0 =	sor.u32 s1, s0  }
0xbc: {  	s0 =	sadd.s32 $0x8F2B, s0  }
0xbd: {  	[sflag:s0] =	ssyncadd.remote.s32 $0x1  }
0xbe: {  	_ =	sfence.sel $0xFFFF  }
0xbf: {  	[dreg:$0x0] =	wrdreg $0xFFFFFFFF;
	(pc) =	sbr.abs _section_cstart, $3  }
0xc0: {  	[dreg:$0x1] =	wrdreg $0xFFFFFFFF  }
0xc1: {  	_ =	task.clear_ibuf [dreg:s6], $0x2FFFF;
	_ =	strace $0x9FFFFFFF  }
0xc2: {  	(tm) =	ssettm $0x7FFFFFFF  }
0xc3: {  	_ =	shalt  }
tec
execute0_lowered:
.L_overlay_start_1:
0x0: {  	(tag) =	ssettag $0x1  }
0x1: {  	s4 =	rddreg [dreg:$0x0]  }
0x2: {  	s1 =	srdreg.scid;
	s0 =	stileid.u32  }
0x3: {  	s2 =	rddreg [dreg:$0x1];
	s3 =	simm.s32 $0x0;
	s19 =	simm.s32 $0x0  }
0x4: {  	s6 =	sand.u32 $0x1, s1;
	s1 =	rddreg [dreg:$0x2];
	s8 =	smul.u32 $0x50000, s0  }
0x5: {  	s5 =	sshll.u32 s0, $0x1;
	[smem:$0x7FF] =	sst s3;
	s9 =	smul.u32 $0x14000, s0  }
0x6: {  	s14 =	sadd.s32 $0x17800, s4;
	s5 =	sor.u32 s6, s5;
	s12 =	smul.u32 $0x140000, s6  }
0x7: {  	_ =	strace $0x80000047;
	s7 =	ssub.s32 $0x2, s6;
	s5 =	smul.u32 $0x500, s5  }
0x8: {  	s28 =	sshrl.u32 s7, $0x1;
	s29 =	sshrl.u32 s8, $0x2;
	s10 =	sadd.s32 $0x4000, s9  }
0x9: {  	s13 =	sadd.s32 $0x8000, s9;
	s16 =	sadd.s32 $0xC000, s9;
	s17 =	sadd.s32 $0x10000, s9  }
0xa: {  	s15 =	ssub.s32 s7, s28;
	s6 =	sadd.s32 s10, s2;
	s7 =	sadd.s32 s13, s2  }
0xb: {  	s8 =	sadd.s32 s16, s2;
	s11 =	sadd.s32 s9, s12;
	s18 =	sadd.s32 s12, s10  }
0xc: {  	s9 =	sadd.s32 s17, s2;
	s13 =	sadd.s32 s12, s13;
	s16 =	sadd.s32 s12, s16  }
0xd: {  	s17 =	sadd.s32 s12, s17;
	s5 =	sadd.s32 s5, s4;
	s11 =	sshrl.u32 s11, $0x3  }
0xe: {  	s30 =	sshrl.u32 s18, $0x3;
	s13 =	sshrl.u32 s13, $0x3;
	s16 =	sshrl.u32 s16, $0x3  }
0xf: {  	s31 =	sshrl.u32 s17, $0x3;
	s15 =	smax.u32 s15, $0x1;
	s17 =	simm.s32 $0x2800  }
0x10: {  	s18 =	simm.s32 $0x80;
	s4 =	sadd.s32 $0xD800, s5;
	s5 =	sadd.s32 s29, s2  }
0x11: {  	s10 =	sadd.s32 s14, s11;
	s11 =	sadd.s32 s14, s30;
	s12 =	sadd.s32 s14, s13  }
0x12: {  	v0 =	vimm.f32 $0.0e+00;
	v1 =	vimm.f32 $1.000000000e+00;
	s13 =	sadd.s32 s14, s16;
	s14 =	sadd.s32 s14, s31;
	s16 =	simm.s32 $0x1  }
.LBB2_1:
0x13: {  	[tilespmem:s3], [sflag:$0x1] =	stream.linear.gather [hbm4b:s4+s3], $0x2800, $0x38;
	[tilespmem:$0x1A800] =	vst v63  }
0x14: {  	_ =	swait.ge [sflag:s16], $0x2800  }
0x15: {  	[sflag:s16] =	ssyncset.done $0x0  }
0x16: {  	s20 =	simm.s32 $0x0;
	s21 =	simm.s32 $0x200;
	[sflag:s16] =	ssyncadd.s32 $0xFFFFD800  }
.LBB2_2:
0x17: {  	p0 =	sne.s32 s21, $0xFE00;
	[tilespmem:s20+$0x2870] =	vst v0  }
0x18: {  	[tilespmem:s20+$0x2800] =	vst v0  }
0x19: {  	[tilespmem:s20+$0x2810] =	vst v0  }
.Ltmp0:
0x1a: {  	[tilespmem:s20+$0x2820] =	vst v0;
	(pc) =	sbr.rel @p0 .LBB2_2-.Ltmp0, $4  }
0x1b: {  	[tilespmem:s20+$0x2830] =	vst v0  }
0x1c: {  	[tilespmem:s20+$0x2840] =	vst v0  }
0x1d: {  	[tilespmem:s20+$0x2850] =	vst v0  }
0x1e: {  	[tilespmem:s20+$0x2860] =	vst v0;
	s20 =	sshra.s32 s21, $0x2;
	s21 =	sadd.s32 $0x200, s21  }
0x1f: {  	[tilespmem:s20+$0x2870] =	vst v0  }
0x20: {  	[tilespmem:s20+$0x2800] =	vst v0  }
0x21: {  	[tilespmem:s20+$0x2810] =	vst v0  }
0x22: {  	[tilespmem:s20+$0x2820] =	vst v0  }
0x23: {  	[tilespmem:s20+$0x2830] =	vst v0  }
0x24: {  	[tilespmem:s20+$0x2840] =	vst v0  }
0x25: {  	[tilespmem:s20+$0x2850] =	vst v0  }
0x26: {  	[tilespmem:s20+$0x2860] =	vst v0  }
0x27: {  	[spmem:s5] =	stream.linear.scatter [tilespmem:s17], [sflag:$0x1], $0x4000, $0x38;
	[tilespmem:$0x1A800] =	vst v63  }
0x28: {  	_ =	swait.ge [sflag:s16], $0x4000  }
0x29: {  	[sflag:s16] =	ssyncset.done $0x0  }
0x2a: {  	[sflag:s16] =	ssyncadd.s32 $0xFFFFC000  }
0x2b: {  	[spmem:s6] =	stream.linear.scatter [tilespmem:s17], [sflag:$0x1], $0x4000, $0x38;
	[tilespmem:$0x1A800] =	vst v63  }
0x2c: {  	_ =	swait.ge [sflag:s16], $0x4000  }
0x2d: {  	[sflag:s16] =	ssyncset.done $0x0  }
0x2e: {  	[sflag:s16] =	ssyncadd.s32 $0xFFFFC000  }
0x2f: {  	[spmem:s7] =	stream.linear.scatter [tilespmem:s17], [sflag:$0x1], $0x4000, $0x38;
	[tilespmem:$0x1A800] =	vst v63  }
0x30: {  	_ =	swait.ge [sflag:s16], $0x4000  }
0x31: {  	[sflag:s16] =	ssyncset.done $0x0  }
0x32: {  	[sflag:s16] =	ssyncadd.s32 $0xFFFFC000  }
0x33: {  	[spmem:s8] =	stream.linear.scatter [tilespmem:s17], [sflag:$0x1], $0x4000, $0x38;
	[tilespmem:$0x1A800] =	vst v63  }
0x34: {  	_ =	swait.ge [sflag:s16], $0x4000  }
0x35: {  	[sflag:s16] =	ssyncset.done $0x0  }
0x36: {  	[sflag:s16] =	ssyncadd.s32 $0xFFFFC000  }
0x37: {  	[spmem:s9] =	stream.linear.scatter [tilespmem:s17], [sflag:$0x1], $0x4000, $0x38;
	[tilespmem:$0x1A800] =	vst v63  }
0x38: {  	_ =	swait.ge [sflag:s16], $0x4000  }
0x39: {  	[sflag:s16] =	ssyncset.done $0x0  }
0x3a: {  	[sflag:s16] =	ssyncadd.s32 $0xFFFFC000  }
0x3b: {  	s20 =	simm.s32 $0x0;
	s21 =	simm.s32 $0x200;
	[bflag:$0x0] =	sbarrier.arrive $0xFFFF  }
.LBB2_4:
0x3c: {  	p0 =	sne.s32 s21, $0xFE00;
	[tilespmem:s20+$0x2870] =	vst v1  }
0x3d: {  	[tilespmem:s20+$0x2800] =	vst v1  }
0x3e: {  	[tilespmem:s20+$0x2810] =	vst v1  }
.Ltmp1:
0x3f: {  	[tilespmem:s20+$0x2820] =	vst v1;
	(pc) =	sbr.rel @p0 .LBB2_4-.Ltmp1, $4  }
0x40: {  	[tilespmem:s20+$0x2830] =	vst v1  }
0x41: {  	[tilespmem:s20+$0x2840] =	vst v1  }
0x42: {  	[tilespmem:s20+$0x2850] =	vst v1  }
0x43: {  	[tilespmem:s20+$0x2860] =	vst v1;
	s20 =	sshra.s32 s21, $0x2;
	s21 =	sadd.s32 $0x200, s21  }
0x44: {  	[tilespmem:s20+$0x2870] =	vst v1  }
0x45: {  	[tilespmem:s20+$0x2800] =	vst v1  }
0x46: {  	[tilespmem:s20+$0x2810] =	vst v1  }
0x47: {  	[tilespmem:s20+$0x2820] =	vst v1  }
0x48: {  	[tilespmem:s20+$0x2830] =	vst v1  }
0x49: {  	[tilespmem:s20+$0x2840] =	vst v1  }
0x4a: {  	[tilespmem:s20+$0x2850] =	vst v1  }
0x4b: {  	[tilespmem:s20+$0x2860] =	vst v1;
	s31 =	simm.s32 $0x0  }
0x4c: {  	[spmem:s2] =	stream.indirect.scatter.add.f32 [tilespmem:s17], [sflag:$0x1], $0x80, s31, s18, $0xb8;
	[tilespmem:$0x1A800] =	vst v63  }
0x4d: {  	_ =	swait.ge [sflag:s16], $0x4000  }
0x4e: {  	s20 =	simm.s32 $0x200;
	[sflag:s16] =	ssyncset.done $0x0  }
.LBB2_6:
0x4f: {  	s21 =	sshra.s32 s20, $0x2;
	[sflag:s16] =	ssyncadd.s32 $0xFFFFC000;
	p0 =	sne.s32 s20, $0x9E00  }
0x50: {  	[spmem:s2] =	stream.indirect.scatter.add.f32 [tilespmem:s17], [sflag:$0x1], $0x80, s21, s18, $0xb8;
	[tilespmem:$0x1A800] =	vst v63  }
.Ltmp2:
0x51: {  	_ = 	snop;
	(pc) =	sbr.rel @p0 .LBB2_6-.Ltmp2, $4  }
0x52: {  	_ = 	snop  }
0x53: {  	s20 =	sadd.s32 $0x200, s20  }
0x54: {  	_ =	swait.ge [sflag:s16], $0x4000  }
0x55: {  	[sflag:s16] =	ssyncset.done $0x0  }
0x56: {  	[sflag:s16] =	ssyncadd.s32 $0xFFFFC000;
	s20 =	sshll.u32 s0, $0x6  }
0x57: {  	s21 =	sshrl.u32 s5, $0x3;
	[bflag:$0x0] =	sbarrier.arrive $0xFFFF;
	s20 =	sor.u32 $0x1C01, s20  }
0x58: {  	[hbm:s10], [sflag:s20] =	dma.local [spmem:s21], $0x800  }
0x59: {  	_ =	swait.ge [sflag:s16], $0x800  }
0x5a: {  	[sflag:s16] =	ssyncset.done $0x0  }
0x5b: {  	s28 =	sshrl.u32 s6, $0x3;
	[sflag:s16] =	ssyncadd.s32 $0xFFFFF800  }
0x5c: {  	[hbm:s11], [sflag:s20] =	dma.local [spmem:s28], $0x800  }
0x5d: {  	_ =	swait.ge [sflag:s16], $0x800  }
0x5e: {  	[sflag:s16] =	ssyncset.done $0x0  }
0x5f: {  	s29 =	sshrl.u32 s7, $0x3;
	[sflag:s16] =	ssyncadd.s32 $0xFFFFF800  }
0x60: {  	[hbm:s12], [sflag:s20] =	dma.local [spmem:s29], $0x800  }
0x61: {  	_ =	swait.ge [sflag:s16], $0x800  }
0x62: {  	[sflag:s16] =	ssyncset.done $0x0  }
0x63: {  	s30 =	sshrl.u32 s8, $0x3;
	[sflag:s16] =	ssyncadd.s32 $0xFFFFF800  }
0x64: {  	[hbm:s13], [sflag:s20] =	dma.local [spmem:s30], $0x800  }
0x65: {  	s19 =	sadd.s32 $0x1, s19;
	_ =	swait.ge [sflag:s16], $0x800  }
0x66: {  	p0 =	sne.s32 s19, s15;
	[sflag:s16] =	ssyncset.done $0x0  }
.Ltmp3:
0x67: {  	s31 =	sshrl.u32 s9, $0x3;
	[sflag:s16] =	ssyncadd.s32 $0xFFFFF800;
	(pc) =	sbr.rel @p0 .LBB2_1-.Ltmp3, $4  }
0x68: {  	[hbm:s14], [sflag:s20] =	dma.local [spmem:s31], $0x800  }
0x69: {  	_ =	swait.ge [sflag:s16], $0x800  }
0x6a: {  	[sflag:s16] =	ssyncset.done $0x0  }
0x6b: {  	[sflag:s16] =	ssyncadd.s32 $0xFFFFF800  }
0x6c: {  	_ =	sfence.sel $0x180000  }
0x6d: {  	[bflag:$0x0] =	sbarrier.arrive $0xFFFF  }
0x6e: {  	p0 =	sne.s32 s0, $0x0;
	_ =	strace $0x90000047  }
0x6f: {  	s0 =	sadd.s32 @!p0 $0x100000, s1;
	[bflag:$0x2] =	sbarrier.arrive $0xFFFF  }
0x70: {  	[sflag:s0] =	ssyncadd.tile.s32 @!p0 $0x1;
	_ =	shalt  }
.Lfunc_end2:
_tile_overlayer_lowered:
.L_overlay_start_2:
0x71: {  	(tag) =	ssettag $0x2  }
0x72: {  	s0 =	rddreg [dreg:$0x0];
	s2 =	stileid.u32  }
0x73: {  	s1 =	rddreg [dreg:$0x1];
	p0 =	sne.s32 s2, $0x0  }
0x74: {  	s3 =	rddreg [dreg:$0x2];
	[bflag:$0x3] =	sbarrier.arrive $0xFFFF;
	s2 =	simm.s32 @!p0 $0x1C01  }
0x75: {  	[timem:s3], [sflag:s2] =	dma.local @!p0 [hbm:s0], s1  }
0x76: {  	s0 =	simm.s32 @!p0 $0x1  }
0x77: {  	_ =	swait.ge @!p0 [sflag:s0], s1  }
0x78: {  	s1 =	ssub.s32 @!p0 $0x0, s1;
	[sflag:s0] =	ssyncset.done @!p0 $0x0  }
0x79: {  	[sflag:s0] =	ssyncadd.s32 @!p0 s1  }
0x7a: {  	[bflag:$0x3] =	sbarrier.arrive $0xFFFF  }
0x7b: {  	_ =	shalt  }

</sc_bundles>
